<compile_context>
chip_gen: v7x
topology: tpu7x:2x2x1
jax: 0.10.2.dev20260603
libtpu: 0.0.44.dev20260713+nightly
codegen_flags: <defaults>
</compile_context>

<pallas_src>
import functools

import jax
import jax.numpy as jnp
import numpy as np
from jax import lax
from jax.experimental import pallas as pl
from jax.experimental.pallas import tpu as pltpu
from jax.experimental.pallas import tpu_sc as plsc

N_NODES = 10000
N_EDGES = 320000
D_IN = 128
HID = 64
NODES_PER_GRAPH = 100
N_GRAPHS = N_NODES // NODES_PER_GRAPH
N_OUT = 10

NC = 2
NS = 16
NW = NC * NS

CHUNK = 128
N_ROWS = 2560
E_PAD = N_ROWS * CHUNK
ROWS_PER_WORKER = N_ROWS // NW
N_PAD = 12288
SLICE_PER_TILE = N_PAD // NS
DIS_PER_WORKER = N_PAD // NW
N_TRIM = 10048

_mesh = plsc.VectorSubcoreMesh(core_axis_name="c", subcore_axis_name="s")
_sc_params = pltpu.CompilerParams(use_tc_tiling_on_sc=False,
                                  needs_layout_passes=False)


def _rsqrt16(d):
    i = lax.bitcast_convert_type(d, jnp.int32)
    i = jnp.int32(0x5F3759DF) - (i >> 1)
    y = lax.bitcast_convert_type(i, jnp.float32)
    for _ in range(3):
        y = y * (1.5 - 0.5 * d * y * y)
    return y


@functools.partial(
    pl.kernel,
    out_type=jax.ShapeDtypeStruct((N_PAD, HID), jnp.float32),
    mesh=_mesh,
    scratch_types=[
        pltpu.VMEM((ROWS_PER_WORKER, CHUNK), jnp.int32),
        pltpu.VMEM((CHUNK,), jnp.float32),
        pltpu.VMEM((SLICE_PER_TILE,), jnp.float32),
        pltpu.VMEM((DIS_PER_WORKER, HID), jnp.float32),
        pltpu.VMEM_SHARED((N_PAD,), jnp.float32),
    ],
    compiler_params=_sc_params,
)
def _deg_dis(dst_hbm, disb_hbm, dst_v, ones_v, buf_v, disb_v, deg_sh):
    c = lax.axis_index("c")
    s = lax.axis_index("s")
    for i in range(CHUNK // 16):
        ones_v[pl.ds(i * 16, 16)] = jnp.full((16,), 1.0, jnp.float32)
    for i in range(SLICE_PER_TILE // 16):
        buf_v[pl.ds(i * 16, 16)] = jnp.zeros((16,), jnp.float32)
    pltpu.sync_copy(buf_v, deg_sh.at[pl.ds(s * SLICE_PER_TILE, SLICE_PER_TILE)])
    plsc.subcore_barrier()
    for g in range(2):
        pltpu.sync_copy(dst_hbm.at[2 * s + g], dst_v)

        def body(j, carry):
            pltpu.sync_copy(ones_v, deg_sh.at[dst_v.at[j]], add=True)
            return carry

        lax.fori_loop(0, ROWS_PER_WORKER, body, 0)
    plsc.subcore_barrier()
    w = c * NS + s
    pltpu.sync_copy(deg_sh.at[pl.ds(w * DIS_PER_WORKER, DIS_PER_WORKER)],
                    buf_v.at[pl.ds(0, DIS_PER_WORKER)])
    for i in range(DIS_PER_WORKER // 16):
        d = buf_v[pl.ds(i * 16, 16)] + 1.0
        buf_v[pl.ds(i * 16, 16)] = _rsqrt16(d)

    def bbody(r, carry):
        dvec = buf_v[pl.ds((r // 16) * 16, 16)]
        sel = jnp.where(lax.iota(jnp.int32, 16) == (r % 16), dvec, 0.0)
        v = jnp.zeros((16,), jnp.float32) + jnp.sum(sel)
        for k in range(HID // 16):
            disb_v[r, pl.ds(k * 16, 16)] = v
        return carry

    lax.fori_loop(0, DIS_PER_WORKER, bbody, 0)
    pltpu.sync_copy(disb_v,
                    disb_hbm.at[pl.ds(w * DIS_PER_WORKER, DIS_PER_WORKER)])


@functools.partial(
    pl.kernel,
    out_type=jax.ShapeDtypeStruct((NC * N_TRIM, HID), jnp.float32),
    mesh=_mesh,
    scratch_types=[
        pltpu.VMEM((ROWS_PER_WORKER, CHUNK), jnp.int32),
        pltpu.VMEM((ROWS_PER_WORKER, CHUNK), jnp.int32),
        pltpu.VMEM((4, CHUNK, HID), jnp.float32),
        pltpu.VMEM_SHARED((N_PAD, HID), jnp.float32),
        pltpu.SemaphoreType.DMA,
        pltpu.SemaphoreType.DMA,
        pltpu.SemaphoreType.DMA,
        pltpu.SemaphoreType.DMA,
    ],
    compiler_params=_sc_params,
)
def _agg(src_hbm, dst_hbm, hs_hbm, out_hbm, src_v, dst_v, rows_v, agg_sh,
         sem0, sem1, sem2, sem3):
    c = lax.axis_index("c")
    s = lax.axis_index("s")
    w = c * NS + s

    def zbody(r, carry):
        for k in range(HID // 16):
            rows_v[0, r, pl.ds(k * 16, 16)] = jnp.zeros((16,), jnp.float32)
        return carry

    lax.fori_loop(0, CHUNK, zbody, 0)
    for i in range(SLICE_PER_TILE // CHUNK):
        pltpu.sync_copy(rows_v.at[0],
                        agg_sh.at[pl.ds(s * SLICE_PER_TILE + i * CHUNK, CHUNK)])
    plsc.subcore_barrier()

    pltpu.sync_copy(src_hbm.at[w], src_v)
    pltpu.sync_copy(dst_hbm.at[w], dst_v)

    sems = (sem0, sem1, sem2, sem3)

    def gather(j, b):
        pltpu.async_copy(hs_hbm.at[src_v.at[j]], rows_v.at[b], sems[b])

    for b in range(4):
        gather(b, b)

    n_t = ROWS_PER_WORKER // 4

    def body(t, carry):
        for b in range(4):
            j = 4 * t + b
            pltpu.make_async_copy(hs_hbm.at[src_v.at[j]], rows_v.at[b],
                                  sems[b]).wait()
            pltpu.sync_copy(rows_v.at[b], agg_sh.at[dst_v.at[j]], add=True)

            @pl.when(t < n_t - 1)
            def _():
                gather(j + 4, b)

        return carry

    lax.fori_loop(0, n_t, body, 0)
    plsc.subcore_barrier()
    base = s * SLICE_PER_TILE

    @pl.when(s < N_TRIM // SLICE_PER_TILE)
    def _():
        pltpu.sync_copy(
            agg_sh.at[pl.ds(base, SLICE_PER_TILE)],
            out_hbm.at[pl.ds(c * N_TRIM + base, SLICE_PER_TILE)])

    @pl.when(s == N_TRIM // SLICE_PER_TILE)
    def _():
        pltpu.sync_copy(
            agg_sh.at[pl.ds(base, N_TRIM % SLICE_PER_TILE)],
            out_hbm.at[pl.ds(c * N_TRIM + base, N_TRIM % SLICE_PER_TILE)])


def _mm_body(x_ref, w_ref, h_ref):
    h_ref[...] = jnp.dot(x_ref[...], w_ref[...],
                         preferred_element_type=jnp.float32)


_mm = pl.pallas_call(
    _mm_body,
    out_shape=jax.ShapeDtypeStruct((N_NODES, HID), jnp.float32),
)


def _scale_body(h_ref, disb_ref, hs_ref):
    hs_ref[...] = h_ref[...] * disb_ref[0:N_NODES, :]


_scale = pl.pallas_call(
    _scale_body,
    out_shape=jax.ShapeDtypeStruct((N_NODES, HID), jnp.float32),
)


def _combine_body(sp_ref, hs_ref, disb_ref, b_ref, act_ref):
    ssum = sp_ref[0:N_NODES, :] + sp_ref[N_TRIM:N_TRIM + N_NODES, :]
    a = (ssum + hs_ref[...]) * disb_ref[0:N_NODES, :] + b_ref[...]
    act_ref[...] = jnp.maximum(a, 0.0)


_combine = pl.pallas_call(
    _combine_body,
    out_shape=jax.ShapeDtypeStruct((N_NODES, HID), jnp.float32),
)


def _head_body(a_ref, w_ref, b_ref, o_ref):
    logits = jnp.dot(a_ref[...], w_ref[...],
                     preferred_element_type=jnp.float32) + b_ref[...]
    m = jnp.max(logits, axis=1, keepdims=True)
    lse = jnp.log(jnp.sum(jnp.exp(logits - m), axis=1, keepdims=True)) + m
    o_ref[...] = logits - lse


_head = pl.pallas_call(
    _head_body,
    out_shape=jax.ShapeDtypeStruct((N_GRAPHS, N_OUT), jnp.float32),
)


_N_EXTRA = E_PAD - N_EDGES
_PAD_SRC = np.arange(_N_EXTRA, dtype=np.int32) % N_NODES
_PAD_DST = (N_NODES
            + np.arange(_N_EXTRA, dtype=np.int32) % (N_PAD - N_NODES))


def kernel(x, edge_index, W_gcn, b_gcn, W_lin, b_lin):
    src3d = jnp.concatenate([edge_index[0], _PAD_SRC]).reshape(
        NW, ROWS_PER_WORKER, CHUNK)
    dst3d = jnp.concatenate([edge_index[1], _PAD_DST]).reshape(
        NW, ROWS_PER_WORKER, CHUNK)
    h = _mm(x, W_gcn)
    dis_b = _deg_dis(dst3d)
    hs = _scale(h, dis_b)
    s_part = _agg(src3d, dst3d, hs)
    act = _combine(s_part, hs, dis_b, b_gcn)
    act2 = act.reshape(N_GRAPHS, HID * NODES_PER_GRAPH)
    return _head(act2, W_lin, b_lin)

# --- scband reference (transcript-rebuilt; emitter-appended) ---
"""Pipeline reference for scband-graph-classifier-7249904795690 (READ-ONLY COPY).

The authoritative reference and input builder live on the scoring server;
editing this copy changes nothing except your own understanding.
"""

import jax, jax.numpy as jnp
import numpy as np

N = 10000
E = 320000
D_IN = 128
H = 64
NPG = 100
OUT = 10


def setup_inputs(seed: int = 0) -> dict:
    key = jax.random.key(seed)
    k1, k2, k3, k4, k5 = jax.random.split(key, 5)
    x = jax.random.normal(k1, (N, D_IN), dtype=jnp.float32)
    edge_index = jax.random.randint(k2, (2, E), 0, N, dtype=jnp.int32)
    W_gcn = jax.random.normal(k3, (D_IN, H), dtype=jnp.float32) * (1.0 / np.sqrt(D_IN))
    b_gcn = jnp.zeros((H,), dtype=jnp.float32)
    W_lin = jax.random.normal(k4, (H * NPG, OUT), dtype=jnp.float32) * (1.0 / np.sqrt(H * NPG))
    b_lin = jax.random.normal(k5, (OUT,), dtype=jnp.float32) * 0.01
    return {"x": x, "edge_index": edge_index, "W_gcn": W_gcn, "b_gcn": b_gcn, "W_lin": W_lin, "b_lin": b_lin}


def _gcn_conv(x, edge_index, W, b):
    # GCNConv: add self-loops, symmetric normalization, linear transform, scatter-add aggregation
    src = edge_index[0]
    dst = edge_index[1]
    loop = jnp.arange(N, dtype=src.dtype)
    src = jnp.concatenate([src, loop])
    dst = jnp.concatenate([dst, loop])
    deg = jnp.zeros((N,), dtype=x.dtype).at[dst].add(1.0)
    deg_inv_sqrt = jnp.where(deg > 0, jax.lax.rsqrt(jnp.maximum(deg, 1e-12)), 0.0)
    norm = deg_inv_sqrt[src] * deg_inv_sqrt[dst]
    h = x @ W
    msg = h[src] * norm[:, None]
    agg = jax.ops.segment_sum(msg, dst, num_segments=N)
    return agg + b


def reference(x, edge_index, W_gcn, b_gcn, W_lin, b_lin):
    h = _gcn_conv(x, edge_index, W_gcn, b_gcn)
    h = jax.nn.relu(h)
    h = jnp.reshape(h, (-1, H * NPG))
    logits = h @ W_lin + b_lin
    return jax.nn.log_softmax(logits, axis=1)

if __name__ == "__main__":
    import jax
    _d = setup_inputs()
    print(jax.jit(kernel)(*tuple(_d.values())))

</pallas_src>

<mosaic_0001>
#map = affine_map<(d0, d1) -> (0, 0, 0)>
#map1 = affine_map<(d0, d1) -> (0, 0)>
module attributes {stable_mosaic.version = 14 : i64} {
  func.func @_agg(%arg0: i32, %arg1: i32, %arg2: memref<32x80x128xi32, #tpu.memory_space<hbm>>, %arg3: memref<32x80x128xi32, #tpu.memory_space<hbm>>, %arg4: memref<10000x64xf32, #tpu.memory_space<hbm>>, %arg5: memref<20096x64xf32, #tpu.memory_space<hbm>>, %arg6: memref<80x128xi32, #tpu.memory_space<vmem>>, %arg7: memref<80x128xi32, #tpu.memory_space<vmem>>, %arg8: memref<4x128x64xf32, #tpu.memory_space<vmem>>, %arg9: memref<12288x64xf32, #tpu.memory_space<vmem_shared>>, %arg10: memref<!tpu.dma_semaphore, #tpu.memory_space<semaphore_mem>>, %arg11: memref<!tpu.dma_semaphore, #tpu.memory_space<semaphore_mem>>, %arg12: memref<!tpu.dma_semaphore, #tpu.memory_space<semaphore_mem>>, %arg13: memref<!tpu.dma_semaphore, #tpu.memory_space<semaphore_mem>>) attributes {dimension_semantics = [#tpu.dimension_semantics<core_parallel>, #tpu.dimension_semantics<subcore_parallel>], iteration_bounds = array<i64: 2, 16>, scalar_prefetch = 0 : i64, scratch_operands = 8 : i64, tpu.core_type = #tpu.core_type<sc_vector_subcore>, window_params = [{transform_indices = #map}, {transform_indices = #map}, {transform_indices = #map1}, {transform_indices = #map1}]} {
    %mul3A = arith.constant 16 : i32
    %mul3A_0 = arith.muli %arg0, %mul3A : i32
    %add3A = arith.addi %mul3A_0, %arg1 : i32
    %scan3A = arith.constant 0 : i32
    %scan3A_1 = arith.constant 0 : i32
    %scan3A_2 = arith.constant 128 : i32
    %scan3A_3 = arith.addi %scan3A_1, %scan3A_2 : i32
    %scan3A_4 = arith.constant 1 : i32
    scf.for %scan3A_97 = %scan3A_1 to %scan3A_3 step %scan3A_4  : i32 {
      %broadcast_in_dim3A = arith.constant 0.000000e+00 : f32
      %broadcast_in_dim3A_98 = vector.broadcast %broadcast_in_dim3A : f32 to vector<16xf32>
      %swap3A = arith.constant 0 : i32
      %swap3A_99 = arith.index_cast %swap3A : i32 to index
      %swap3A_100 = arith.index_cast %scan3A_97 : i32 to index
      %swap3A_101 = arith.constant 0 : index
      %swap3A_102 = tpu.vector_load %arg8[%swap3A_99, %swap3A_100, %swap3A_101] {strides = array<i32>} : memref<4x128x64xf32, #tpu.memory_space<vmem>>, vector<16xf32>,
      tpu.vector_store %arg8[%swap3A_99, %swap3A_100, %swap3A_101], %broadcast_in_dim3A_98 {strides = array<i32>} : memref<4x128x64xf32, #tpu.memory_space<vmem>>, vector<16xf32>,
      %broadcast_in_dim3A_103 = arith.constant 0.000000e+00 : f32
      %broadcast_in_dim3A_104 = vector.broadcast %broadcast_in_dim3A_103 : f32 to vector<16xf32>
      %swap3A_105 = arith.constant 0 : i32
      %swap3A_106 = arith.index_cast %swap3A_105 : i32 to index
      %swap3A_107 = arith.index_cast %scan3A_97 : i32 to index
      %swap3A_108 = arith.constant 16 : index
      %swap3A_109 = tpu.vector_load %arg8[%swap3A_106, %swap3A_107, %swap3A_108] {strides = array<i32>} : memref<4x128x64xf32, #tpu.memory_space<vmem>>, vector<16xf32>,
      tpu.vector_store %arg8[%swap3A_106, %swap3A_107, %swap3A_108], %broadcast_in_dim3A_104 {strides = array<i32>} : memref<4x128x64xf32, #tpu.memory_space<vmem>>, vector<16xf32>,
      %broadcast_in_dim3A_110 = arith.constant 0.000000e+00 : f32
      %broadcast_in_dim3A_111 = vector.broadcast %broadcast_in_dim3A_110 : f32 to vector<16xf32>
      %swap3A_112 = arith.constant 0 : i32
      %swap3A_113 = arith.index_cast %swap3A_112 : i32 to index
      %swap3A_114 = arith.index_cast %scan3A_97 : i32 to index
      %swap3A_115 = arith.constant 32 : index
      %swap3A_116 = tpu.vector_load %arg8[%swap3A_113, %swap3A_114, %swap3A_115] {strides = array<i32>} : memref<4x128x64xf32, #tpu.memory_space<vmem>>, vector<16xf32>,
      tpu.vector_store %arg8[%swap3A_113, %swap3A_114, %swap3A_115], %broadcast_in_dim3A_111 {strides = array<i32>} : memref<4x128x64xf32, #tpu.memory_space<vmem>>, vector<16xf32>,
      %broadcast_in_dim3A_117 = arith.constant 0.000000e+00 : f32
      %broadcast_in_dim3A_118 = vector.broadcast %broadcast_in_dim3A_117 : f32 to vector<16xf32>
      %swap3A_119 = arith.constant 0 : i32
      %swap3A_120 = arith.index_cast %swap3A_119 : i32 to index
      %swap3A_121 = arith.index_cast %scan3A_97 : i32 to index
      %swap3A_122 = arith.constant 48 : index
      %swap3A_123 = tpu.vector_load %arg8[%swap3A_120, %swap3A_121, %swap3A_122] {strides = array<i32>} : memref<4x128x64xf32, #tpu.memory_space<vmem>>, vector<16xf32>,
      tpu.vector_store %arg8[%swap3A_120, %swap3A_121, %swap3A_122], %broadcast_in_dim3A_118 {strides = array<i32>} : memref<4x128x64xf32, #tpu.memory_space<vmem>>, vector<16xf32>,
    }
    %scan3A_5 = arith.constant 128 : i32
    %mul3A_6 = arith.constant 768 : i32
    %mul3A_7 = arith.muli %arg1, %mul3A_6 : i32
    %add3A_8 = arith.constant 0 : i32
    %add3A_9 = arith.addi %mul3A_7, %add3A_8 : i32
    %run_scoped3A = arith.constant 0 : i32
    "tpu.region"() ({
      %run_scoped3A_97 = tpu.sem_alloc : memref<!tpu.dma_semaphore, #tpu.memory_space<semaphore_mem>>
      %dma_start3A_98 = arith.constant 0 : i32
      %dma_start3A_99 = arith.constant 0 : i32
      %dma_start3A_100 = tpu.memref_slice %arg8[%run_scoped3A, %dma_start3A_98, %dma_start3A_99] : memref<4x128x64xf32, #tpu.memory_space<vmem>> -> memref<1x128x64xf32, #tpu.memory_space<vmem>>
      %dma_start3A_101 = tpu.memref_squeeze %dma_start3A_100 : memref<1x128x64xf32, #tpu.memory_space<vmem>> -> memref<128x64xf32, #tpu.memory_space<vmem>>
      %dma_start3A_102 = arith.constant 0 : i32
      %dma_start3A_103 = tpu.memref_slice %arg9[%add3A_9, %dma_start3A_102] : memref<12288x64xf32, #tpu.memory_space<vmem_shared>> -> memref<128x64xf32, #tpu.memory_space<vmem_shared>>
      %dma_start3A_104 = arith.constant 0 : i32
      %dma_start3A_105 = tpu.memref_slice %arg9[%add3A_9, %dma_start3A_104] : memref<12288x64xf32, #tpu.memory_space<vmem_shared>> -> memref<128x64xf32, #tpu.memory_space<vmem_shared>>
      %dma_start3A_106 = arith.constant 0 : i32
      %dma_start3A_107 = arith.constant 0 : i32
      %dma_start3A_108 = tpu.memref_slice %arg8[%run_scoped3A, %dma_start3A_106, %dma_start3A_107] : memref<4x128x64xf32, #tpu.memory_space<vmem>> -> memref<1x128x64xf32, #tpu.memory_space<vmem>>
      %dma_start3A_109 = tpu.memref_squeeze %dma_start3A_108 : memref<1x128x64xf32, #tpu.memory_space<vmem>> -> memref<128x64xf32, #tpu.memory_space<vmem>>
      tpu.enqueue_dma source(%dma_start3A_109 : memref<128x64xf32, #tpu.memory_space<vmem>>) target(%dma_start3A_105 : memref<128x64xf32, #tpu.memory_space<vmem_shared>>) target_semaphore(%run_scoped3A_97 : memref<!tpu.dma_semaphore, #tpu.memory_space<semaphore_mem>>)
      %dma_wait3A = arith.constant 0 : i32
      %dma_wait3A_110 = arith.constant 0 : i32
      %dma_wait3A_111 = tpu.memref_slice %arg8[%run_scoped3A, %dma_wait3A, %dma_wait3A_110] : memref<4x128x64xf32, #tpu.memory_space<vmem>> -> memref<1x128x64xf32, #tpu.memory_space<vmem>>
      %dma_wait3A_112 = tpu.memref_squeeze %dma_wait3A_111 : memref<1x128x64xf32, #tpu.memory_space<vmem>> -> memref<128x64xf32, #tpu.memory_space<vmem>>
      %dma_wait3A_113 = arith.constant 0 : i32
      %dma_wait3A_114 = tpu.memref_slice %arg9[%add3A_9, %dma_wait3A_113] : memref<12288x64xf32, #tpu.memory_space<vmem_shared>> -> memref<128x64xf32, #tpu.memory_space<vmem_shared>>
      %dma_wait3A_115 = arith.constant 0 : i32
      %dma_wait3A_116 = tpu.memref_slice %arg9[%add3A_9, %dma_wait3A_115] : memref<12288x64xf32, #tpu.memory_space<vmem_shared>> -> memref<128x64xf32, #tpu.memory_space<vmem_shared>>
      %dma_wait3A_117 = arith.constant 0 : i32
      %dma_wait3A_118 = arith.constant 0 : i32
      %dma_wait3A_119 = tpu.memref_slice %arg8[%run_scoped3A, %dma_wait3A_117, %dma_wait3A_118] : memref<4x128x64xf32, #tpu.memory_space<vmem>> -> memref<1x128x64xf32, #tpu.memory_space<vmem>>
      %dma_wait3A_120 = tpu.memref_squeeze %dma_wait3A_119 : memref<1x128x64xf32, #tpu.memory_space<vmem>> -> memref<128x64xf32, #tpu.memory_space<vmem>>
      tpu.wait_dma2 semaphore(%run_scoped3A_97 : memref<!tpu.dma_semaphore, #tpu.memory_space<semaphore_mem>>) src(%dma_wait3A_120 : memref<128x64xf32, #tpu.memory_space<vmem>>) dst(%dma_wait3A_116 : memref<128x64xf32, #tpu.memory_space<vmem_shared>>)
      tpu.yield
    }) : () -> ()
    %mul3A_10 = arith.constant 768 : i32
    %mul3A_11 = arith.muli %arg1, %mul3A_10 : i32
    %add3A_12 = arith.constant 128 : i32
    %add3A_13 = arith.addi %mul3A_11, %add3A_12 : i32
    %run_scoped3A_14 = arith.constant 0 : i32
    "tpu.region"() ({
      %run_scoped3A_97 = tpu.sem_alloc : memref<!tpu.dma_semaphore, #tpu.memory_space<semaphore_mem>>
      %dma_start3A_98 = arith.constant 0 : i32
      %dma_start3A_99 = arith.constant 0 : i32
      %dma_start3A_100 = tpu.memref_slice %arg8[%run_scoped3A_14, %dma_start3A_98, %dma_start3A_99] : memref<4x128x64xf32, #tpu.memory_space<vmem>> -> memref<1x128x64xf32, #tpu.memory_space<vmem>>
      %dma_start3A_101 = tpu.memref_squeeze %dma_start3A_100 : memref<1x128x64xf32, #tpu.memory_space<vmem>> -> memref<128x64xf32, #tpu.memory_space<vmem>>
      %dma_start3A_102 = arith.constant 0 : i32
      %dma_start3A_103 = tpu.memref_slice %arg9[%add3A_13, %dma_start3A_102] : memref<12288x64xf32, #tpu.memory_space<vmem_shared>> -> memref<128x64xf32, #tpu.memory_space<vmem_shared>>
      %dma_start3A_104 = arith.constant 0 : i32
      %dma_start3A_105 = tpu.memref_slice %arg9[%add3A_13, %dma_start3A_104] : memref<12288x64xf32, #tpu.memory_space<vmem_shared>> -> memref<128x64xf32, #tpu.memory_space<vmem_shared>>
      %dma_start3A_106 = arith.constant 0 : i32
      %dma_start3A_107 = arith.constant 0 : i32
      %dma_start3A_108 = tpu.memref_slice %arg8[%run_scoped3A_14, %dma_start3A_106, %dma_start3A_107] : memref<4x128x64xf32, #tpu.memory_space<vmem>> -> memref<1x128x64xf32, #tpu.memory_space<vmem>>
      %dma_start3A_109 = tpu.memref_squeeze %dma_start3A_108 : memref<1x128x64xf32, #tpu.memory_space<vmem>> -> memref<128x64xf32, #tpu.memory_space<vmem>>
      tpu.enqueue_dma source(%dma_start3A_109 : memref<128x64xf32, #tpu.memory_space<vmem>>) target(%dma_start3A_105 : memref<128x64xf32, #tpu.memory_space<vmem_shared>>) target_semaphore(%run_scoped3A_97 : memref<!tpu.dma_semaphore, #tpu.memory_space<semaphore_mem>>)
      %dma_wait3A = arith.constant 0 : i32
      %dma_wait3A_110 = arith.constant 0 : i32
      %dma_wait3A_111 = tpu.memref_slice %arg8[%run_scoped3A_14, %dma_wait3A, %dma_wait3A_110] : memref<4x128x64xf32, #tpu.memory_space<vmem>> -> memref<1x128x64xf32, #tpu.memory_space<vmem>>
      %dma_wait3A_112 = tpu.memref_squeeze %dma_wait3A_111 : memref<1x128x64xf32, #tpu.memory_space<vmem>> -> memref<128x64xf32, #tpu.memory_space<vmem>>
      %dma_wait3A_113 = arith.constant 0 : i32
      %dma_wait3A_114 = tpu.memref_slice %arg9[%add3A_13, %dma_wait3A_113] : memref<12288x64xf32, #tpu.memory_space<vmem_shared>> -> memref<128x64xf32, #tpu.memory_space<vmem_shared>>
      %dma_wait3A_115 = arith.constant 0 : i32
      %dma_wait3A_116 = tpu.memref_slice %arg9[%add3A_13, %dma_wait3A_115] : memref<12288x64xf32, #tpu.memory_space<vmem_shared>> -> memref<128x64xf32, #tpu.memory_space<vmem_shared>>
      %dma_wait3A_117 = arith.constant 0 : i32
      %dma_wait3A_118 = arith.constant 0 : i32
      %dma_wait3A_119 = tpu.memref_slice %arg8[%run_scoped3A_14, %dma_wait3A_117, %dma_wait3A_118] : memref<4x128x64xf32, #tpu.memory_space<vmem>> -> memref<1x128x64xf32, #tpu.memory_space<vmem>>
      %dma_wait3A_120 = tpu.memref_squeeze %dma_wait3A_119 : memref<1x128x64xf32, #tpu.memory_space<vmem>> -> memref<128x64xf32, #tpu.memory_space<vmem>>
      tpu.wait_dma2 semaphore(%run_scoped3A_97 : memref<!tpu.dma_semaphore, #tpu.memory_space<semaphore_mem>>) src(%dma_wait3A_120 : memref<128x64xf32, #tpu.memory_space<vmem>>) dst(%dma_wait3A_116 : memref<128x64xf32, #tpu.memory_space<vmem_shared>>)
      tpu.yield
    }) : () -> ()
    %mul3A_15 = arith.constant 768 : i32
    %mul3A_16 = arith.muli %arg1, %mul3A_15 : i32
    %add3A_17 = arith.constant 256 : i32
    %add3A_18 = arith.addi %mul3A_16, %add3A_17 : i32
    %run_scoped3A_19 = arith.constant 0 : i32
    "tpu.region"() ({
      %run_scoped3A_97 = tpu.sem_alloc : memref<!tpu.dma_semaphore, #tpu.memory_space<semaphore_mem>>
      %dma_start3A_98 = arith.constant 0 : i32
      %dma_start3A_99 = arith.constant 0 : i32
      %dma_start3A_100 = tpu.memref_slice %arg8[%run_scoped3A_19, %dma_start3A_98, %dma_start3A_99] : memref<4x128x64xf32, #tpu.memory_space<vmem>> -> memref<1x128x64xf32, #tpu.memory_space<vmem>>
      %dma_start3A_101 = tpu.memref_squeeze %dma_start3A_100 : memref<1x128x64xf32, #tpu.memory_space<vmem>> -> memref<128x64xf32, #tpu.memory_space<vmem>>
      %dma_start3A_102 = arith.constant 0 : i32
      %dma_start3A_103 = tpu.memref_slice %arg9[%add3A_18, %dma_start3A_102] : memref<12288x64xf32, #tpu.memory_space<vmem_shared>> -> memref<128x64xf32, #tpu.memory_space<vmem_shared>>
      %dma_start3A_104 = arith.constant 0 : i32
      %dma_start3A_105 = tpu.memref_slice %arg9[%add3A_18, %dma_start3A_104] : memref<12288x64xf32, #tpu.memory_space<vmem_shared>> -> memref<128x64xf32, #tpu.memory_space<vmem_shared>>
      %dma_start3A_106 = arith.constant 0 : i32
      %dma_start3A_107 = arith.constant 0 : i32
      %dma_start3A_108 = tpu.memref_slice %arg8[%run_scoped3A_19, %dma_start3A_106, %dma_start3A_107] : memref<4x128x64xf32, #tpu.memory_space<vmem>> -> memref<1x128x64xf32, #tpu.memory_space<vmem>>
      %dma_start3A_109 = tpu.memref_squeeze %dma_start3A_108 : memref<1x128x64xf32, #tpu.memory_space<vmem>> -> memref<128x64xf32, #tpu.memory_space<vmem>>
      tpu.enqueue_dma source(%dma_start3A_109 : memref<128x64xf32, #tpu.memory_space<vmem>>) target(%dma_start3A_105 : memref<128x64xf32, #tpu.memory_space<vmem_shared>>) target_semaphore(%run_scoped3A_97 : memref<!tpu.dma_semaphore, #tpu.memory_space<semaphore_mem>>)
      %dma_wait3A = arith.constant 0 : i32
      %dma_wait3A_110 = arith.constant 0 : i32
      %dma_wait3A_111 = tpu.memref_slice %arg8[%run_scoped3A_19, %dma_wait3A, %dma_wait3A_110] : memref<4x128x64xf32, #tpu.memory_space<vmem>> -> memref<1x128x64xf32, #tpu.memory_space<vmem>>
      %dma_wait3A_112 = tpu.memref_squeeze %dma_wait3A_111 : memref<1x128x64xf32, #tpu.memory_space<vmem>> -> memref<128x64xf32, #tpu.memory_space<vmem>>
      %dma_wait3A_113 = arith.constant 0 : i32
      %dma_wait3A_114 = tpu.memref_slice %arg9[%add3A_18, %dma_wait3A_113] : memref<12288x64xf32, #tpu.memory_space<vmem_shared>> -> memref<128x64xf32, #tpu.memory_space<vmem_shared>>
      %dma_wait3A_115 = arith.constant 0 : i32
      %dma_wait3A_116 = tpu.memref_slice %arg9[%add3A_18, %dma_wait3A_115] : memref<12288x64xf32, #tpu.memory_space<vmem_shared>> -> memref<128x64xf32, #tpu.memory_space<vmem_shared>>
      %dma_wait3A_117 = arith.constant 0 : i32
      %dma_wait3A_118 = arith.constant 0 : i32
      %dma_wait3A_119 = tpu.memref_slice %arg8[%run_scoped3A_19, %dma_wait3A_117, %dma_wait3A_118] : memref<4x128x64xf32, #tpu.memory_space<vmem>> -> memref<1x128x64xf32, #tpu.memory_space<vmem>>
      %dma_wait3A_120 = tpu.memref_squeeze %dma_wait3A_119 : memref<1x128x64xf32, #tpu.memory_space<vmem>> -> memref<128x64xf32, #tpu.memory_space<vmem>>
      tpu.wait_dma2 semaphore(%run_scoped3A_97 : memref<!tpu.dma_semaphore, #tpu.memory_space<semaphore_mem>>) src(%dma_wait3A_120 : memref<128x64xf32, #tpu.memory_space<vmem>>) dst(%dma_wait3A_116 : memref<128x64xf32, #tpu.memory_space<vmem_shared>>)
      tpu.yield
    }) : () -> ()
    %mul3A_20 = arith.constant 768 : i32
    %mul3A_21 = arith.muli %arg1, %mul3A_20 : i32
    %add3A_22 = arith.constant 384 : i32
    %add3A_23 = arith.addi %mul3A_21, %add3A_22 : i32
    %run_scoped3A_24 = arith.constant 0 : i32
    "tpu.region"() ({
      %run_scoped3A_97 = tpu.sem_alloc : memref<!tpu.dma_semaphore, #tpu.memory_space<semaphore_mem>>
      %dma_start3A_98 = arith.constant 0 : i32
      %dma_start3A_99 = arith.constant 0 : i32
      %dma_start3A_100 = tpu.memref_slice %arg8[%run_scoped3A_24, %dma_start3A_98, %dma_start3A_99] : memref<4x128x64xf32, #tpu.memory_space<vmem>> -> memref<1x128x64xf32, #tpu.memory_space<vmem>>
      %dma_start3A_101 = tpu.memref_squeeze %dma_start3A_100 : memref<1x128x64xf32, #tpu.memory_space<vmem>> -> memref<128x64xf32, #tpu.memory_space<vmem>>
      %dma_start3A_102 = arith.constant 0 : i32
      %dma_start3A_103 = tpu.memref_slice %arg9[%add3A_23, %dma_start3A_102] : memref<12288x64xf32, #tpu.memory_space<vmem_shared>> -> memref<128x64xf32, #tpu.memory_space<vmem_shared>>
      %dma_start3A_104 = arith.constant 0 : i32
      %dma_start3A_105 = tpu.memref_slice %arg9[%add3A_23, %dma_start3A_104] : memref<12288x64xf32, #tpu.memory_space<vmem_shared>> -> memref<128x64xf32, #tpu.memory_space<vmem_shared>>
      %dma_start3A_106 = arith.constant 0 : i32
      %dma_start3A_107 = arith.constant 0 : i32
      %dma_start3A_108 = tpu.memref_slice %arg8[%run_scoped3A_24, %dma_start3A_106, %dma_start3A_107] : memref<4x128x64xf32, #tpu.memory_space<vmem>> -> memref<1x128x64xf32, #tpu.memory_space<vmem>>
      %dma_start3A_109 = tpu.memref_squeeze %dma_start3A_108 : memref<1x128x64xf32, #tpu.memory_space<vmem>> -> memref<128x64xf32, #tpu.memory_space<vmem>>
      tpu.enqueue_dma source(%dma_start3A_109 : memref<128x64xf32, #tpu.memory_space<vmem>>) target(%dma_start3A_105 : memref<128x64xf32, #tpu.memory_space<vmem_shared>>) target_semaphore(%run_scoped3A_97 : memref<!tpu.dma_semaphore, #tpu.memory_space<semaphore_mem>>)
      %dma_wait3A = arith.constant 0 : i32
      %dma_wait3A_110 = arith.constant 0 : i32
      %dma_wait3A_111 = tpu.memref_slice %arg8[%run_scoped3A_24, %dma_wait3A, %dma_wait3A_110] : memref<4x128x64xf32, #tpu.memory_space<vmem>> -> memref<1x128x64xf32, #tpu.memory_space<vmem>>
      %dma_wait3A_112 = tpu.memref_squeeze %dma_wait3A_111 : memref<1x128x64xf32, #tpu.memory_space<vmem>> -> memref<128x64xf32, #tpu.memory_space<vmem>>
      %dma_wait3A_113 = arith.constant 0 : i32
      %dma_wait3A_114 = tpu.memref_slice %arg9[%add3A_23, %dma_wait3A_113] : memref<12288x64xf32, #tpu.memory_space<vmem_shared>> -> memref<128x64xf32, #tpu.memory_space<vmem_shared>>
      %dma_wait3A_115 = arith.constant 0 : i32
      %dma_wait3A_116 = tpu.memref_slice %arg9[%add3A_23, %dma_wait3A_115] : memref<12288x64xf32, #tpu.memory_space<vmem_shared>> -> memref<128x64xf32, #tpu.memory_space<vmem_shared>>
      %dma_wait3A_117 = arith.constant 0 : i32
      %dma_wait3A_118 = arith.constant 0 : i32
      %dma_wait3A_119 = tpu.memref_slice %arg8[%run_scoped3A_24, %dma_wait3A_117, %dma_wait3A_118] : memref<4x128x64xf32, #tpu.memory_space<vmem>> -> memref<1x128x64xf32, #tpu.memory_space<vmem>>
      %dma_wait3A_120 = tpu.memref_squeeze %dma_wait3A_119 : memref<1x128x64xf32, #tpu.memory_space<vmem>> -> memref<128x64xf32, #tpu.memory_space<vmem>>
      tpu.wait_dma2 semaphore(%run_scoped3A_97 : memref<!tpu.dma_semaphore, #tpu.memory_space<semaphore_mem>>) src(%dma_wait3A_120 : memref<128x64xf32, #tpu.memory_space<vmem>>) dst(%dma_wait3A_116 : memref<128x64xf32, #tpu.memory_space<vmem_shared>>)
      tpu.yield
    }) : () -> ()
    %mul3A_25 = arith.constant 768 : i32
    %mul3A_26 = arith.muli %arg1, %mul3A_25 : i32
    %add3A_27 = arith.constant 512 : i32
    %add3A_28 = arith.addi %mul3A_26, %add3A_27 : i32
    %run_scoped3A_29 = arith.constant 0 : i32
    "tpu.region"() ({
      %run_scoped3A_97 = tpu.sem_alloc : memref<!tpu.dma_semaphore, #tpu.memory_space<semaphore_mem>>
      %dma_start3A_98 = arith.constant 0 : i32
      %dma_start3A_99 = arith.constant 0 : i32
      %dma_start3A_100 = tpu.memref_slice %arg8[%run_scoped3A_29, %dma_start3A_98, %dma_start3A_99] : memref<4x128x64xf32, #tpu.memory_space<vmem>> -> memref<1x128x64xf32, #tpu.memory_space<vmem>>
      %dma_start3A_101 = tpu.memref_squeeze %dma_start3A_100 : memref<1x128x64xf32, #tpu.memory_space<vmem>> -> memref<128x64xf32, #tpu.memory_space<vmem>>
      %dma_start3A_102 = arith.constant 0 : i32
      %dma_start3A_103 = tpu.memref_slice %arg9[%add3A_28, %dma_start3A_102] : memref<12288x64xf32, #tpu.memory_space<vmem_shared>> -> memref<128x64xf32, #tpu.memory_space<vmem_shared>>
      %dma_start3A_104 = arith.constant 0 : i32
      %dma_start3A_105 = tpu.memref_slice %arg9[%add3A_28, %dma_start3A_104] : memref<12288x64xf32, #tpu.memory_space<vmem_shared>> -> memref<128x64xf32, #tpu.memory_space<vmem_shared>>
      %dma_start3A_106 = arith.constant 0 : i32
      %dma_start3A_107 = arith.constant 0 : i32
      %dma_start3A_108 = tpu.memref_slice %arg8[%run_scoped3A_29, %dma_start3A_106, %dma_start3A_107] : memref<4x128x64xf32, #tpu.memory_space<vmem>> -> memref<1x128x64xf32, #tpu.memory_space<vmem>>
      %dma_start3A_109 = tpu.memref_squeeze %dma_start3A_108 : memref<1x128x64xf32, #tpu.memory_space<vmem>> -> memref<128x64xf32, #tpu.memory_space<vmem>>
      tpu.enqueue_dma source(%dma_start3A_109 : memref<128x64xf32, #tpu.memory_space<vmem>>) target(%dma_start3A_105 : memref<128x64xf32, #tpu.memory_space<vmem_shared>>) target_semaphore(%run_scoped3A_97 : memref<!tpu.dma_semaphore, #tpu.memory_space<semaphore_mem>>)
      %dma_wait3A = arith.constant 0 : i32
      %dma_wait3A_110 = arith.constant 0 : i32
      %dma_wait3A_111 = tpu.memref_slice %arg8[%run_scoped3A_29, %dma_wait3A, %dma_wait3A_110] : memref<4x128x64xf32, #tpu.memory_space<vmem>> -> memref<1x128x64xf32, #tpu.memory_space<vmem>>
      %dma_wait3A_112 = tpu.memref_squeeze %dma_wait3A_111 : memref<1x128x64xf32, #tpu.memory_space<vmem>> -> memref<128x64xf32, #tpu.memory_space<vmem>>
      %dma_wait3A_113 = arith.constant 0 : i32
      %dma_wait3A_114 = tpu.memref_slice %arg9[%add3A_28, %dma_wait3A_113] : memref<12288x64xf32, #tpu.memory_space<vmem_shared>> -> memref<128x64xf32, #tpu.memory_space<vmem_shared>>
      %dma_wait3A_115 = arith.constant 0 : i32
      %dma_wait3A_116 = tpu.memref_slice %arg9[%add3A_28, %dma_wait3A_115] : memref<12288x64xf32, #tpu.memory_space<vmem_shared>> -> memref<128x64xf32, #tpu.memory_space<vmem_shared>>
      %dma_wait3A_117 = arith.constant 0 : i32
      %dma_wait3A_118 = arith.constant 0 : i32
      %dma_wait3A_119 = tpu.memref_slice %arg8[%run_scoped3A_29, %dma_wait3A_117, %dma_wait3A_118] : memref<4x128x64xf32, #tpu.memory_space<vmem>> -> memref<1x128x64xf32, #tpu.memory_space<vmem>>
      %dma_wait3A_120 = tpu.memref_squeeze %dma_wait3A_119 : memref<1x128x64xf32, #tpu.memory_space<vmem>> -> memref<128x64xf32, #tpu.memory_space<vmem>>
      tpu.wait_dma2 semaphore(%run_scoped3A_97 : memref<!tpu.dma_semaphore, #tpu.memory_space<semaphore_mem>>) src(%dma_wait3A_120 : memref<128x64xf32, #tpu.memory_space<vmem>>) dst(%dma_wait3A_116 : memref<128x64xf32, #tpu.memory_space<vmem_shared>>)
      tpu.yield
    }) : () -> ()
    %mul3A_30 = arith.constant 768 : i32
    %mul3A_31 = arith.muli %arg1, %mul3A_30 : i32
    %add3A_32 = arith.constant 640 : i32
    %add3A_33 = arith.addi %mul3A_31, %add3A_32 : i32
    %run_scoped3A_34 = arith.constant 0 : i32
    "tpu.region"() ({
      %run_scoped3A_97 = tpu.sem_alloc : memref<!tpu.dma_semaphore, #tpu.memory_space<semaphore_mem>>
      %dma_start3A_98 = arith.constant 0 : i32
      %dma_start3A_99 = arith.constant 0 : i32
      %dma_start3A_100 = tpu.memref_slice %arg8[%run_scoped3A_34, %dma_start3A_98, %dma_start3A_99] : memref<4x128x64xf32, #tpu.memory_space<vmem>> -> memref<1x128x64xf32, #tpu.memory_space<vmem>>
      %dma_start3A_101 = tpu.memref_squeeze %dma_start3A_100 : memref<1x128x64xf32, #tpu.memory_space<vmem>> -> memref<128x64xf32, #tpu.memory_space<vmem>>
      %dma_start3A_102 = arith.constant 0 : i32
      %dma_start3A_103 = tpu.memref_slice %arg9[%add3A_33, %dma_start3A_102] : memref<12288x64xf32, #tpu.memory_space<vmem_shared>> -> memref<128x64xf32, #tpu.memory_space<vmem_shared>>
      %dma_start3A_104 = arith.constant 0 : i32
      %dma_start3A_105 = tpu.memref_slice %arg9[%add3A_33, %dma_start3A_104] : memref<12288x64xf32, #tpu.memory_space<vmem_shared>> -> memref<128x64xf32, #tpu.memory_space<vmem_shared>>
      %dma_start3A_106 = arith.constant 0 : i32
      %dma_start3A_107 = arith.constant 0 : i32
      %dma_start3A_108 = tpu.memref_slice %arg8[%run_scoped3A_34, %dma_start3A_106, %dma_start3A_107] : memref<4x128x64xf32, #tpu.memory_space<vmem>> -> memref<1x128x64xf32, #tpu.memory_space<vmem>>
      %dma_start3A_109 = tpu.memref_squeeze %dma_start3A_108 : memref<1x128x64xf32, #tpu.memory_space<vmem>> -> memref<128x64xf32, #tpu.memory_space<vmem>>
      tpu.enqueue_dma source(%dma_start3A_109 : memref<128x64xf32, #tpu.memory_space<vmem>>) target(%dma_start3A_105 : memref<128x64xf32, #tpu.memory_space<vmem_shared>>) target_semaphore(%run_scoped3A_97 : memref<!tpu.dma_semaphore, #tpu.memory_space<semaphore_mem>>)
      %dma_wait3A = arith.constant 0 : i32
      %dma_wait3A_110 = arith.constant 0 : i32
      %dma_wait3A_111 = tpu.memref_slice %arg8[%run_scoped3A_34, %dma_wait3A, %dma_wait3A_110] : memref<4x128x64xf32, #tpu.memory_space<vmem>> -> memref<1x128x64xf32, #tpu.memory_space<vmem>>
      %dma_wait3A_112 = tpu.memref_squeeze %dma_wait3A_111 : memref<1x128x64xf32, #tpu.memory_space<vmem>> -> memref<128x64xf32, #tpu.memory_space<vmem>>
      %dma_wait3A_113 = arith.constant 0 : i32
      %dma_wait3A_114 = tpu.memref_slice %arg9[%add3A_33, %dma_wait3A_113] : memref<12288x64xf32, #tpu.memory_space<vmem_shared>> -> memref<128x64xf32, #tpu.memory_space<vmem_shared>>
      %dma_wait3A_115 = arith.constant 0 : i32
      %dma_wait3A_116 = tpu.memref_slice %arg9[%add3A_33, %dma_wait3A_115] : memref<12288x64xf32, #tpu.memory_space<vmem_shared>> -> memref<128x64xf32, #tpu.memory_space<vmem_shared>>
      %dma_wait3A_117 = arith.constant 0 : i32
      %dma_wait3A_118 = arith.constant 0 : i32
      %dma_wait3A_119 = tpu.memref_slice %arg8[%run_scoped3A_34, %dma_wait3A_117, %dma_wait3A_118] : memref<4x128x64xf32, #tpu.memory_space<vmem>> -> memref<1x128x64xf32, #tpu.memory_space<vmem>>
      %dma_wait3A_120 = tpu.memref_squeeze %dma_wait3A_119 : memref<1x128x64xf32, #tpu.memory_space<vmem>> -> memref<128x64xf32, #tpu.memory_space<vmem>>
      tpu.wait_dma2 semaphore(%run_scoped3A_97 : memref<!tpu.dma_semaphore, #tpu.memory_space<semaphore_mem>>) src(%dma_wait3A_120 : memref<128x64xf32, #tpu.memory_space<vmem>>) dst(%dma_wait3A_116 : memref<128x64xf32, #tpu.memory_space<vmem_shared>>)
      tpu.yield
    }) : () -> ()
    %barrier3A = arith.constant 0 : index
    tpu.barrier barrier_id(%barrier3A)
    "tpu.region"() ({
      %run_scoped3A_97 = tpu.sem_alloc : memref<!tpu.dma_semaphore, #tpu.memory_space<semaphore_mem>>
      %dma_start3A_98 = arith.constant 0 : i32
      %dma_start3A_99 = arith.constant 0 : i32
      %dma_start3A_100 = tpu.memref_slice %arg2[%add3A, %dma_start3A_98, %dma_start3A_99] : memref<32x80x128xi32, #tpu.memory_space<hbm>> -> memref<1x80x128xi32, #tpu.memory_space<hbm>>
      %dma_start3A_101 = tpu.memref_squeeze %dma_start3A_100 : memref<1x80x128xi32, #tpu.memory_space<hbm>> -> memref<80x128xi32, #tpu.memory_space<hbm>>
      %dma_start3A_102 = arith.constant 0 : i32
      %dma_start3A_103 = arith.constant 0 : i32
      %dma_start3A_104 = tpu.memref_slice %arg2[%add3A, %dma_start3A_102, %dma_start3A_103] : memref<32x80x128xi32, #tpu.memory_space<hbm>> -> memref<1x80x128xi32, #tpu.memory_space<hbm>>
      %dma_start3A_105 = tpu.memref_squeeze %dma_start3A_104 : memref<1x80x128xi32, #tpu.memory_space<hbm>> -> memref<80x128xi32, #tpu.memory_space<hbm>>
      tpu.enqueue_dma source(%dma_start3A_105 : memref<80x128xi32, #tpu.memory_space<hbm>>) target(%arg6 : memref<80x128xi32, #tpu.memory_space<vmem>>) target_semaphore(%run_scoped3A_97 : memref<!tpu.dma_semaphore, #tpu.memory_space<semaphore_mem>>)
      %dma_wait3A = arith.constant 0 : i32
      %dma_wait3A_106 = arith.constant 0 : i32
      %dma_wait3A_107 = tpu.memref_slice %arg2[%add3A, %dma_wait3A, %dma_wait3A_106] : memref<32x80x128xi32, #tpu.memory_space<hbm>> -> memref<1x80x128xi32, #tpu.memory_space<hbm>>
      %dma_wait3A_108 = tpu.memref_squeeze %dma_wait3A_107 : memref<1x80x128xi32, #tpu.memory_space<hbm>> -> memref<80x128xi32, #tpu.memory_space<hbm>>
      %dma_wait3A_109 = arith.constant 0 : i32
      %dma_wait3A_110 = arith.constant 0 : i32
      %dma_wait3A_111 = tpu.memref_slice %arg2[%add3A, %dma_wait3A_109, %dma_wait3A_110] : memref<32x80x128xi32, #tpu.memory_space<hbm>> -> memref<1x80x128xi32, #tpu.memory_space<hbm>>
      %dma_wait3A_112 = tpu.memref_squeeze %dma_wait3A_111 : memref<1x80x128xi32, #tpu.memory_space<hbm>> -> memref<80x128xi32, #tpu.memory_space<hbm>>
      tpu.wait_dma2 semaphore(%run_scoped3A_97 : memref<!tpu.dma_semaphore, #tpu.memory_space<semaphore_mem>>) src(%dma_wait3A_112 : memref<80x128xi32, #tpu.memory_space<hbm>>) dst(%arg6 : memref<80x128xi32, #tpu.memory_space<vmem>>)
      tpu.yield
    }) : () -> ()
    "tpu.region"() ({
      %run_scoped3A_97 = tpu.sem_alloc : memref<!tpu.dma_semaphore, #tpu.memory_space<semaphore_mem>>
      %dma_start3A_98 = arith.constant 0 : i32
      %dma_start3A_99 = arith.constant 0 : i32
      %dma_start3A_100 = tpu.memref_slice %arg3[%add3A, %dma_start3A_98, %dma_start3A_99] : memref<32x80x128xi32, #tpu.memory_space<hbm>> -> memref<1x80x128xi32, #tpu.memory_space<hbm>>
      %dma_start3A_101 = tpu.memref_squeeze %dma_start3A_100 : memref<1x80x128xi32, #tpu.memory_space<hbm>> -> memref<80x128xi32, #tpu.memory_space<hbm>>
      %dma_start3A_102 = arith.constant 0 : i32
      %dma_start3A_103 = arith.constant 0 : i32
      %dma_start3A_104 = tpu.memref_slice %arg3[%add3A, %dma_start3A_102, %dma_start3A_103] : memref<32x80x128xi32, #tpu.memory_space<hbm>> -> memref<1x80x128xi32, #tpu.memory_space<hbm>>
      %dma_start3A_105 = tpu.memref_squeeze %dma_start3A_104 : memref<1x80x128xi32, #tpu.memory_space<hbm>> -> memref<80x128xi32, #tpu.memory_space<hbm>>
      tpu.enqueue_dma source(%dma_start3A_105 : memref<80x128xi32, #tpu.memory_space<hbm>>) target(%arg7 : memref<80x128xi32, #tpu.memory_space<vmem>>) target_semaphore(%run_scoped3A_97 : memref<!tpu.dma_semaphore, #tpu.memory_space<semaphore_mem>>)
      %dma_wait3A = arith.constant 0 : i32
      %dma_wait3A_106 = arith.constant 0 : i32
      %dma_wait3A_107 = tpu.memref_slice %arg3[%add3A, %dma_wait3A, %dma_wait3A_106] : memref<32x80x128xi32, #tpu.memory_space<hbm>> -> memref<1x80x128xi32, #tpu.memory_space<hbm>>
      %dma_wait3A_108 = tpu.memref_squeeze %dma_wait3A_107 : memref<1x80x128xi32, #tpu.memory_space<hbm>> -> memref<80x128xi32, #tpu.memory_space<hbm>>
      %dma_wait3A_109 = arith.constant 0 : i32
      %dma_wait3A_110 = arith.constant 0 : i32
      %dma_wait3A_111 = tpu.memref_slice %arg3[%add3A, %dma_wait3A_109, %dma_wait3A_110] : memref<32x80x128xi32, #tpu.memory_space<hbm>> -> memref<1x80x128xi32, #tpu.memory_space<hbm>>
      %dma_wait3A_112 = tpu.memref_squeeze %dma_wait3A_111 : memref<1x80x128xi32, #tpu.memory_space<hbm>> -> memref<80x128xi32, #tpu.memory_space<hbm>>
      tpu.wait_dma2 semaphore(%run_scoped3A_97 : memref<!tpu.dma_semaphore, #tpu.memory_space<semaphore_mem>>) src(%dma_wait3A_112 : memref<80x128xi32, #tpu.memory_space<hbm>>) dst(%arg7 : memref<80x128xi32, #tpu.memory_space<vmem>>)
      tpu.yield
    }) : () -> ()
    %dma_start3A = arith.constant 0 : i32
    %dma_start3A_35 = arith.constant 0 : i32
    %dma_start3A_36 = arith.constant 0 : i32
    %dma_start3A_37 = arith.constant 0 : i32
    %dma_start3A_38 = tpu.memref_slice %arg8[%dma_start3A_35, %dma_start3A_36, %dma_start3A_37] : memref<4x128x64xf32, #tpu.memory_space<vmem>> -> memref<1x128x64xf32, #tpu.memory_space<vmem>>
    %dma_start3A_39 = tpu.memref_squeeze %dma_start3A_38 : memref<1x128x64xf32, #tpu.memory_space<vmem>> -> memref<128x64xf32, #tpu.memory_space<vmem>>
    %dma_start3A_40 = arith.constant 0 : i32
    %dma_start3A_41 = tpu.memref_slice %arg6[%dma_start3A, %dma_start3A_40] : memref<80x128xi32, #tpu.memory_space<vmem>> -> memref<1x128xi32, #tpu.memory_space<vmem>>
    %dma_start3A_42 = tpu.memref_squeeze %dma_start3A_41 : memref<1x128xi32, #tpu.memory_space<vmem>> -> memref<128xi32, #tpu.memory_space<vmem>>
    %dma_start3A_43 = arith.constant 0 : i32
    %dma_start3A_44 = arith.constant 0 : i32
    %dma_start3A_45 = tpu.memref_slice %arg4[%dma_start3A_43, %dma_start3A_44] : memref<10000x64xf32, #tpu.memory_space<hbm>> -> memref<10000x64xf32, #tpu.memory_space<hbm>>
    tpu.enqueue_indirect_dma source(%dma_start3A_45 : memref<10000x64xf32, #tpu.memory_space<hbm>>) target(%dma_start3A_39 : memref<128x64xf32, #tpu.memory_space<vmem>>) offsets(%dma_start3A_42 : memref<128xi32, #tpu.memory_space<vmem>>) semaphore(%arg10 : memref<!tpu.dma_semaphore, #tpu.memory_space<semaphore_mem>>)
    %dma_start3A_46 = arith.constant 1 : i32
    %dma_start3A_47 = arith.constant 1 : i32
    %dma_start3A_48 = arith.constant 0 : i32
    %dma_start3A_49 = arith.constant 0 : i32
    %dma_start3A_50 = tpu.memref_slice %arg8[%dma_start3A_47, %dma_start3A_48, %dma_start3A_49] : memref<4x128x64xf32, #tpu.memory_space<vmem>> -> memref<1x128x64xf32, #tpu.memory_space<vmem>>
    %dma_start3A_51 = tpu.memref_squeeze %dma_start3A_50 : memref<1x128x64xf32, #tpu.memory_space<vmem>> -> memref<128x64xf32, #tpu.memory_space<vmem>>
    %dma_start3A_52 = arith.constant 0 : i32
    %dma_start3A_53 = tpu.memref_slice %arg6[%dma_start3A_46, %dma_start3A_52] : memref<80x128xi32, #tpu.memory_space<vmem>> -> memref<1x128xi32, #tpu.memory_space<vmem>>
    %dma_start3A_54 = tpu.memref_squeeze %dma_start3A_53 : memref<1x128xi32, #tpu.memory_space<vmem>> -> memref<128xi32, #tpu.memory_space<vmem>>
    %dma_start3A_55 = arith.constant 0 : i32
    %dma_start3A_56 = arith.constant 0 : i32
    %dma_start3A_57 = tpu.memref_slice %arg4[%dma_start3A_55, %dma_start3A_56] : memref<10000x64xf32, #tpu.memory_space<hbm>> -> memref<10000x64xf32, #tpu.memory_space<hbm>>
    tpu.enqueue_indirect_dma source(%dma_start3A_57 : memref<10000x64xf32, #tpu.memory_space<hbm>>) target(%dma_start3A_51 : memref<128x64xf32, #tpu.memory_space<vmem>>) offsets(%dma_start3A_54 : memref<128xi32, #tpu.memory_space<vmem>>) semaphore(%arg11 : memref<!tpu.dma_semaphore, #tpu.memory_space<semaphore_mem>>)
    %dma_start3A_58 = arith.constant 2 : i32
    %dma_start3A_59 = arith.constant 2 : i32
    %dma_start3A_60 = arith.constant 0 : i32
    %dma_start3A_61 = arith.constant 0 : i32
    %dma_start3A_62 = tpu.memref_slice %arg8[%dma_start3A_59, %dma_start3A_60, %dma_start3A_61] : memref<4x128x64xf32, #tpu.memory_space<vmem>> -> memref<1x128x64xf32, #tpu.memory_space<vmem>>
    %dma_start3A_63 = tpu.memref_squeeze %dma_start3A_62 : memref<1x128x64xf32, #tpu.memory_space<vmem>> -> memref<128x64xf32, #tpu.memory_space<vmem>>
    %dma_start3A_64 = arith.constant 0 : i32
    %dma_start3A_65 = tpu.memref_slice %arg6[%dma_start3A_58, %dma_start3A_64] : memref<80x128xi32, #tpu.memory_space<vmem>> -> memref<1x128xi32, #tpu.memory_space<vmem>>
    %dma_start3A_66 = tpu.memref_squeeze %dma_start3A_65 : memref<1x128xi32, #tpu.memory_space<vmem>> -> memref<128xi32, #tpu.memory_space<vmem>>
    %dma_start3A_67 = arith.constant 0 : i32
    %dma_start3A_68 = arith.constant 0 : i32
    %dma_start3A_69 = tpu.memref_slice %arg4[%dma_start3A_67, %dma_start3A_68] : memref<10000x64xf32, #tpu.memory_space<hbm>> -> memref<10000x64xf32, #tpu.memory_space<hbm>>
    tpu.enqueue_indirect_dma source(%dma_start3A_69 : memref<10000x64xf32, #tpu.memory_space<hbm>>) target(%dma_start3A_63 : memref<128x64xf32, #tpu.memory_space<vmem>>) offsets(%dma_start3A_66 : memref<128xi32, #tpu.memory_space<vmem>>) semaphore(%arg12 : memref<!tpu.dma_semaphore, #tpu.memory_space<semaphore_mem>>)
    %dma_start3A_70 = arith.constant 3 : i32
    %dma_start3A_71 = arith.constant 3 : i32
    %dma_start3A_72 = arith.constant 0 : i32
    %dma_start3A_73 = arith.constant 0 : i32
    %dma_start3A_74 = tpu.memref_slice %arg8[%dma_start3A_71, %dma_start3A_72, %dma_start3A_73] : memref<4x128x64xf32, #tpu.memory_space<vmem>> -> memref<1x128x64xf32, #tpu.memory_space<vmem>>
    %dma_start3A_75 = tpu.memref_squeeze %dma_start3A_74 : memref<1x128x64xf32, #tpu.memory_space<vmem>> -> memref<128x64xf32, #tpu.memory_space<vmem>>
    %dma_start3A_76 = arith.constant 0 : i32
    %dma_start3A_77 = tpu.memref_slice %arg6[%dma_start3A_70, %dma_start3A_76] : memref<80x128xi32, #tpu.memory_space<vmem>> -> memref<1x128xi32, #tpu.memory_space<vmem>>
    %dma_start3A_78 = tpu.memref_squeeze %dma_start3A_77 : memref<1x128xi32, #tpu.memory_space<vmem>> -> memref<128xi32, #tpu.memory_space<vmem>>
    %dma_start3A_79 = arith.constant 0 : i32
    %dma_start3A_80 = arith.constant 0 : i32
    %dma_start3A_81 = tpu.memref_slice %arg4[%dma_start3A_79, %dma_start3A_80] : memref<10000x64xf32, #tpu.memory_space<hbm>> -> memref<10000x64xf32, #tpu.memory_space<hbm>>
    tpu.enqueue_indirect_dma source(%dma_start3A_81 : memref<10000x64xf32, #tpu.memory_space<hbm>>) target(%dma_start3A_75 : memref<128x64xf32, #tpu.memory_space<vmem>>) offsets(%dma_start3A_78 : memref<128xi32, #tpu.memory_space<vmem>>) semaphore(%arg13 : memref<!tpu.dma_semaphore, #tpu.memory_space<semaphore_mem>>)
    %scan3A_82 = arith.constant 0 : i32
    %scan3A_83 = arith.constant 0 : i32
    %scan3A_84 = arith.constant 20 : i32
    %scan3A_85 = arith.addi %scan3A_83, %scan3A_84 : i32
    %scan3A_86 = arith.constant 1 : i32
    scf.for %scan3A_97 = %scan3A_83 to %scan3A_85 step %scan3A_86  : i32 {
      %mul3A_98 = arith.constant 4 : i32
      %mul3A_99 = arith.muli %mul3A_98, %scan3A_97 : i32
      %add3A_100 = arith.constant 0 : i32
      %add3A_101 = arith.addi %mul3A_99, %add3A_100 : i32
      %dma_wait3A = arith.constant 0 : i32
      %dma_wait3A_102 = arith.constant 0 : i32
      %dma_wait3A_103 = arith.constant 0 : i32
      %dma_wait3A_104 = tpu.memref_slice %arg8[%dma_wait3A, %dma_wait3A_102, %dma_wait3A_103] : memref<4x128x64xf32, #tpu.memory_space<vmem>> -> memref<1x128x64xf32, #tpu.memory_space<vmem>>
      %dma_wait3A_105 = tpu.memref_squeeze %dma_wait3A_104 : memref<1x128x64xf32, #tpu.memory_space<vmem>> -> memref<128x64xf32, #tpu.memory_space<vmem>>
      %dma_wait3A_106 = arith.constant 0 : i32
      %dma_wait3A_107 = tpu.memref_slice %arg6[%add3A_101, %dma_wait3A_106] : memref<80x128xi32, #tpu.memory_space<vmem>> -> memref<1x128xi32, #tpu.memory_space<vmem>>
      %dma_wait3A_108 = tpu.memref_squeeze %dma_wait3A_107 : memref<1x128xi32, #tpu.memory_space<vmem>> -> memref<128xi32, #tpu.memory_space<vmem>>
      %dma_wait3A_109 = arith.constant 0 : i32
      %dma_wait3A_110 = arith.constant 0 : i32
      %dma_wait3A_111 = tpu.memref_slice %arg4[%dma_wait3A_109, %dma_wait3A_110] : memref<10000x64xf32, #tpu.memory_space<hbm>> -> memref<10000x64xf32, #tpu.memory_space<hbm>>
      tpu.wait_indirect_dma semaphore(%arg10 : memref<!tpu.dma_semaphore, #tpu.memory_space<semaphore_mem>>) src(%dma_wait3A_111 : memref<10000x64xf32, #tpu.memory_space<hbm>>) dst(%dma_wait3A_105 : memref<128x64xf32, #tpu.memory_space<vmem>>)
      %run_scoped3A_112 = arith.constant 0 : i32
      "tpu.region"() ({
        %run_scoped3A_181 = tpu.sem_alloc : memref<!tpu.dma_semaphore, #tpu.memory_space<semaphore_mem>>
        %dma_start3A_182 = arith.constant 0 : i32
        %dma_start3A_183 = arith.constant 0 : i32
        %dma_start3A_184 = tpu.memref_slice %arg8[%run_scoped3A_112, %dma_start3A_182, %dma_start3A_183] : memref<4x128x64xf32, #tpu.memory_space<vmem>> -> memref<1x128x64xf32, #tpu.memory_space<vmem>>
        %dma_start3A_185 = tpu.memref_squeeze %dma_start3A_184 : memref<1x128x64xf32, #tpu.memory_space<vmem>> -> memref<128x64xf32, #tpu.memory_space<vmem>>
        %dma_start3A_186 = arith.constant 0 : i32
        %dma_start3A_187 = tpu.memref_slice %arg7[%add3A_101, %dma_start3A_186] : memref<80x128xi32, #tpu.memory_space<vmem>> -> memref<1x128xi32, #tpu.memory_space<vmem>>
        %dma_start3A_188 = tpu.memref_squeeze %dma_start3A_187 : memref<1x128xi32, #tpu.memory_space<vmem>> -> memref<128xi32, #tpu.memory_space<vmem>>
        %dma_start3A_189 = arith.constant 0 : i32
        %dma_start3A_190 = arith.constant 0 : i32
        %dma_start3A_191 = tpu.memref_slice %arg9[%dma_start3A_189, %dma_start3A_190] : memref<12288x64xf32, #tpu.memory_space<vmem_shared>> -> memref<12288x64xf32, #tpu.memory_space<vmem_shared>>
        tpu.enqueue_indirect_dma source(%dma_start3A_185 : memref<128x64xf32, #tpu.memory_space<vmem>>) target(%dma_start3A_191 : memref<12288x64xf32, #tpu.memory_space<vmem_shared>>) offsets(%dma_start3A_188 : memref<128xi32, #tpu.memory_space<vmem>>) semaphore(%run_scoped3A_181 : memref<!tpu.dma_semaphore, #tpu.memory_space<semaphore_mem>>) {add = true}
        %dma_wait3A_192 = arith.constant 0 : i32
        %dma_wait3A_193 = arith.constant 0 : i32
        %dma_wait3A_194 = tpu.memref_slice %arg8[%run_scoped3A_112, %dma_wait3A_192, %dma_wait3A_193] : memref<4x128x64xf32, #tpu.memory_space<vmem>> -> memref<1x128x64xf32, #tpu.memory_space<vmem>>
        %dma_wait3A_195 = tpu.memref_squeeze %dma_wait3A_194 : memref<1x128x64xf32, #tpu.memory_space<vmem>> -> memref<128x64xf32, #tpu.memory_space<vmem>>
        %dma_wait3A_196 = arith.constant 0 : i32
        %dma_wait3A_197 = tpu.memref_slice %arg7[%add3A_101, %dma_wait3A_196] : memref<80x128xi32, #tpu.memory_space<vmem>> -> memref<1x128xi32, #tpu.memory_space<vmem>>
        %dma_wait3A_198 = tpu.memref_squeeze %dma_wait3A_197 : memref<1x128xi32, #tpu.memory_space<vmem>> -> memref<128xi32, #tpu.memory_space<vmem>>
        %dma_wait3A_199 = arith.constant 0 : i32
        %dma_wait3A_200 = arith.constant 0 : i32
        %dma_wait3A_201 = tpu.memref_slice %arg9[%dma_wait3A_199, %dma_wait3A_200] : memref<12288x64xf32, #tpu.memory_space<vmem_shared>> -> memref<12288x64xf32, #tpu.memory_space<vmem_shared>>
        tpu.wait_indirect_dma semaphore(%run_scoped3A_181 : memref<!tpu.dma_semaphore, #tpu.memory_space<semaphore_mem>>) src(%dma_wait3A_195 : memref<128x64xf32, #tpu.memory_space<vmem>>) dst(%dma_wait3A_201 : memref<12288x64xf32, #tpu.memory_space<vmem_shared>>)
        tpu.yield
      }) : () -> ()
      %lt3A_113 = arith.constant 19 : i32
      %lt3A_114 = arith.cmpi slt, %scan3A_97, %lt3A_113 : i32
      %convert_element_type3A_115 = arith.extui %lt3A_114 : i1 to i32
      %cond3A_116 = arith.constant 0 : i32
      %cond3A_117 = arith.cmpi ne, %convert_element_type3A_115, %cond3A_116 : i32
      scf.if %cond3A_117 {
        %add3A_181 = arith.constant 4 : i32
        %add3A_182 = arith.addi %add3A_101, %add3A_181 : i32
        %dma_start3A_183 = arith.constant 0 : i32
        %dma_start3A_184 = arith.constant 0 : i32
        %dma_start3A_185 = arith.constant 0 : i32
        %dma_start3A_186 = tpu.memref_slice %arg8[%dma_start3A_183, %dma_start3A_184, %dma_start3A_185] : memref<4x128x64xf32, #tpu.memory_space<vmem>> -> memref<1x128x64xf32, #tpu.memory_space<vmem>>
        %dma_start3A_187 = tpu.memref_squeeze %dma_start3A_186 : memref<1x128x64xf32, #tpu.memory_space<vmem>> -> memref<128x64xf32, #tpu.memory_space<vmem>>
        %dma_start3A_188 = arith.constant 0 : i32
        %dma_start3A_189 = tpu.memref_slice %arg6[%add3A_182, %dma_start3A_188] : memref<80x128xi32, #tpu.memory_space<vmem>> -> memref<1x128xi32, #tpu.memory_space<vmem>>
        %dma_start3A_190 = tpu.memref_squeeze %dma_start3A_189 : memref<1x128xi32, #tpu.memory_space<vmem>> -> memref<128xi32, #tpu.memory_space<vmem>>
        %dma_start3A_191 = arith.constant 0 : i32
        %dma_start3A_192 = arith.constant 0 : i32
        %dma_start3A_193 = tpu.memref_slice %arg4[%dma_start3A_191, %dma_start3A_192] : memref<10000x64xf32, #tpu.memory_space<hbm>> -> memref<10000x64xf32, #tpu.memory_space<hbm>>
        tpu.enqueue_indirect_dma source(%dma_start3A_193 : memref<10000x64xf32, #tpu.memory_space<hbm>>) target(%dma_start3A_187 : memref<128x64xf32, #tpu.memory_space<vmem>>) offsets(%dma_start3A_190 : memref<128xi32, #tpu.memory_space<vmem>>) semaphore(%arg10 : memref<!tpu.dma_semaphore, #tpu.memory_space<semaphore_mem>>)
      } else {
      }
      %mul3A_118 = arith.constant 4 : i32
      %mul3A_119 = arith.muli %mul3A_118, %scan3A_97 : i32
      %add3A_120 = arith.constant 1 : i32
      %add3A_121 = arith.addi %mul3A_119, %add3A_120 : i32
      %dma_wait3A_122 = arith.constant 1 : i32
      %dma_wait3A_123 = arith.constant 0 : i32
      %dma_wait3A_124 = arith.constant 0 : i32
      %dma_wait3A_125 = tpu.memref_slice %arg8[%dma_wait3A_122, %dma_wait3A_123, %dma_wait3A_124] : memref<4x128x64xf32, #tpu.memory_space<vmem>> -> memref<1x128x64xf32, #tpu.memory_space<vmem>>
      %dma_wait3A_126 = tpu.memref_squeeze %dma_wait3A_125 : memref<1x128x64xf32, #tpu.memory_space<vmem>> -> memref<128x64xf32, #tpu.memory_space<vmem>>
      %dma_wait3A_127 = arith.constant 0 : i32
      %dma_wait3A_128 = tpu.memref_slice %arg6[%add3A_121, %dma_wait3A_127] : memref<80x128xi32, #tpu.memory_space<vmem>> -> memref<1x128xi32, #tpu.memory_space<vmem>>
      %dma_wait3A_129 = tpu.memref_squeeze %dma_wait3A_128 : memref<1x128xi32, #tpu.memory_space<vmem>> -> memref<128xi32, #tpu.memory_space<vmem>>
      %dma_wait3A_130 = arith.constant 0 : i32
      %dma_wait3A_131 = arith.constant 0 : i32
      %dma_wait3A_132 = tpu.memref_slice %arg4[%dma_wait3A_130, %dma_wait3A_131] : memref<10000x64xf32, #tpu.memory_space<hbm>> -> memref<10000x64xf32, #tpu.memory_space<hbm>>
      tpu.wait_indirect_dma semaphore(%arg11 : memref<!tpu.dma_semaphore, #tpu.memory_space<semaphore_mem>>) src(%dma_wait3A_132 : memref<10000x64xf32, #tpu.memory_space<hbm>>) dst(%dma_wait3A_126 : memref<128x64xf32, #tpu.memory_space<vmem>>)
      %run_scoped3A_133 = arith.constant 1 : i32
      "tpu.region"() ({
        %run_scoped3A_181 = tpu.sem_alloc : memref<!tpu.dma_semaphore, #tpu.memory_space<semaphore_mem>>
        %dma_start3A_182 = arith.constant 0 : i32
        %dma_start3A_183 = arith.constant 0 : i32
        %dma_start3A_184 = tpu.memref_slice %arg8[%run_scoped3A_133, %dma_start3A_182, %dma_start3A_183] : memref<4x128x64xf32, #tpu.memory_space<vmem>> -> memref<1x128x64xf32, #tpu.memory_space<vmem>>
        %dma_start3A_185 = tpu.memref_squeeze %dma_start3A_184 : memref<1x128x64xf32, #tpu.memory_space<vmem>> -> memref<128x64xf32, #tpu.memory_space<vmem>>
        %dma_start3A_186 = arith.constant 0 : i32
        %dma_start3A_187 = tpu.memref_slice %arg7[%add3A_121, %dma_start3A_186] : memref<80x128xi32, #tpu.memory_space<vmem>> -> memref<1x128xi32, #tpu.memory_space<vmem>>
        %dma_start3A_188 = tpu.memref_squeeze %dma_start3A_187 : memref<1x128xi32, #tpu.memory_space<vmem>> -> memref<128xi32, #tpu.memory_space<vmem>>
        %dma_start3A_189 = arith.constant 0 : i32
        %dma_start3A_190 = arith.constant 0 : i32
        %dma_start3A_191 = tpu.memref_slice %arg9[%dma_start3A_189, %dma_start3A_190] : memref<12288x64xf32, #tpu.memory_space<vmem_shared>> -> memref<12288x64xf32, #tpu.memory_space<vmem_shared>>
        tpu.enqueue_indirect_dma source(%dma_start3A_185 : memref<128x64xf32, #tpu.memory_space<vmem>>) target(%dma_start3A_191 : memref<12288x64xf32, #tpu.memory_space<vmem_shared>>) offsets(%dma_start3A_188 : memref<128xi32, #tpu.memory_space<vmem>>) semaphore(%run_scoped3A_181 : memref<!tpu.dma_semaphore, #tpu.memory_space<semaphore_mem>>) {add = true}
        %dma_wait3A_192 = arith.constant 0 : i32
        %dma_wait3A_193 = arith.constant 0 : i32
        %dma_wait3A_194 = tpu.memref_slice %arg8[%run_scoped3A_133, %dma_wait3A_192, %dma_wait3A_193] : memref<4x128x64xf32, #tpu.memory_space<vmem>> -> memref<1x128x64xf32, #tpu.memory_space<vmem>>
        %dma_wait3A_195 = tpu.memref_squeeze %dma_wait3A_194 : memref<1x128x64xf32, #tpu.memory_space<vmem>> -> memref<128x64xf32, #tpu.memory_space<vmem>>
        %dma_wait3A_196 = arith.constant 0 : i32
        %dma_wait3A_197 = tpu.memref_slice %arg7[%add3A_121, %dma_wait3A_196] : memref<80x128xi32, #tpu.memory_space<vmem>> -> memref<1x128xi32, #tpu.memory_space<vmem>>
        %dma_wait3A_198 = tpu.memref_squeeze %dma_wait3A_197 : memref<1x128xi32, #tpu.memory_space<vmem>> -> memref<128xi32, #tpu.memory_space<vmem>>
        %dma_wait3A_199 = arith.constant 0 : i32
        %dma_wait3A_200 = arith.constant 0 : i32
        %dma_wait3A_201 = tpu.memref_slice %arg9[%dma_wait3A_199, %dma_wait3A_200] : memref<12288x64xf32, #tpu.memory_space<vmem_shared>> -> memref<12288x64xf32, #tpu.memory_space<vmem_shared>>
        tpu.wait_indirect_dma semaphore(%run_scoped3A_181 : memref<!tpu.dma_semaphore, #tpu.memory_space<semaphore_mem>>) src(%dma_wait3A_195 : memref<128x64xf32, #tpu.memory_space<vmem>>) dst(%dma_wait3A_201 : memref<12288x64xf32, #tpu.memory_space<vmem_shared>>)
        tpu.yield
      }) : () -> ()
      %lt3A_134 = arith.constant 19 : i32
      %lt3A_135 = arith.cmpi slt, %scan3A_97, %lt3A_134 : i32
      %convert_element_type3A_136 = arith.extui %lt3A_135 : i1 to i32
      %cond3A_137 = arith.constant 0 : i32
      %cond3A_138 = arith.cmpi ne, %convert_element_type3A_136, %cond3A_137 : i32
      scf.if %cond3A_138 {
        %add3A_181 = arith.constant 4 : i32
        %add3A_182 = arith.addi %add3A_121, %add3A_181 : i32
        %dma_start3A_183 = arith.constant 1 : i32
        %dma_start3A_184 = arith.constant 0 : i32
        %dma_start3A_185 = arith.constant 0 : i32
        %dma_start3A_186 = tpu.memref_slice %arg8[%dma_start3A_183, %dma_start3A_184, %dma_start3A_185] : memref<4x128x64xf32, #tpu.memory_space<vmem>> -> memref<1x128x64xf32, #tpu.memory_space<vmem>>
        %dma_start3A_187 = tpu.memref_squeeze %dma_start3A_186 : memref<1x128x64xf32, #tpu.memory_space<vmem>> -> memref<128x64xf32, #tpu.memory_space<vmem>>
        %dma_start3A_188 = arith.constant 0 : i32
        %dma_start3A_189 = tpu.memref_slice %arg6[%add3A_182, %dma_start3A_188] : memref<80x128xi32, #tpu.memory_space<vmem>> -> memref<1x128xi32, #tpu.memory_space<vmem>>
        %dma_start3A_190 = tpu.memref_squeeze %dma_start3A_189 : memref<1x128xi32, #tpu.memory_space<vmem>> -> memref<128xi32, #tpu.memory_space<vmem>>
        %dma_start3A_191 = arith.constant 0 : i32
        %dma_start3A_192 = arith.constant 0 : i32
        %dma_start3A_193 = tpu.memref_slice %arg4[%dma_start3A_191, %dma_start3A_192] : memref<10000x64xf32, #tpu.memory_space<hbm>> -> memref<10000x64xf32, #tpu.memory_space<hbm>>
        tpu.enqueue_indirect_dma source(%dma_start3A_193 : memref<10000x64xf32, #tpu.memory_space<hbm>>) target(%dma_start3A_187 : memref<128x64xf32, #tpu.memory_space<vmem>>) offsets(%dma_start3A_190 : memref<128xi32, #tpu.memory_space<vmem>>) semaphore(%arg11 : memref<!tpu.dma_semaphore, #tpu.memory_space<semaphore_mem>>)
      } else {
      }
      %mul3A_139 = arith.constant 4 : i32
      %mul3A_140 = arith.muli %mul3A_139, %scan3A_97 : i32
      %add3A_141 = arith.constant 2 : i32
      %add3A_142 = arith.addi %mul3A_140, %add3A_141 : i32
      %dma_wait3A_143 = arith.constant 2 : i32
      %dma_wait3A_144 = arith.constant 0 : i32
      %dma_wait3A_145 = arith.constant 0 : i32
      %dma_wait3A_146 = tpu.memref_slice %arg8[%dma_wait3A_143, %dma_wait3A_144, %dma_wait3A_145] : memref<4x128x64xf32, #tpu.memory_space<vmem>> -> memref<1x128x64xf32, #tpu.memory_space<vmem>>
      %dma_wait3A_147 = tpu.memref_squeeze %dma_wait3A_146 : memref<1x128x64xf32, #tpu.memory_space<vmem>> -> memref<128x64xf32, #tpu.memory_space<vmem>>
      %dma_wait3A_148 = arith.constant 0 : i32
      %dma_wait3A_149 = tpu.memref_slice %arg6[%add3A_142, %dma_wait3A_148] : memref<80x128xi32, #tpu.memory_space<vmem>> -> memref<1x128xi32, #tpu.memory_space<vmem>>
      %dma_wait3A_150 = tpu.memref_squeeze %dma_wait3A_149 : memref<1x128xi32, #tpu.memory_space<vmem>> -> memref<128xi32, #tpu.memory_space<vmem>>
      %dma_wait3A_151 = arith.constant 0 : i32
      %dma_wait3A_152 = arith.constant 0 : i32
      %dma_wait3A_153 = tpu.memref_slice %arg4[%dma_wait3A_151, %dma_wait3A_152] : memref<10000x64xf32, #tpu.memory_space<hbm>> -> memref<10000x64xf32, #tpu.memory_space<hbm>>
      tpu.wait_indirect_dma semaphore(%arg12 : memref<!tpu.dma_semaphore, #tpu.memory_space<semaphore_mem>>) src(%dma_wait3A_153 : memref<10000x64xf32, #tpu.memory_space<hbm>>) dst(%dma_wait3A_147 : memref<128x64xf32, #tpu.memory_space<vmem>>)
      %run_scoped3A_154 = arith.constant 2 : i32
      "tpu.region"() ({
        %run_scoped3A_181 = tpu.sem_alloc : memref<!tpu.dma_semaphore, #tpu.memory_space<semaphore_mem>>
        %dma_start3A_182 = arith.constant 0 : i32
        %dma_start3A_183 = arith.constant 0 : i32
        %dma_start3A_184 = tpu.memref_slice %arg8[%run_scoped3A_154, %dma_start3A_182, %dma_start3A_183] : memref<4x128x64xf32, #tpu.memory_space<vmem>> -> memref<1x128x64xf32, #tpu.memory_space<vmem>>
        %dma_start3A_185 = tpu.memref_squeeze %dma_start3A_184 : memref<1x128x64xf32, #tpu.memory_space<vmem>> -> memref<128x64xf32, #tpu.memory_space<vmem>>
        %dma_start3A_186 = arith.constant 0 : i32
        %dma_start3A_187 = tpu.memref_slice %arg7[%add3A_142, %dma_start3A_186] : memref<80x128xi32, #tpu.memory_space<vmem>> -> memref<1x128xi32, #tpu.memory_space<vmem>>
        %dma_start3A_188 = tpu.memref_squeeze %dma_start3A_187 : memref<1x128xi32, #tpu.memory_space<vmem>> -> memref<128xi32, #tpu.memory_space<vmem>>
        %dma_start3A_189 = arith.constant 0 : i32
        %dma_start3A_190 = arith.constant 0 : i32
        %dma_start3A_191 = tpu.memref_slice %arg9[%dma_start3A_189, %dma_start3A_190] : memref<12288x64xf32, #tpu.memory_space<vmem_shared>> -> memref<12288x64xf32, #tpu.memory_space<vmem_shared>>
        tpu.enqueue_indirect_dma source(%dma_start3A_185 : memref<128x64xf32, #tpu.memory_space<vmem>>) target(%dma_start3A_191 : memref<12288x64xf32, #tpu.memory_space<vmem_shared>>) offsets(%dma_start3A_188 : memref<128xi32, #tpu.memory_space<vmem>>) semaphore(%run_scoped3A_181 : memref<!tpu.dma_semaphore, #tpu.memory_space<semaphore_mem>>) {add = true}
        %dma_wait3A_192 = arith.constant 0 : i32
        %dma_wait3A_193 = arith.constant 0 : i32
        %dma_wait3A_194 = tpu.memref_slice %arg8[%run_scoped3A_154, %dma_wait3A_192, %dma_wait3A_193] : memref<4x128x64xf32, #tpu.memory_space<vmem>> -> memref<1x128x64xf32, #tpu.memory_space<vmem>>
        %dma_wait3A_195 = tpu.memref_squeeze %dma_wait3A_194 : memref<1x128x64xf32, #tpu.memory_space<vmem>> -> memref<128x64xf32, #tpu.memory_space<vmem>>
        %dma_wait3A_196 = arith.constant 0 : i32
        %dma_wait3A_197 = tpu.memref_slice %arg7[%add3A_142, %dma_wait3A_196] : memref<80x128xi32, #tpu.memory_space<vmem>> -> memref<1x128xi32, #tpu.memory_space<vmem>>
        %dma_wait3A_198 = tpu.memref_squeeze %dma_wait3A_197 : memref<1x128xi32, #tpu.memory_space<vmem>> -> memref<128xi32, #tpu.memory_space<vmem>>
        %dma_wait3A_199 = arith.constant 0 : i32
        %dma_wait3A_200 = arith.constant 0 : i32
        %dma_wait3A_201 = tpu.memref_slice %arg9[%dma_wait3A_199, %dma_wait3A_200] : memref<12288x64xf32, #tpu.memory_space<vmem_shared>> -> memref<12288x64xf32, #tpu.memory_space<vmem_shared>>
        tpu.wait_indirect_dma semaphore(%run_scoped3A_181 : memref<!tpu.dma_semaphore, #tpu.memory_space<semaphore_mem>>) src(%dma_wait3A_195 : memref<128x64xf32, #tpu.memory_space<vmem>>) dst(%dma_wait3A_201 : memref<12288x64xf32, #tpu.memory_space<vmem_shared>>)
        tpu.yield
      }) : () -> ()
      %lt3A_155 = arith.constant 19 : i32
      %lt3A_156 = arith.cmpi slt, %scan3A_97, %lt3A_155 : i32
      %convert_element_type3A_157 = arith.extui %lt3A_156 : i1 to i32
      %cond3A_158 = arith.constant 0 : i32
      %cond3A_159 = arith.cmpi ne, %convert_element_type3A_157, %cond3A_158 : i32
      scf.if %cond3A_159 {
        %add3A_181 = arith.constant 4 : i32
        %add3A_182 = arith.addi %add3A_142, %add3A_181 : i32
        %dma_start3A_183 = arith.constant 2 : i32
        %dma_start3A_184 = arith.constant 0 : i32
        %dma_start3A_185 = arith.constant 0 : i32
        %dma_start3A_186 = tpu.memref_slice %arg8[%dma_start3A_183, %dma_start3A_184, %dma_start3A_185] : memref<4x128x64xf32, #tpu.memory_space<vmem>> -> memref<1x128x64xf32, #tpu.memory_space<vmem>>
        %dma_start3A_187 = tpu.memref_squeeze %dma_start3A_186 : memref<1x128x64xf32, #tpu.memory_space<vmem>> -> memref<128x64xf32, #tpu.memory_space<vmem>>
        %dma_start3A_188 = arith.constant 0 : i32
        %dma_start3A_189 = tpu.memref_slice %arg6[%add3A_182, %dma_start3A_188] : memref<80x128xi32, #tpu.memory_space<vmem>> -> memref<1x128xi32, #tpu.memory_space<vmem>>
        %dma_start3A_190 = tpu.memref_squeeze %dma_start3A_189 : memref<1x128xi32, #tpu.memory_space<vmem>> -> memref<128xi32, #tpu.memory_space<vmem>>
        %dma_start3A_191 = arith.constant 0 : i32
        %dma_start3A_192 = arith.constant 0 : i32
        %dma_start3A_193 = tpu.memref_slice %arg4[%dma_start3A_191, %dma_start3A_192] : memref<10000x64xf32, #tpu.memory_space<hbm>> -> memref<10000x64xf32, #tpu.memory_space<hbm>>
        tpu.enqueue_indirect_dma source(%dma_start3A_193 : memref<10000x64xf32, #tpu.memory_space<hbm>>) target(%dma_start3A_187 : memref<128x64xf32, #tpu.memory_space<vmem>>) offsets(%dma_start3A_190 : memref<128xi32, #tpu.memory_space<vmem>>) semaphore(%arg12 : memref<!tpu.dma_semaphore, #tpu.memory_space<semaphore_mem>>)
      } else {
      }
      %mul3A_160 = arith.constant 4 : i32
      %mul3A_161 = arith.muli %mul3A_160, %scan3A_97 : i32
      %add3A_162 = arith.constant 3 : i32
      %add3A_163 = arith.addi %mul3A_161, %add3A_162 : i32
      %dma_wait3A_164 = arith.constant 3 : i32
      %dma_wait3A_165 = arith.constant 0 : i32
      %dma_wait3A_166 = arith.constant 0 : i32
      %dma_wait3A_167 = tpu.memref_slice %arg8[%dma_wait3A_164, %dma_wait3A_165, %dma_wait3A_166] : memref<4x128x64xf32, #tpu.memory_space<vmem>> -> memref<1x128x64xf32, #tpu.memory_space<vmem>>
      %dma_wait3A_168 = tpu.memref_squeeze %dma_wait3A_167 : memref<1x128x64xf32, #tpu.memory_space<vmem>> -> memref<128x64xf32, #tpu.memory_space<vmem>>
      %dma_wait3A_169 = arith.constant 0 : i32
      %dma_wait3A_170 = tpu.memref_slice %arg6[%add3A_163, %dma_wait3A_169] : memref<80x128xi32, #tpu.memory_space<vmem>> -> memref<1x128xi32, #tpu.memory_space<vmem>>
      %dma_wait3A_171 = tpu.memref_squeeze %dma_wait3A_170 : memref<1x128xi32, #tpu.memory_space<vmem>> -> memref<128xi32, #tpu.memory_space<vmem>>
      %dma_wait3A_172 = arith.constant 0 : i32
      %dma_wait3A_173 = arith.constant 0 : i32
      %dma_wait3A_174 = tpu.memref_slice %arg4[%dma_wait3A_172, %dma_wait3A_173] : memref<10000x64xf32, #tpu.memory_space<hbm>> -> memref<10000x64xf32, #tpu.memory_space<hbm>>
      tpu.wait_indirect_dma semaphore(%arg13 : memref<!tpu.dma_semaphore, #tpu.memory_space<semaphore_mem>>) src(%dma_wait3A_174 : memref<10000x64xf32, #tpu.memory_space<hbm>>) dst(%dma_wait3A_168 : memref<128x64xf32, #tpu.memory_space<vmem>>)
      %run_scoped3A_175 = arith.constant 3 : i32
      "tpu.region"() ({
        %run_scoped3A_181 = tpu.sem_alloc : memref<!tpu.dma_semaphore, #tpu.memory_space<semaphore_mem>>
        %dma_start3A_182 = arith.constant 0 : i32
        %dma_start3A_183 = arith.constant 0 : i32
        %dma_start3A_184 = tpu.memref_slice %arg8[%run_scoped3A_175, %dma_start3A_182, %dma_start3A_183] : memref<4x128x64xf32, #tpu.memory_space<vmem>> -> memref<1x128x64xf32, #tpu.memory_space<vmem>>
        %dma_start3A_185 = tpu.memref_squeeze %dma_start3A_184 : memref<1x128x64xf32, #tpu.memory_space<vmem>> -> memref<128x64xf32, #tpu.memory_space<vmem>>
        %dma_start3A_186 = arith.constant 0 : i32
        %dma_start3A_187 = tpu.memref_slice %arg7[%add3A_163, %dma_start3A_186] : memref<80x128xi32, #tpu.memory_space<vmem>> -> memref<1x128xi32, #tpu.memory_space<vmem>>
        %dma_start3A_188 = tpu.memref_squeeze %dma_start3A_187 : memref<1x128xi32, #tpu.memory_space<vmem>> -> memref<128xi32, #tpu.memory_space<vmem>>
        %dma_start3A_189 = arith.constant 0 : i32
        %dma_start3A_190 = arith.constant 0 : i32
        %dma_start3A_191 = tpu.memref_slice %arg9[%dma_start3A_189, %dma_start3A_190] : memref<12288x64xf32, #tpu.memory_space<vmem_shared>> -> memref<12288x64xf32, #tpu.memory_space<vmem_shared>>
        tpu.enqueue_indirect_dma source(%dma_start3A_185 : memref<128x64xf32, #tpu.memory_space<vmem>>) target(%dma_start3A_191 : memref<12288x64xf32, #tpu.memory_space<vmem_shared>>) offsets(%dma_start3A_188 : memref<128xi32, #tpu.memory_space<vmem>>) semaphore(%run_scoped3A_181 : memref<!tpu.dma_semaphore, #tpu.memory_space<semaphore_mem>>) {add = true}
        %dma_wait3A_192 = arith.constant 0 : i32
        %dma_wait3A_193 = arith.constant 0 : i32
        %dma_wait3A_194 = tpu.memref_slice %arg8[%run_scoped3A_175, %dma_wait3A_192, %dma_wait3A_193] : memref<4x128x64xf32, #tpu.memory_space<vmem>> -> memref<1x128x64xf32, #tpu.memory_space<vmem>>
        %dma_wait3A_195 = tpu.memref_squeeze %dma_wait3A_194 : memref<1x128x64xf32, #tpu.memory_space<vmem>> -> memref<128x64xf32, #tpu.memory_space<vmem>>
        %dma_wait3A_196 = arith.constant 0 : i32
        %dma_wait3A_197 = tpu.memref_slice %arg7[%add3A_163, %dma_wait3A_196] : memref<80x128xi32, #tpu.memory_space<vmem>> -> memref<1x128xi32, #tpu.memory_space<vmem>>
        %dma_wait3A_198 = tpu.memref_squeeze %dma_wait3A_197 : memref<1x128xi32, #tpu.memory_space<vmem>> -> memref<128xi32, #tpu.memory_space<vmem>>
        %dma_wait3A_199 = arith.constant 0 : i32
        %dma_wait3A_200 = arith.constant 0 : i32
        %dma_wait3A_201 = tpu.memref_slice %arg9[%dma_wait3A_199, %dma_wait3A_200] : memref<12288x64xf32, #tpu.memory_space<vmem_shared>> -> memref<12288x64xf32, #tpu.memory_space<vmem_shared>>
        tpu.wait_indirect_dma semaphore(%run_scoped3A_181 : memref<!tpu.dma_semaphore, #tpu.memory_space<semaphore_mem>>) src(%dma_wait3A_195 : memref<128x64xf32, #tpu.memory_space<vmem>>) dst(%dma_wait3A_201 : memref<12288x64xf32, #tpu.memory_space<vmem_shared>>)
        tpu.yield
      }) : () -> ()
      %lt3A_176 = arith.constant 19 : i32
      %lt3A_177 = arith.cmpi slt, %scan3A_97, %lt3A_176 : i32
      %convert_element_type3A_178 = arith.extui %lt3A_177 : i1 to i32
      %cond3A_179 = arith.constant 0 : i32
      %cond3A_180 = arith.cmpi ne, %convert_element_type3A_178, %cond3A_179 : i32
      scf.if %cond3A_180 {
        %add3A_181 = arith.constant 4 : i32
        %add3A_182 = arith.addi %add3A_163, %add3A_181 : i32
        %dma_start3A_183 = arith.constant 3 : i32
        %dma_start3A_184 = arith.constant 0 : i32
        %dma_start3A_185 = arith.constant 0 : i32
        %dma_start3A_186 = tpu.memref_slice %arg8[%dma_start3A_183, %dma_start3A_184, %dma_start3A_185] : memref<4x128x64xf32, #tpu.memory_space<vmem>> -> memref<1x128x64xf32, #tpu.memory_space<vmem>>
        %dma_start3A_187 = tpu.memref_squeeze %dma_start3A_186 : memref<1x128x64xf32, #tpu.memory_space<vmem>> -> memref<128x64xf32, #tpu.memory_space<vmem>>
        %dma_start3A_188 = arith.constant 0 : i32
        %dma_start3A_189 = tpu.memref_slice %arg6[%add3A_182, %dma_start3A_188] : memref<80x128xi32, #tpu.memory_space<vmem>> -> memref<1x128xi32, #tpu.memory_space<vmem>>
        %dma_start3A_190 = tpu.memref_squeeze %dma_start3A_189 : memref<1x128xi32, #tpu.memory_space<vmem>> -> memref<128xi32, #tpu.memory_space<vmem>>
        %dma_start3A_191 = arith.constant 0 : i32
        %dma_start3A_192 = arith.constant 0 : i32
        %dma_start3A_193 = tpu.memref_slice %arg4[%dma_start3A_191, %dma_start3A_192] : memref<10000x64xf32, #tpu.memory_space<hbm>> -> memref<10000x64xf32, #tpu.memory_space<hbm>>
        tpu.enqueue_indirect_dma source(%dma_start3A_193 : memref<10000x64xf32, #tpu.memory_space<hbm>>) target(%dma_start3A_187 : memref<128x64xf32, #tpu.memory_space<vmem>>) offsets(%dma_start3A_190 : memref<128xi32, #tpu.memory_space<vmem>>) semaphore(%arg13 : memref<!tpu.dma_semaphore, #tpu.memory_space<semaphore_mem>>)
      } else {
      }
    }
    %scan3A_87 = arith.constant 20 : i32
    %barrier3A_88 = arith.constant 0 : index
    tpu.barrier barrier_id(%barrier3A_88)
    %mul3A_89 = arith.constant 768 : i32
    %mul3A_90 = arith.muli %arg1, %mul3A_89 : i32
    %lt3A = arith.constant 13 : i32
    %lt3A_91 = arith.cmpi slt, %arg1, %lt3A : i32
    %convert_element_type3A = arith.extui %lt3A_91 : i1 to i32
    %cond3A = arith.constant 0 : i32
    %cond3A_92 = arith.cmpi ne, %convert_element_type3A, %cond3A : i32
    scf.if %cond3A_92 {
      %mul3A_97 = arith.constant 10048 : i32
      %mul3A_98 = arith.muli %arg0, %mul3A_97 : i32
      %add3A_99 = arith.addi %mul3A_98, %mul3A_90 : i32
      "tpu.region"() ({
        %run_scoped3A_100 = tpu.sem_alloc : memref<!tpu.dma_semaphore, #tpu.memory_space<semaphore_mem>>
        %dma_start3A_101 = arith.constant 0 : i32
        %dma_start3A_102 = tpu.memref_slice %arg5[%add3A_99, %dma_start3A_101] : memref<20096x64xf32, #tpu.memory_space<hbm>> -> memref<768x64xf32, #tpu.memory_space<hbm>>
        %dma_start3A_103 = arith.constant 0 : i32
        %dma_start3A_104 = tpu.memref_slice %arg9[%mul3A_90, %dma_start3A_103] : memref<12288x64xf32, #tpu.memory_space<vmem_shared>> -> memref<768x64xf32, #tpu.memory_space<vmem_shared>>
        tpu.enqueue_dma source(%dma_start3A_104 : memref<768x64xf32, #tpu.memory_space<vmem_shared>>) target(%dma_start3A_102 : memref<768x64xf32, #tpu.memory_space<hbm>>) target_semaphore(%run_scoped3A_100 : memref<!tpu.dma_semaphore, #tpu.memory_space<semaphore_mem>>)
        %dma_wait3A = arith.constant 0 : i32
        %dma_wait3A_105 = tpu.memref_slice %arg5[%add3A_99, %dma_wait3A] : memref<20096x64xf32, #tpu.memory_space<hbm>> -> memref<768x64xf32, #tpu.memory_space<hbm>>
        %dma_wait3A_106 = arith.constant 0 : i32
        %dma_wait3A_107 = tpu.memref_slice %arg9[%mul3A_90, %dma_wait3A_106] : memref<12288x64xf32, #tpu.memory_space<vmem_shared>> -> memref<768x64xf32, #tpu.memory_space<vmem_shared>>
        tpu.wait_dma2 semaphore(%run_scoped3A_100 : memref<!tpu.dma_semaphore, #tpu.memory_space<semaphore_mem>>) src(%dma_wait3A_107 : memref<768x64xf32, #tpu.memory_space<vmem_shared>>) dst(%dma_wait3A_105 : memref<768x64xf32, #tpu.memory_space<hbm>>)
        tpu.yield
      }) : () -> ()
    } else {
    }
    %eq3A = arith.constant 13 : i32
    %eq3A_93 = arith.cmpi eq, %arg1, %eq3A : i32
    %convert_element_type3A_94 = arith.extui %eq3A_93 : i1 to i32
    %cond3A_95 = arith.constant 0 : i32
    %cond3A_96 = arith.cmpi ne, %convert_element_type3A_94, %cond3A_95 : i32
    scf.if %cond3A_96 {
      %mul3A_97 = arith.constant 10048 : i32
      %mul3A_98 = arith.muli %arg0, %mul3A_97 : i32
      %add3A_99 = arith.addi %mul3A_98, %mul3A_90 : i32
      "tpu.region"() ({
        %run_scoped3A_100 = tpu.sem_alloc : memref<!tpu.dma_semaphore, #tpu.memory_space<semaphore_mem>>
        %dma_start3A_101 = arith.constant 0 : i32
        %dma_start3A_102 = tpu.memref_slice %arg5[%add3A_99, %dma_start3A_101] : memref<20096x64xf32, #tpu.memory_space<hbm>> -> memref<64x64xf32, #tpu.memory_space<hbm>>
        %dma_start3A_103 = arith.constant 0 : i32
        %dma_start3A_104 = tpu.memref_slice %arg9[%mul3A_90, %dma_start3A_103] : memref<12288x64xf32, #tpu.memory_space<vmem_shared>> -> memref<64x64xf32, #tpu.memory_space<vmem_shared>>
        tpu.enqueue_dma source(%dma_start3A_104 : memref<64x64xf32, #tpu.memory_space<vmem_shared>>) target(%dma_start3A_102 : memref<64x64xf32, #tpu.memory_space<hbm>>) target_semaphore(%run_scoped3A_100 : memref<!tpu.dma_semaphore, #tpu.memory_space<semaphore_mem>>)
        %dma_wait3A = arith.constant 0 : i32
        %dma_wait3A_105 = tpu.memref_slice %arg5[%add3A_99, %dma_wait3A] : memref<20096x64xf32, #tpu.memory_space<hbm>> -> memref<64x64xf32, #tpu.memory_space<hbm>>
        %dma_wait3A_106 = arith.constant 0 : i32
        %dma_wait3A_107 = tpu.memref_slice %arg9[%mul3A_90, %dma_wait3A_106] : memref<12288x64xf32, #tpu.memory_space<vmem_shared>> -> memref<64x64xf32, #tpu.memory_space<vmem_shared>>
        tpu.wait_dma2 semaphore(%run_scoped3A_100 : memref<!tpu.dma_semaphore, #tpu.memory_space<semaphore_mem>>) src(%dma_wait3A_107 : memref<64x64xf32, #tpu.memory_space<vmem_shared>>) dst(%dma_wait3A_105 : memref<64x64xf32, #tpu.memory_space<hbm>>)
        tpu.yield
      }) : () -> ()
    } else {
    }
    return
  }
}

#map = affine_map<(d0, d1) -> (0, 0, 0)>
#map1 = affine_map<(d0, d1) -> (0, 0)>
module attributes {stable_mosaic.version = 14 : i64} {
  func.func @_deg_dis(%arg0: i32, %arg1: i32, %arg2: memref<32x80x128xi32, #tpu.memory_space<hbm>>, %arg3: memref<12288x64xf32, #tpu.memory_space<hbm>>, %arg4: memref<80x128xi32, #tpu.memory_space<vmem>>, %arg5: memref<128xf32, #tpu.memory_space<vmem>>, %arg6: memref<768xf32, #tpu.memory_space<vmem>>, %arg7: memref<384x64xf32, #tpu.memory_space<vmem>>, %arg8: memref<12288xf32, #tpu.memory_space<vmem_shared>>) attributes {dimension_semantics = [#tpu.dimension_semantics<core_parallel>, #tpu.dimension_semantics<subcore_parallel>], iteration_bounds = array<i64: 2, 16>, scalar_prefetch = 0 : i64, scratch_operands = 5 : i64, tpu.core_type = #tpu.core_type<sc_vector_subcore>, window_params = [{transform_indices = #map}, {transform_indices = #map1}]} {
    %broadcast_in_dim3A = arith.constant 1.000000e+00 : f32
    %broadcast_in_dim3A_0 = vector.broadcast %broadcast_in_dim3A : f32 to vector<16xf32>
    %swap3A = arith.constant 0 : index
    %swap3A_1 = tpu.vector_load %arg5[%swap3A] {strides = array<i32>} : memref<128xf32, #tpu.memory_space<vmem>>, vector<16xf32>,
    tpu.vector_store %arg5[%swap3A], %broadcast_in_dim3A_0 {strides = array<i32>} : memref<128xf32, #tpu.memory_space<vmem>>, vector<16xf32>,
    %broadcast_in_dim3A_2 = arith.constant 1.000000e+00 : f32
    %broadcast_in_dim3A_3 = vector.broadcast %broadcast_in_dim3A_2 : f32 to vector<16xf32>
    %swap3A_4 = arith.constant 16 : index
    %swap3A_5 = tpu.vector_load %arg5[%swap3A_4] {strides = array<i32>} : memref<128xf32, #tpu.memory_space<vmem>>, vector<16xf32>,
    tpu.vector_store %arg5[%swap3A_4], %broadcast_in_dim3A_3 {strides = array<i32>} : memref<128xf32, #tpu.memory_space<vmem>>, vector<16xf32>,
    %broadcast_in_dim3A_6 = arith.constant 1.000000e+00 : f32
    %broadcast_in_dim3A_7 = vector.broadcast %broadcast_in_dim3A_6 : f32 to vector<16xf32>
    %swap3A_8 = arith.constant 32 : index
    %swap3A_9 = tpu.vector_load %arg5[%swap3A_8] {strides = array<i32>} : memref<128xf32, #tpu.memory_space<vmem>>, vector<16xf32>,
    tpu.vector_store %arg5[%swap3A_8], %broadcast_in_dim3A_7 {strides = array<i32>} : memref<128xf32, #tpu.memory_space<vmem>>, vector<16xf32>,
    %broadcast_in_dim3A_10 = arith.constant 1.000000e+00 : f32
    %broadcast_in_dim3A_11 = vector.broadcast %broadcast_in_dim3A_10 : f32 to vector<16xf32>
    %swap3A_12 = arith.constant 48 : index
    %swap3A_13 = tpu.vector_load %arg5[%swap3A_12] {strides = array<i32>} : memref<128xf32, #tpu.memory_space<vmem>>, vector<16xf32>,
    tpu.vector_store %arg5[%swap3A_12], %broadcast_in_dim3A_11 {strides = array<i32>} : memref<128xf32, #tpu.memory_space<vmem>>, vector<16xf32>,
    %broadcast_in_dim3A_14 = arith.constant 1.000000e+00 : f32
    %broadcast_in_dim3A_15 = vector.broadcast %broadcast_in_dim3A_14 : f32 to vector<16xf32>
    %swap3A_16 = arith.constant 64 : index
    %swap3A_17 = tpu.vector_load %arg5[%swap3A_16] {strides = array<i32>} : memref<128xf32, #tpu.memory_space<vmem>>, vector<16xf32>,
    tpu.vector_store %arg5[%swap3A_16], %broadcast_in_dim3A_15 {strides = array<i32>} : memref<128xf32, #tpu.memory_space<vmem>>, vector<16xf32>,
    %broadcast_in_dim3A_18 = arith.constant 1.000000e+00 : f32
    %broadcast_in_dim3A_19 = vector.broadcast %broadcast_in_dim3A_18 : f32 to vector<16xf32>
    %swap3A_20 = arith.constant 80 : index
    %swap3A_21 = tpu.vector_load %arg5[%swap3A_20] {strides = array<i32>} : memref<128xf32, #tpu.memory_space<vmem>>, vector<16xf32>,
    tpu.vector_store %arg5[%swap3A_20], %broadcast_in_dim3A_19 {strides = array<i32>} : memref<128xf32, #tpu.memory_space<vmem>>, vector<16xf32>,
    %broadcast_in_dim3A_22 = arith.constant 1.000000e+00 : f32
    %broadcast_in_dim3A_23 = vector.broadcast %broadcast_in_dim3A_22 : f32 to vector<16xf32>
    %swap3A_24 = arith.constant 96 : index
    %swap3A_25 = tpu.vector_load %arg5[%swap3A_24] {strides = array<i32>} : memref<128xf32, #tpu.memory_space<vmem>>, vector<16xf32>,
    tpu.vector_store %arg5[%swap3A_24], %broadcast_in_dim3A_23 {strides = array<i32>} : memref<128xf32, #tpu.memory_space<vmem>>, vector<16xf32>,
    %broadcast_in_dim3A_26 = arith.constant 1.000000e+00 : f32
    %broadcast_in_dim3A_27 = vector.broadcast %broadcast_in_dim3A_26 : f32 to vector<16xf32>
    %swap3A_28 = arith.constant 112 : index
    %swap3A_29 = tpu.vector_load %arg5[%swap3A_28] {strides = array<i32>} : memref<128xf32, #tpu.memory_space<vmem>>, vector<16xf32>,
    tpu.vector_store %arg5[%swap3A_28], %broadcast_in_dim3A_27 {strides = array<i32>} : memref<128xf32, #tpu.memory_space<vmem>>, vector<16xf32>,
    %broadcast_in_dim3A_30 = arith.constant 0.000000e+00 : f32
    %broadcast_in_dim3A_31 = vector.broadcast %broadcast_in_dim3A_30 : f32 to vector<16xf32>
    %swap3A_32 = arith.constant 0 : index
    %swap3A_33 = tpu.vector_load %arg6[%swap3A_32] {strides = array<i32>} : memref<768xf32, #tpu.memory_space<vmem>>, vector<16xf32>,
    tpu.vector_store %arg6[%swap3A_32], %broadcast_in_dim3A_31 {strides = array<i32>} : memref<768xf32, #tpu.memory_space<vmem>>, vector<16xf32>,
    %broadcast_in_dim3A_34 = arith.constant 0.000000e+00 : f32
    %broadcast_in_dim3A_35 = vector.broadcast %broadcast_in_dim3A_34 : f32 to vector<16xf32>
    %swap3A_36 = arith.constant 16 : index
    %swap3A_37 = tpu.vector_load %arg6[%swap3A_36] {strides = array<i32>} : memref<768xf32, #tpu.memory_space<vmem>>, vector<16xf32>,
    tpu.vector_store %arg6[%swap3A_36], %broadcast_in_dim3A_35 {strides = array<i32>} : memref<768xf32, #tpu.memory_space<vmem>>, vector<16xf32>,
    %broadcast_in_dim3A_38 = arith.constant 0.000000e+00 : f32
    %broadcast_in_dim3A_39 = vector.broadcast %broadcast_in_dim3A_38 : f32 to vector<16xf32>
    %swap3A_40 = arith.constant 32 : index
    %swap3A_41 = tpu.vector_load %arg6[%swap3A_40] {strides = array<i32>} : memref<768xf32, #tpu.memory_space<vmem>>, vector<16xf32>,
    tpu.vector_store %arg6[%swap3A_40], %broadcast_in_dim3A_39 {strides = array<i32>} : memref<768xf32, #tpu.memory_space<vmem>>, vector<16xf32>,
    %broadcast_in_dim3A_42 = arith.constant 0.000000e+00 : f32
    %broadcast_in_dim3A_43 = vector.broadcast %broadcast_in_dim3A_42 : f32 to vector<16xf32>
    %swap3A_44 = arith.constant 48 : index
    %swap3A_45 = tpu.vector_load %arg6[%swap3A_44] {strides = array<i32>} : memref<768xf32, #tpu.memory_space<vmem>>, vector<16xf32>,
    tpu.vector_store %arg6[%swap3A_44], %broadcast_in_dim3A_43 {strides = array<i32>} : memref<768xf32, #tpu.memory_space<vmem>>, vector<16xf32>,
    %broadcast_in_dim3A_46 = arith.constant 0.000000e+00 : f32
    %broadcast_in_dim3A_47 = vector.broadcast %broadcast_in_dim3A_46 : f32 to vector<16xf32>
    %swap3A_48 = arith.constant 64 : index
    %swap3A_49 = tpu.vector_load %arg6[%swap3A_48] {strides = array<i32>} : memref<768xf32, #tpu.memory_space<vmem>>, vector<16xf32>,
    tpu.vector_store %arg6[%swap3A_48], %broadcast_in_dim3A_47 {strides = array<i32>} : memref<768xf32, #tpu.memory_space<vmem>>, vector<16xf32>,
    %broadcast_in_dim3A_50 = arith.constant 0.000000e+00 : f32
    %broadcast_in_dim3A_51 = vector.broadcast %broadcast_in_dim3A_50 : f32 to vector<16xf32>
    %swap3A_52 = arith.constant 80 : index
    %swap3A_53 = tpu.vector_load %arg6[%swap3A_52] {strides = array<i32>} : memref<768xf32, #tpu.memory_space<vmem>>, vector<16xf32>,
    tpu.vector_store %arg6[%swap3A_52], %broadcast_in_dim3A_51 {strides = array<i32>} : memref<768xf32, #tpu.memory_space<vmem>>, vector<16xf32>,
    %broadcast_in_dim3A_54 = arith.constant 0.000000e+00 : f32
    %broadcast_in_dim3A_55 = vector.broadcast %broadcast_in_dim3A_54 : f32 to vector<16xf32>
    %swap3A_56 = arith.constant 96 : index
    %swap3A_57 = tpu.vector_load %arg6[%swap3A_56] {strides = array<i32>} : memref<768xf32, #tpu.memory_space<vmem>>, vector<16xf32>,
    tpu.vector_store %arg6[%swap3A_56], %broadcast_in_dim3A_55 {strides = array<i32>} : memref<768xf32, #tpu.memory_space<vmem>>, vector<16xf32>,
    %broadcast_in_dim3A_58 = arith.constant 0.000000e+00 : f32
    %broadcast_in_dim3A_59 = vector.broadcast %broadcast_in_dim3A_58 : f32 to vector<16xf32>
    %swap3A_60 = arith.constant 112 : index
    %swap3A_61 = tpu.vector_load %arg6[%swap3A_60] {strides = array<i32>} : memref<768xf32, #tpu.memory_space<vmem>>, vector<16xf32>,
    tpu.vector_store %arg6[%swap3A_60], %broadcast_in_dim3A_59 {strides = array<i32>} : memref<768xf32, #tpu.memory_space<vmem>>, vector<16xf32>,
    %broadcast_in_dim3A_62 = arith.constant 0.000000e+00 : f32
    %broadcast_in_dim3A_63 = vector.broadcast %broadcast_in_dim3A_62 : f32 to vector<16xf32>
    %swap3A_64 = arith.constant 128 : index
    %swap3A_65 = tpu.vector_load %arg6[%swap3A_64] {strides = array<i32>} : memref<768xf32, #tpu.memory_space<vmem>>, vector<16xf32>,
    tpu.vector_store %arg6[%swap3A_64], %broadcast_in_dim3A_63 {strides = array<i32>} : memref<768xf32, #tpu.memory_space<vmem>>, vector<16xf32>,
    %broadcast_in_dim3A_66 = arith.constant 0.000000e+00 : f32
    %broadcast_in_dim3A_67 = vector.broadcast %broadcast_in_dim3A_66 : f32 to vector<16xf32>
    %swap3A_68 = arith.constant 144 : index
    %swap3A_69 = tpu.vector_load %arg6[%swap3A_68] {strides = array<i32>} : memref<768xf32, #tpu.memory_space<vmem>>, vector<16xf32>,
    tpu.vector_store %arg6[%swap3A_68], %broadcast_in_dim3A_67 {strides = array<i32>} : memref<768xf32, #tpu.memory_space<vmem>>, vector<16xf32>,
    %broadcast_in_dim3A_70 = arith.constant 0.000000e+00 : f32
    %broadcast_in_dim3A_71 = vector.broadcast %broadcast_in_dim3A_70 : f32 to vector<16xf32>
    %swap3A_72 = arith.constant 160 : index
    %swap3A_73 = tpu.vector_load %arg6[%swap3A_72] {strides = array<i32>} : memref<768xf32, #tpu.memory_space<vmem>>, vector<16xf32>,
    tpu.vector_store %arg6[%swap3A_72], %broadcast_in_dim3A_71 {strides = array<i32>} : memref<768xf32, #tpu.memory_space<vmem>>, vector<16xf32>,
    %broadcast_in_dim3A_74 = arith.constant 0.000000e+00 : f32
    %broadcast_in_dim3A_75 = vector.broadcast %broadcast_in_dim3A_74 : f32 to vector<16xf32>
    %swap3A_76 = arith.constant 176 : index
    %swap3A_77 = tpu.vector_load %arg6[%swap3A_76] {strides = array<i32>} : memref<768xf32, #tpu.memory_space<vmem>>, vector<16xf32>,
    tpu.vector_store %arg6[%swap3A_76], %broadcast_in_dim3A_75 {strides = array<i32>} : memref<768xf32, #tpu.memory_space<vmem>>, vector<16xf32>,
    %broadcast_in_dim3A_78 = arith.constant 0.000000e+00 : f32
    %broadcast_in_dim3A_79 = vector.broadcast %broadcast_in_dim3A_78 : f32 to vector<16xf32>
    %swap3A_80 = arith.constant 192 : index
    %swap3A_81 = tpu.vector_load %arg6[%swap3A_80] {strides = array<i32>} : memref<768xf32, #tpu.memory_space<vmem>>, vector<16xf32>,
    tpu.vector_store %arg6[%swap3A_80], %broadcast_in_dim3A_79 {strides = array<i32>} : memref<768xf32, #tpu.memory_space<vmem>>, vector<16xf32>,
    %broadcast_in_dim3A_82 = arith.constant 0.000000e+00 : f32
    %broadcast_in_dim3A_83 = vector.broadcast %broadcast_in_dim3A_82 : f32 to vector<16xf32>
    %swap3A_84 = arith.constant 208 : index
    %swap3A_85 = tpu.vector_load %arg6[%swap3A_84] {strides = array<i32>} : memref<768xf32, #tpu.memory_space<vmem>>, vector<16xf32>,
    tpu.vector_store %arg6[%swap3A_84], %broadcast_in_dim3A_83 {strides = array<i32>} : memref<768xf32, #tpu.memory_space<vmem>>, vector<16xf32>,
    %broadcast_in_dim3A_86 = arith.constant 0.000000e+00 : f32
    %broadcast_in_dim3A_87 = vector.broadcast %broadcast_in_dim3A_86 : f32 to vector<16xf32>
    %swap3A_88 = arith.constant 224 : index
    %swap3A_89 = tpu.vector_load %arg6[%swap3A_88] {strides = array<i32>} : memref<768xf32, #tpu.memory_space<vmem>>, vector<16xf32>,
    tpu.vector_store %arg6[%swap3A_88], %broadcast_in_dim3A_87 {strides = array<i32>} : memref<768xf32, #tpu.memory_space<vmem>>, vector<16xf32>,
    %broadcast_in_dim3A_90 = arith.constant 0.000000e+00 : f32
    %broadcast_in_dim3A_91 = vector.broadcast %broadcast_in_dim3A_90 : f32 to vector<16xf32>
    %swap3A_92 = arith.constant 240 : index
    %swap3A_93 = tpu.vector_load %arg6[%swap3A_92] {strides = array<i32>} : memref<768xf32, #tpu.memory_space<vmem>>, vector<16xf32>,
    tpu.vector_store %arg6[%swap3A_92], %broadcast_in_dim3A_91 {strides = array<i32>} : memref<768xf32, #tpu.memory_space<vmem>>, vector<16xf32>,
    %broadcast_in_dim3A_94 = arith.constant 0.000000e+00 : f32
    %broadcast_in_dim3A_95 = vector.broadcast %broadcast_in_dim3A_94 : f32 to vector<16xf32>
    %swap3A_96 = arith.constant 256 : index
    %swap3A_97 = tpu.vector_load %arg6[%swap3A_96] {strides = array<i32>} : memref<768xf32, #tpu.memory_space<vmem>>, vector<16xf32>,
    tpu.vector_store %arg6[%swap3A_96], %broadcast_in_dim3A_95 {strides = array<i32>} : memref<768xf32, #tpu.memory_space<vmem>>, vector<16xf32>,
    %broadcast_in_dim3A_98 = arith.constant 0.000000e+00 : f32
    %broadcast_in_dim3A_99 = vector.broadcast %broadcast_in_dim3A_98 : f32 to vector<16xf32>
    %swap3A_100 = arith.constant 272 : index
    %swap3A_101 = tpu.vector_load %arg6[%swap3A_100] {strides = array<i32>} : memref<768xf32, #tpu.memory_space<vmem>>, vector<16xf32>,
    tpu.vector_store %arg6[%swap3A_100], %broadcast_in_dim3A_99 {strides = array<i32>} : memref<768xf32, #tpu.memory_space<vmem>>, vector<16xf32>,
    %broadcast_in_dim3A_102 = arith.constant 0.000000e+00 : f32
    %broadcast_in_dim3A_103 = vector.broadcast %broadcast_in_dim3A_102 : f32 to vector<16xf32>
    %swap3A_104 = arith.constant 288 : index
    %swap3A_105 = tpu.vector_load %arg6[%swap3A_104] {strides = array<i32>} : memref<768xf32, #tpu.memory_space<vmem>>, vector<16xf32>,
    tpu.vector_store %arg6[%swap3A_104], %broadcast_in_dim3A_103 {strides = array<i32>} : memref<768xf32, #tpu.memory_space<vmem>>, vector<16xf32>,
    %broadcast_in_dim3A_106 = arith.constant 0.000000e+00 : f32
    %broadcast_in_dim3A_107 = vector.broadcast %broadcast_in_dim3A_106 : f32 to vector<16xf32>
    %swap3A_108 = arith.constant 304 : index
    %swap3A_109 = tpu.vector_load %arg6[%swap3A_108] {strides = array<i32>} : memref<768xf32, #tpu.memory_space<vmem>>, vector<16xf32>,
    tpu.vector_store %arg6[%swap3A_108], %broadcast_in_dim3A_107 {strides = array<i32>} : memref<768xf32, #tpu.memory_space<vmem>>, vector<16xf32>,
    %broadcast_in_dim3A_110 = arith.constant 0.000000e+00 : f32
    %broadcast_in_dim3A_111 = vector.broadcast %broadcast_in_dim3A_110 : f32 to vector<16xf32>
    %swap3A_112 = arith.constant 320 : index
    %swap3A_113 = tpu.vector_load %arg6[%swap3A_112] {strides = array<i32>} : memref<768xf32, #tpu.memory_space<vmem>>, vector<16xf32>,
    tpu.vector_store %arg6[%swap3A_112], %broadcast_in_dim3A_111 {strides = array<i32>} : memref<768xf32, #tpu.memory_space<vmem>>, vector<16xf32>,
    %broadcast_in_dim3A_114 = arith.constant 0.000000e+00 : f32
    %broadcast_in_dim3A_115 = vector.broadcast %broadcast_in_dim3A_114 : f32 to vector<16xf32>
    %swap3A_116 = arith.constant 336 : index
    %swap3A_117 = tpu.vector_load %arg6[%swap3A_116] {strides = array<i32>} : memref<768xf32, #tpu.memory_space<vmem>>, vector<16xf32>,
    tpu.vector_store %arg6[%swap3A_116], %broadcast_in_dim3A_115 {strides = array<i32>} : memref<768xf32, #tpu.memory_space<vmem>>, vector<16xf32>,
    %broadcast_in_dim3A_118 = arith.constant 0.000000e+00 : f32
    %broadcast_in_dim3A_119 = vector.broadcast %broadcast_in_dim3A_118 : f32 to vector<16xf32>
    %swap3A_120 = arith.constant 352 : index
    %swap3A_121 = tpu.vector_load %arg6[%swap3A_120] {strides = array<i32>} : memref<768xf32, #tpu.memory_space<vmem>>, vector<16xf32>,
    tpu.vector_store %arg6[%swap3A_120], %broadcast_in_dim3A_119 {strides = array<i32>} : memref<768xf32, #tpu.memory_space<vmem>>, vector<16xf32>,
    %broadcast_in_dim3A_122 = arith.constant 0.000000e+00 : f32
    %broadcast_in_dim3A_123 = vector.broadcast %broadcast_in_dim3A_122 : f32 to vector<16xf32>
    %swap3A_124 = arith.constant 368 : index
    %swap3A_125 = tpu.vector_load %arg6[%swap3A_124] {strides = array<i32>} : memref<768xf32, #tpu.memory_space<vmem>>, vector<16xf32>,
    tpu.vector_store %arg6[%swap3A_124], %broadcast_in_dim3A_123 {strides = array<i32>} : memref<768xf32, #tpu.memory_space<vmem>>, vector<16xf32>,
    %broadcast_in_dim3A_126 = arith.constant 0.000000e+00 : f32
    %broadcast_in_dim3A_127 = vector.broadcast %broadcast_in_dim3A_126 : f32 to vector<16xf32>
    %swap3A_128 = arith.constant 384 : index
    %swap3A_129 = tpu.vector_load %arg6[%swap3A_128] {strides = array<i32>} : memref<768xf32, #tpu.memory_space<vmem>>, vector<16xf32>,
    tpu.vector_store %arg6[%swap3A_128], %broadcast_in_dim3A_127 {strides = array<i32>} : memref<768xf32, #tpu.memory_space<vmem>>, vector<16xf32>,
    %broadcast_in_dim3A_130 = arith.constant 0.000000e+00 : f32
    %broadcast_in_dim3A_131 = vector.broadcast %broadcast_in_dim3A_130 : f32 to vector<16xf32>
    %swap3A_132 = arith.constant 400 : index
    %swap3A_133 = tpu.vector_load %arg6[%swap3A_132] {strides = array<i32>} : memref<768xf32, #tpu.memory_space<vmem>>, vector<16xf32>,
    tpu.vector_store %arg6[%swap3A_132], %broadcast_in_dim3A_131 {strides = array<i32>} : memref<768xf32, #tpu.memory_space<vmem>>, vector<16xf32>,
    %broadcast_in_dim3A_134 = arith.constant 0.000000e+00 : f32
    %broadcast_in_dim3A_135 = vector.broadcast %broadcast_in_dim3A_134 : f32 to vector<16xf32>
    %swap3A_136 = arith.constant 416 : index
    %swap3A_137 = tpu.vector_load %arg6[%swap3A_136] {strides = array<i32>} : memref<768xf32, #tpu.memory_space<vmem>>, vector<16xf32>,
    tpu.vector_store %arg6[%swap3A_136], %broadcast_in_dim3A_135 {strides = array<i32>} : memref<768xf32, #tpu.memory_space<vmem>>, vector<16xf32>,
    %broadcast_in_dim3A_138 = arith.constant 0.000000e+00 : f32
    %broadcast_in_dim3A_139 = vector.broadcast %broadcast_in_dim3A_138 : f32 to vector<16xf32>
    %swap3A_140 = arith.constant 432 : index
    %swap3A_141 = tpu.vector_load %arg6[%swap3A_140] {strides = array<i32>} : memref<768xf32, #tpu.memory_space<vmem>>, vector<16xf32>,
    tpu.vector_store %arg6[%swap3A_140], %broadcast_in_dim3A_139 {strides = array<i32>} : memref<768xf32, #tpu.memory_space<vmem>>, vector<16xf32>,
    %broadcast_in_dim3A_142 = arith.constant 0.000000e+00 : f32
    %broadcast_in_dim3A_143 = vector.broadcast %broadcast_in_dim3A_142 : f32 to vector<16xf32>
    %swap3A_144 = arith.constant 448 : index
    %swap3A_145 = tpu.vector_load %arg6[%swap3A_144] {strides = array<i32>} : memref<768xf32, #tpu.memory_space<vmem>>, vector<16xf32>,
    tpu.vector_store %arg6[%swap3A_144], %broadcast_in_dim3A_143 {strides = array<i32>} : memref<768xf32, #tpu.memory_space<vmem>>, vector<16xf32>,
    %broadcast_in_dim3A_146 = arith.constant 0.000000e+00 : f32
    %broadcast_in_dim3A_147 = vector.broadcast %broadcast_in_dim3A_146 : f32 to vector<16xf32>
    %swap3A_148 = arith.constant 464 : index
    %swap3A_149 = tpu.vector_load %arg6[%swap3A_148] {strides = array<i32>} : memref<768xf32, #tpu.memory_space<vmem>>, vector<16xf32>,
    tpu.vector_store %arg6[%swap3A_148], %broadcast_in_dim3A_147 {strides = array<i32>} : memref<768xf32, #tpu.memory_space<vmem>>, vector<16xf32>,
    %broadcast_in_dim3A_150 = arith.constant 0.000000e+00 : f32
    %broadcast_in_dim3A_151 = vector.broadcast %broadcast_in_dim3A_150 : f32 to vector<16xf32>
    %swap3A_152 = arith.constant 480 : index
    %swap3A_153 = tpu.vector_load %arg6[%swap3A_152] {strides = array<i32>} : memref<768xf32, #tpu.memory_space<vmem>>, vector<16xf32>,
    tpu.vector_store %arg6[%swap3A_152], %broadcast_in_dim3A_151 {strides = array<i32>} : memref<768xf32, #tpu.memory_space<vmem>>, vector<16xf32>,
    %broadcast_in_dim3A_154 = arith.constant 0.000000e+00 : f32
    %broadcast_in_dim3A_155 = vector.broadcast %broadcast_in_dim3A_154 : f32 to vector<16xf32>
    %swap3A_156 = arith.constant 496 : index
    %swap3A_157 = tpu.vector_load %arg6[%swap3A_156] {strides = array<i32>} : memref<768xf32, #tpu.memory_space<vmem>>, vector<16xf32>,
    tpu.vector_store %arg6[%swap3A_156], %broadcast_in_dim3A_155 {strides = array<i32>} : memref<768xf32, #tpu.memory_space<vmem>>, vector<16xf32>,
    %broadcast_in_dim3A_158 = arith.constant 0.000000e+00 : f32
    %broadcast_in_dim3A_159 = vector.broadcast %broadcast_in_dim3A_158 : f32 to vector<16xf32>
    %swap3A_160 = arith.constant 512 : index
    %swap3A_161 = tpu.vector_load %arg6[%swap3A_160] {strides = array<i32>} : memref<768xf32, #tpu.memory_space<vmem>>, vector<16xf32>,
    tpu.vector_store %arg6[%swap3A_160], %broadcast_in_dim3A_159 {strides = array<i32>} : memref<768xf32, #tpu.memory_space<vmem>>, vector<16xf32>,
    %broadcast_in_dim3A_162 = arith.constant 0.000000e+00 : f32
    %broadcast_in_dim3A_163 = vector.broadcast %broadcast_in_dim3A_162 : f32 to vector<16xf32>
    %swap3A_164 = arith.constant 528 : index
    %swap3A_165 = tpu.vector_load %arg6[%swap3A_164] {strides = array<i32>} : memref<768xf32, #tpu.memory_space<vmem>>, vector<16xf32>,
    tpu.vector_store %arg6[%swap3A_164], %broadcast_in_dim3A_163 {strides = array<i32>} : memref<768xf32, #tpu.memory_space<vmem>>, vector<16xf32>,
    %broadcast_in_dim3A_166 = arith.constant 0.000000e+00 : f32
    %broadcast_in_dim3A_167 = vector.broadcast %broadcast_in_dim3A_166 : f32 to vector<16xf32>
    %swap3A_168 = arith.constant 544 : index
    %swap3A_169 = tpu.vector_load %arg6[%swap3A_168] {strides = array<i32>} : memref<768xf32, #tpu.memory_space<vmem>>, vector<16xf32>,
    tpu.vector_store %arg6[%swap3A_168], %broadcast_in_dim3A_167 {strides = array<i32>} : memref<768xf32, #tpu.memory_space<vmem>>, vector<16xf32>,
    %broadcast_in_dim3A_170 = arith.constant 0.000000e+00 : f32
    %broadcast_in_dim3A_171 = vector.broadcast %broadcast_in_dim3A_170 : f32 to vector<16xf32>
    %swap3A_172 = arith.constant 560 : index
    %swap3A_173 = tpu.vector_load %arg6[%swap3A_172] {strides = array<i32>} : memref<768xf32, #tpu.memory_space<vmem>>, vector<16xf32>,
    tpu.vector_store %arg6[%swap3A_172], %broadcast_in_dim3A_171 {strides = array<i32>} : memref<768xf32, #tpu.memory_space<vmem>>, vector<16xf32>,
    %broadcast_in_dim3A_174 = arith.constant 0.000000e+00 : f32
    %broadcast_in_dim3A_175 = vector.broadcast %broadcast_in_dim3A_174 : f32 to vector<16xf32>
    %swap3A_176 = arith.constant 576 : index
    %swap3A_177 = tpu.vector_load %arg6[%swap3A_176] {strides = array<i32>} : memref<768xf32, #tpu.memory_space<vmem>>, vector<16xf32>,
    tpu.vector_store %arg6[%swap3A_176], %broadcast_in_dim3A_175 {strides = array<i32>} : memref<768xf32, #tpu.memory_space<vmem>>, vector<16xf32>,
    %broadcast_in_dim3A_178 = arith.constant 0.000000e+00 : f32
    %broadcast_in_dim3A_179 = vector.broadcast %broadcast_in_dim3A_178 : f32 to vector<16xf32>
    %swap3A_180 = arith.constant 592 : index
    %swap3A_181 = tpu.vector_load %arg6[%swap3A_180] {strides = array<i32>} : memref<768xf32, #tpu.memory_space<vmem>>, vector<16xf32>,
    tpu.vector_store %arg6[%swap3A_180], %broadcast_in_dim3A_179 {strides = array<i32>} : memref<768xf32, #tpu.memory_space<vmem>>, vector<16xf32>,
    %broadcast_in_dim3A_182 = arith.constant 0.000000e+00 : f32
    %broadcast_in_dim3A_183 = vector.broadcast %broadcast_in_dim3A_182 : f32 to vector<16xf32>
    %swap3A_184 = arith.constant 608 : index
    %swap3A_185 = tpu.vector_load %arg6[%swap3A_184] {strides = array<i32>} : memref<768xf32, #tpu.memory_space<vmem>>, vector<16xf32>,
    tpu.vector_store %arg6[%swap3A_184], %broadcast_in_dim3A_183 {strides = array<i32>} : memref<768xf32, #tpu.memory_space<vmem>>, vector<16xf32>,
    %broadcast_in_dim3A_186 = arith.constant 0.000000e+00 : f32
    %broadcast_in_dim3A_187 = vector.broadcast %broadcast_in_dim3A_186 : f32 to vector<16xf32>
    %swap3A_188 = arith.constant 624 : index
    %swap3A_189 = tpu.vector_load %arg6[%swap3A_188] {strides = array<i32>} : memref<768xf32, #tpu.memory_space<vmem>>, vector<16xf32>,
    tpu.vector_store %arg6[%swap3A_188], %broadcast_in_dim3A_187 {strides = array<i32>} : memref<768xf32, #tpu.memory_space<vmem>>, vector<16xf32>,
    %broadcast_in_dim3A_190 = arith.constant 0.000000e+00 : f32
    %broadcast_in_dim3A_191 = vector.broadcast %broadcast_in_dim3A_190 : f32 to vector<16xf32>
    %swap3A_192 = arith.constant 640 : index
    %swap3A_193 = tpu.vector_load %arg6[%swap3A_192] {strides = array<i32>} : memref<768xf32, #tpu.memory_space<vmem>>, vector<16xf32>,
    tpu.vector_store %arg6[%swap3A_192], %broadcast_in_dim3A_191 {strides = array<i32>} : memref<768xf32, #tpu.memory_space<vmem>>, vector<16xf32>,
    %broadcast_in_dim3A_194 = arith.constant 0.000000e+00 : f32
    %broadcast_in_dim3A_195 = vector.broadcast %broadcast_in_dim3A_194 : f32 to vector<16xf32>
    %swap3A_196 = arith.constant 656 : index
    %swap3A_197 = tpu.vector_load %arg6[%swap3A_196] {strides = array<i32>} : memref<768xf32, #tpu.memory_space<vmem>>, vector<16xf32>,
    tpu.vector_store %arg6[%swap3A_196], %broadcast_in_dim3A_195 {strides = array<i32>} : memref<768xf32, #tpu.memory_space<vmem>>, vector<16xf32>,
    %broadcast_in_dim3A_198 = arith.constant 0.000000e+00 : f32
    %broadcast_in_dim3A_199 = vector.broadcast %broadcast_in_dim3A_198 : f32 to vector<16xf32>
    %swap3A_200 = arith.constant 672 : index
    %swap3A_201 = tpu.vector_load %arg6[%swap3A_200] {strides = array<i32>} : memref<768xf32, #tpu.memory_space<vmem>>, vector<16xf32>,
    tpu.vector_store %arg6[%swap3A_200], %broadcast_in_dim3A_199 {strides = array<i32>} : memref<768xf32, #tpu.memory_space<vmem>>, vector<16xf32>,
    %broadcast_in_dim3A_202 = arith.constant 0.000000e+00 : f32
    %broadcast_in_dim3A_203 = vector.broadcast %broadcast_in_dim3A_202 : f32 to vector<16xf32>
    %swap3A_204 = arith.constant 688 : index
    %swap3A_205 = tpu.vector_load %arg6[%swap3A_204] {strides = array<i32>} : memref<768xf32, #tpu.memory_space<vmem>>, vector<16xf32>,
    tpu.vector_store %arg6[%swap3A_204], %broadcast_in_dim3A_203 {strides = array<i32>} : memref<768xf32, #tpu.memory_space<vmem>>, vector<16xf32>,
    %broadcast_in_dim3A_206 = arith.constant 0.000000e+00 : f32
    %broadcast_in_dim3A_207 = vector.broadcast %broadcast_in_dim3A_206 : f32 to vector<16xf32>
    %swap3A_208 = arith.constant 704 : index
    %swap3A_209 = tpu.vector_load %arg6[%swap3A_208] {strides = array<i32>} : memref<768xf32, #tpu.memory_space<vmem>>, vector<16xf32>,
    tpu.vector_store %arg6[%swap3A_208], %broadcast_in_dim3A_207 {strides = array<i32>} : memref<768xf32, #tpu.memory_space<vmem>>, vector<16xf32>,
    %broadcast_in_dim3A_210 = arith.constant 0.000000e+00 : f32
    %broadcast_in_dim3A_211 = vector.broadcast %broadcast_in_dim3A_210 : f32 to vector<16xf32>
    %swap3A_212 = arith.constant 720 : index
    %swap3A_213 = tpu.vector_load %arg6[%swap3A_212] {strides = array<i32>} : memref<768xf32, #tpu.memory_space<vmem>>, vector<16xf32>,
    tpu.vector_store %arg6[%swap3A_212], %broadcast_in_dim3A_211 {strides = array<i32>} : memref<768xf32, #tpu.memory_space<vmem>>, vector<16xf32>,
    %broadcast_in_dim3A_214 = arith.constant 0.000000e+00 : f32
    %broadcast_in_dim3A_215 = vector.broadcast %broadcast_in_dim3A_214 : f32 to vector<16xf32>
    %swap3A_216 = arith.constant 736 : index
    %swap3A_217 = tpu.vector_load %arg6[%swap3A_216] {strides = array<i32>} : memref<768xf32, #tpu.memory_space<vmem>>, vector<16xf32>,
    tpu.vector_store %arg6[%swap3A_216], %broadcast_in_dim3A_215 {strides = array<i32>} : memref<768xf32, #tpu.memory_space<vmem>>, vector<16xf32>,
    %broadcast_in_dim3A_218 = arith.constant 0.000000e+00 : f32
    %broadcast_in_dim3A_219 = vector.broadcast %broadcast_in_dim3A_218 : f32 to vector<16xf32>
    %swap3A_220 = arith.constant 752 : index
    %swap3A_221 = tpu.vector_load %arg6[%swap3A_220] {strides = array<i32>} : memref<768xf32, #tpu.memory_space<vmem>>, vector<16xf32>,
    tpu.vector_store %arg6[%swap3A_220], %broadcast_in_dim3A_219 {strides = array<i32>} : memref<768xf32, #tpu.memory_space<vmem>>, vector<16xf32>,
    %mul3A = arith.constant 768 : i32
    %mul3A_222 = arith.muli %arg1, %mul3A : i32
    "tpu.region"() ({
      %run_scoped3A = tpu.sem_alloc : memref<!tpu.dma_semaphore, #tpu.memory_space<semaphore_mem>>
      %dma_start3A = tpu.memref_slice %arg8[%mul3A_222] : memref<12288xf32, #tpu.memory_space<vmem_shared>> -> memref<768xf32, #tpu.memory_space<vmem_shared>>
      %dma_start3A_1259 = tpu.memref_slice %arg8[%mul3A_222] : memref<12288xf32, #tpu.memory_space<vmem_shared>> -> memref<768xf32, #tpu.memory_space<vmem_shared>>
      tpu.enqueue_dma source(%arg6 : memref<768xf32, #tpu.memory_space<vmem>>) target(%dma_start3A_1259 : memref<768xf32, #tpu.memory_space<vmem_shared>>) target_semaphore(%run_scoped3A : memref<!tpu.dma_semaphore, #tpu.memory_space<semaphore_mem>>)
      %dma_wait3A = tpu.memref_slice %arg8[%mul3A_222] : memref<12288xf32, #tpu.memory_space<vmem_shared>> -> memref<768xf32, #tpu.memory_space<vmem_shared>>
      %dma_wait3A_1260 = tpu.memref_slice %arg8[%mul3A_222] : memref<12288xf32, #tpu.memory_space<vmem_shared>> -> memref<768xf32, #tpu.memory_space<vmem_shared>>
      tpu.wait_dma2 semaphore(%run_scoped3A : memref<!tpu.dma_semaphore, #tpu.memory_space<semaphore_mem>>) src(%arg6 : memref<768xf32, #tpu.memory_space<vmem>>) dst(%dma_wait3A_1260 : memref<768xf32, #tpu.memory_space<vmem_shared>>)
      tpu.yield
    }) : () -> ()
    %barrier3A = arith.constant 0 : index
    tpu.barrier barrier_id(%barrier3A)
    %mul3A_223 = arith.constant 2 : i32
    %mul3A_224 = arith.muli %mul3A_223, %arg1 : i32
    %add3A = arith.constant 0 : i32
    %add3A_225 = arith.addi %mul3A_224, %add3A : i32
    "tpu.region"() ({
      %run_scoped3A = tpu.sem_alloc : memref<!tpu.dma_semaphore, #tpu.memory_space<semaphore_mem>>
      %dma_start3A = arith.constant 0 : i32
      %dma_start3A_1259 = arith.constant 0 : i32
      %dma_start3A_1260 = tpu.memref_slice %arg2[%add3A_225, %dma_start3A, %dma_start3A_1259] : memref<32x80x128xi32, #tpu.memory_space<hbm>> -> memref<1x80x128xi32, #tpu.memory_space<hbm>>
      %dma_start3A_1261 = tpu.memref_squeeze %dma_start3A_1260 : memref<1x80x128xi32, #tpu.memory_space<hbm>> -> memref<80x128xi32, #tpu.memory_space<hbm>>
      %dma_start3A_1262 = arith.constant 0 : i32
      %dma_start3A_1263 = arith.constant 0 : i32
      %dma_start3A_1264 = tpu.memref_slice %arg2[%add3A_225, %dma_start3A_1262, %dma_start3A_1263] : memref<32x80x128xi32, #tpu.memory_space<hbm>> -> memref<1x80x128xi32, #tpu.memory_space<hbm>>
      %dma_start3A_1265 = tpu.memref_squeeze %dma_start3A_1264 : memref<1x80x128xi32, #tpu.memory_space<hbm>> -> memref<80x128xi32, #tpu.memory_space<hbm>>
      tpu.enqueue_dma source(%dma_start3A_1265 : memref<80x128xi32, #tpu.memory_space<hbm>>) target(%arg4 : memref<80x128xi32, #tpu.memory_space<vmem>>) target_semaphore(%run_scoped3A : memref<!tpu.dma_semaphore, #tpu.memory_space<semaphore_mem>>)
      %dma_wait3A = arith.constant 0 : i32
      %dma_wait3A_1266 = arith.constant 0 : i32
      %dma_wait3A_1267 = tpu.memref_slice %arg2[%add3A_225, %dma_wait3A, %dma_wait3A_1266] : memref<32x80x128xi32, #tpu.memory_space<hbm>> -> memref<1x80x128xi32, #tpu.memory_space<hbm>>
      %dma_wait3A_1268 = tpu.memref_squeeze %dma_wait3A_1267 : memref<1x80x128xi32, #tpu.memory_space<hbm>> -> memref<80x128xi32, #tpu.memory_space<hbm>>
      %dma_wait3A_1269 = arith.constant 0 : i32
      %dma_wait3A_1270 = arith.constant 0 : i32
      %dma_wait3A_1271 = tpu.memref_slice %arg2[%add3A_225, %dma_wait3A_1269, %dma_wait3A_1270] : memref<32x80x128xi32, #tpu.memory_space<hbm>> -> memref<1x80x128xi32, #tpu.memory_space<hbm>>
      %dma_wait3A_1272 = tpu.memref_squeeze %dma_wait3A_1271 : memref<1x80x128xi32, #tpu.memory_space<hbm>> -> memref<80x128xi32, #tpu.memory_space<hbm>>
      tpu.wait_dma2 semaphore(%run_scoped3A : memref<!tpu.dma_semaphore, #tpu.memory_space<semaphore_mem>>) src(%dma_wait3A_1272 : memref<80x128xi32, #tpu.memory_space<hbm>>) dst(%arg4 : memref<80x128xi32, #tpu.memory_space<vmem>>)
      tpu.yield
    }) : () -> ()
    %scan3A = arith.constant 0 : i32
    %scan3A_226 = arith.constant 0 : i32
    %scan3A_227 = arith.constant 80 : i32
    %scan3A_228 = arith.addi %scan3A_226, %scan3A_227 : i32
    %scan3A_229 = arith.constant 1 : i32
    scf.for %scan3A_1259 = %scan3A_226 to %scan3A_228 step %scan3A_229  : i32 {
      "tpu.region"() ({
        %run_scoped3A = tpu.sem_alloc : memref<!tpu.dma_semaphore, #tpu.memory_space<semaphore_mem>>
        %dma_start3A = arith.constant 0 : i32
        %dma_start3A_1260 = tpu.memref_slice %arg4[%scan3A_1259, %dma_start3A] : memref<80x128xi32, #tpu.memory_space<vmem>> -> memref<1x128xi32, #tpu.memory_space<vmem>>
        %dma_start3A_1261 = tpu.memref_squeeze %dma_start3A_1260 : memref<1x128xi32, #tpu.memory_space<vmem>> -> memref<128xi32, #tpu.memory_space<vmem>>
        %dma_start3A_1262 = arith.constant 0 : i32
        %dma_start3A_1263 = tpu.memref_slice %arg8[%dma_start3A_1262] : memref<12288xf32, #tpu.memory_space<vmem_shared>> -> memref<12288xf32, #tpu.memory_space<vmem_shared>>
        tpu.enqueue_indirect_dma source(%arg5 : memref<128xf32, #tpu.memory_space<vmem>>) target(%dma_start3A_1263 : memref<12288xf32, #tpu.memory_space<vmem_shared>>) offsets(%dma_start3A_1261 : memref<128xi32, #tpu.memory_space<vmem>>) semaphore(%run_scoped3A : memref<!tpu.dma_semaphore, #tpu.memory_space<semaphore_mem>>) {add = true}
        %dma_wait3A = arith.constant 0 : i32
        %dma_wait3A_1264 = tpu.memref_slice %arg4[%scan3A_1259, %dma_wait3A] : memref<80x128xi32, #tpu.memory_space<vmem>> -> memref<1x128xi32, #tpu.memory_space<vmem>>
        %dma_wait3A_1265 = tpu.memref_squeeze %dma_wait3A_1264 : memref<1x128xi32, #tpu.memory_space<vmem>> -> memref<128xi32, #tpu.memory_space<vmem>>
        %dma_wait3A_1266 = arith.constant 0 : i32
        %dma_wait3A_1267 = tpu.memref_slice %arg8[%dma_wait3A_1266] : memref<12288xf32, #tpu.memory_space<vmem_shared>> -> memref<12288xf32, #tpu.memory_space<vmem_shared>>
        tpu.wait_indirect_dma semaphore(%run_scoped3A : memref<!tpu.dma_semaphore, #tpu.memory_space<semaphore_mem>>) src(%arg5 : memref<128xf32, #tpu.memory_space<vmem>>) dst(%dma_wait3A_1267 : memref<12288xf32, #tpu.memory_space<vmem_shared>>)
        tpu.yield
      }) : () -> ()
    }
    %scan3A_230 = arith.constant 80 : i32
    %mul3A_231 = arith.constant 2 : i32
    %mul3A_232 = arith.muli %mul3A_231, %arg1 : i32
    %add3A_233 = arith.constant 1 : i32
    %add3A_234 = arith.addi %mul3A_232, %add3A_233 : i32
    "tpu.region"() ({
      %run_scoped3A = tpu.sem_alloc : memref<!tpu.dma_semaphore, #tpu.memory_space<semaphore_mem>>
      %dma_start3A = arith.constant 0 : i32
      %dma_start3A_1259 = arith.constant 0 : i32
      %dma_start3A_1260 = tpu.memref_slice %arg2[%add3A_234, %dma_start3A, %dma_start3A_1259] : memref<32x80x128xi32, #tpu.memory_space<hbm>> -> memref<1x80x128xi32, #tpu.memory_space<hbm>>
      %dma_start3A_1261 = tpu.memref_squeeze %dma_start3A_1260 : memref<1x80x128xi32, #tpu.memory_space<hbm>> -> memref<80x128xi32, #tpu.memory_space<hbm>>
      %dma_start3A_1262 = arith.constant 0 : i32
      %dma_start3A_1263 = arith.constant 0 : i32
      %dma_start3A_1264 = tpu.memref_slice %arg2[%add3A_234, %dma_start3A_1262, %dma_start3A_1263] : memref<32x80x128xi32, #tpu.memory_space<hbm>> -> memref<1x80x128xi32, #tpu.memory_space<hbm>>
      %dma_start3A_1265 = tpu.memref_squeeze %dma_start3A_1264 : memref<1x80x128xi32, #tpu.memory_space<hbm>> -> memref<80x128xi32, #tpu.memory_space<hbm>>
      tpu.enqueue_dma source(%dma_start3A_1265 : memref<80x128xi32, #tpu.memory_space<hbm>>) target(%arg4 : memref<80x128xi32, #tpu.memory_space<vmem>>) target_semaphore(%run_scoped3A : memref<!tpu.dma_semaphore, #tpu.memory_space<semaphore_mem>>)
      %dma_wait3A = arith.constant 0 : i32
      %dma_wait3A_1266 = arith.constant 0 : i32
      %dma_wait3A_1267 = tpu.memref_slice %arg2[%add3A_234, %dma_wait3A, %dma_wait3A_1266] : memref<32x80x128xi32, #tpu.memory_space<hbm>> -> memref<1x80x128xi32, #tpu.memory_space<hbm>>
      %dma_wait3A_1268 = tpu.memref_squeeze %dma_wait3A_1267 : memref<1x80x128xi32, #tpu.memory_space<hbm>> -> memref<80x128xi32, #tpu.memory_space<hbm>>
      %dma_wait3A_1269 = arith.constant 0 : i32
      %dma_wait3A_1270 = arith.constant 0 : i32
      %dma_wait3A_1271 = tpu.memref_slice %arg2[%add3A_234, %dma_wait3A_1269, %dma_wait3A_1270] : memref<32x80x128xi32, #tpu.memory_space<hbm>> -> memref<1x80x128xi32, #tpu.memory_space<hbm>>
      %dma_wait3A_1272 = tpu.memref_squeeze %dma_wait3A_1271 : memref<1x80x128xi32, #tpu.memory_space<hbm>> -> memref<80x128xi32, #tpu.memory_space<hbm>>
      tpu.wait_dma2 semaphore(%run_scoped3A : memref<!tpu.dma_semaphore, #tpu.memory_space<semaphore_mem>>) src(%dma_wait3A_1272 : memref<80x128xi32, #tpu.memory_space<hbm>>) dst(%arg4 : memref<80x128xi32, #tpu.memory_space<vmem>>)
      tpu.yield
    }) : () -> ()
    %scan3A_235 = arith.constant 0 : i32
    %scan3A_236 = arith.constant 0 : i32
    %scan3A_237 = arith.constant 80 : i32
    %scan3A_238 = arith.addi %scan3A_236, %scan3A_237 : i32
    %scan3A_239 = arith.constant 1 : i32
    scf.for %scan3A_1259 = %scan3A_236 to %scan3A_238 step %scan3A_239  : i32 {
      "tpu.region"() ({
        %run_scoped3A = tpu.sem_alloc : memref<!tpu.dma_semaphore, #tpu.memory_space<semaphore_mem>>
        %dma_start3A = arith.constant 0 : i32
        %dma_start3A_1260 = tpu.memref_slice %arg4[%scan3A_1259, %dma_start3A] : memref<80x128xi32, #tpu.memory_space<vmem>> -> memref<1x128xi32, #tpu.memory_space<vmem>>
        %dma_start3A_1261 = tpu.memref_squeeze %dma_start3A_1260 : memref<1x128xi32, #tpu.memory_space<vmem>> -> memref<128xi32, #tpu.memory_space<vmem>>
        %dma_start3A_1262 = arith.constant 0 : i32
        %dma_start3A_1263 = tpu.memref_slice %arg8[%dma_start3A_1262] : memref<12288xf32, #tpu.memory_space<vmem_shared>> -> memref<12288xf32, #tpu.memory_space<vmem_shared>>
        tpu.enqueue_indirect_dma source(%arg5 : memref<128xf32, #tpu.memory_space<vmem>>) target(%dma_start3A_1263 : memref<12288xf32, #tpu.memory_space<vmem_shared>>) offsets(%dma_start3A_1261 : memref<128xi32, #tpu.memory_space<vmem>>) semaphore(%run_scoped3A : memref<!tpu.dma_semaphore, #tpu.memory_space<semaphore_mem>>) {add = true}
        %dma_wait3A = arith.constant 0 : i32
        %dma_wait3A_1264 = tpu.memref_slice %arg4[%scan3A_1259, %dma_wait3A] : memref<80x128xi32, #tpu.memory_space<vmem>> -> memref<1x128xi32, #tpu.memory_space<vmem>>
        %dma_wait3A_1265 = tpu.memref_squeeze %dma_wait3A_1264 : memref<1x128xi32, #tpu.memory_space<vmem>> -> memref<128xi32, #tpu.memory_space<vmem>>
        %dma_wait3A_1266 = arith.constant 0 : i32
        %dma_wait3A_1267 = tpu.memref_slice %arg8[%dma_wait3A_1266] : memref<12288xf32, #tpu.memory_space<vmem_shared>> -> memref<12288xf32, #tpu.memory_space<vmem_shared>>
        tpu.wait_indirect_dma semaphore(%run_scoped3A : memref<!tpu.dma_semaphore, #tpu.memory_space<semaphore_mem>>) src(%arg5 : memref<128xf32, #tpu.memory_space<vmem>>) dst(%dma_wait3A_1267 : memref<12288xf32, #tpu.memory_space<vmem_shared>>)
        tpu.yield
      }) : () -> ()
    }
    %scan3A_240 = arith.constant 80 : i32
    %barrier3A_241 = arith.constant 0 : index
    tpu.barrier barrier_id(%barrier3A_241)
    %mul3A_242 = arith.constant 16 : i32
    %mul3A_243 = arith.muli %arg0, %mul3A_242 : i32
    %add3A_244 = arith.addi %mul3A_243, %arg1 : i32
    %mul3A_245 = arith.constant 384 : i32
    %mul3A_246 = arith.muli %add3A_244, %mul3A_245 : i32
    "tpu.region"() ({
      %run_scoped3A = tpu.sem_alloc : memref<!tpu.dma_semaphore, #tpu.memory_space<semaphore_mem>>
      %dma_start3A = arith.constant 0 : i32
      %dma_start3A_1259 = tpu.memref_slice %arg6[%dma_start3A] : memref<768xf32, #tpu.memory_space<vmem>> -> memref<384xf32, #tpu.memory_space<vmem>>
      %dma_start3A_1260 = tpu.memref_slice %arg8[%mul3A_246] : memref<12288xf32, #tpu.memory_space<vmem_shared>> -> memref<384xf32, #tpu.memory_space<vmem_shared>>
      %dma_start3A_1261 = arith.constant 0 : i32
      %dma_start3A_1262 = tpu.memref_slice %arg6[%dma_start3A_1261] : memref<768xf32, #tpu.memory_space<vmem>> -> memref<384xf32, #tpu.memory_space<vmem>>
      %dma_start3A_1263 = tpu.memref_slice %arg8[%mul3A_246] : memref<12288xf32, #tpu.memory_space<vmem_shared>> -> memref<384xf32, #tpu.memory_space<vmem_shared>>
      tpu.enqueue_dma source(%dma_start3A_1263 : memref<384xf32, #tpu.memory_space<vmem_shared>>) target(%dma_start3A_1262 : memref<384xf32, #tpu.memory_space<vmem>>) target_semaphore(%run_scoped3A : memref<!tpu.dma_semaphore, #tpu.memory_space<semaphore_mem>>)
      %dma_wait3A = arith.constant 0 : i32
      %dma_wait3A_1264 = tpu.memref_slice %arg6[%dma_wait3A] : memref<768xf32, #tpu.memory_space<vmem>> -> memref<384xf32, #tpu.memory_space<vmem>>
      %dma_wait3A_1265 = tpu.memref_slice %arg8[%mul3A_246] : memref<12288xf32, #tpu.memory_space<vmem_shared>> -> memref<384xf32, #tpu.memory_space<vmem_shared>>
      %dma_wait3A_1266 = arith.constant 0 : i32
      %dma_wait3A_1267 = tpu.memref_slice %arg6[%dma_wait3A_1266] : memref<768xf32, #tpu.memory_space<vmem>> -> memref<384xf32, #tpu.memory_space<vmem>>
      %dma_wait3A_1268 = tpu.memref_slice %arg8[%mul3A_246] : memref<12288xf32, #tpu.memory_space<vmem_shared>> -> memref<384xf32, #tpu.memory_space<vmem_shared>>
      tpu.wait_dma2 semaphore(%run_scoped3A : memref<!tpu.dma_semaphore, #tpu.memory_space<semaphore_mem>>) src(%dma_wait3A_1268 : memref<384xf32, #tpu.memory_space<vmem_shared>>) dst(%dma_wait3A_1267 : memref<384xf32, #tpu.memory_space<vmem>>)
      tpu.yield
    }) : () -> ()
    %get3A = arith.constant 0 : index
    %get3A_247 = tpu.vector_load %arg6[%get3A] {strides = array<i32>} : memref<768xf32, #tpu.memory_space<vmem>>, vector<16xf32>,
    %add3A_248 = arith.constant 1.000000e+00 : f32
    %add3A_249 = vector.broadcast %add3A_248 : f32 to vector<16xf32>
    %add3A_250 = arith.addf %get3A_247, %add3A_249 : vector<16xf32>
    %bitcast_convert_type3A = tpu.bitcast %add3A_250 : vector<16xf32> -> vector<16xi32>
    %shift_right_arithmetic3A = arith.constant 1 : i32
    %shift_right_arithmetic3A_251 = vector.broadcast %shift_right_arithmetic3A : i32 to vector<16xi32>
    %shift_right_arithmetic3A_252 = arith.shrsi %bitcast_convert_type3A, %shift_right_arithmetic3A_251 : vector<16xi32>
    %sub3A = arith.constant 1597463007 : i32
    %sub3A_253 = vector.broadcast %sub3A : i32 to vector<16xi32>
    %sub3A_254 = arith.subi %sub3A_253, %shift_right_arithmetic3A_252 : vector<16xi32>
    %bitcast_convert_type3A_255 = tpu.bitcast %sub3A_254 : vector<16xi32> -> vector<16xf32>
    %mul3A_256 = arith.constant 5.000000e-01 : f32
    %mul3A_257 = vector.broadcast %mul3A_256 : f32 to vector<16xf32>
    %mul3A_258 = arith.mulf %mul3A_257, %add3A_250 : vector<16xf32>
    %mul3A_259 = arith.mulf %mul3A_258, %bitcast_convert_type3A_255 : vector<16xf32>
    %mul3A_260 = arith.mulf %mul3A_259, %bitcast_convert_type3A_255 : vector<16xf32>
    %sub3A_261 = arith.constant 1.500000e+00 : f32
    %sub3A_262 = vector.broadcast %sub3A_261 : f32 to vector<16xf32>
    %sub3A_263 = arith.subf %sub3A_262, %mul3A_260 : vector<16xf32>
    %mul3A_264 = arith.mulf %bitcast_convert_type3A_255, %sub3A_263 : vector<16xf32>
    %mul3A_265 = arith.constant 5.000000e-01 : f32
    %mul3A_266 = vector.broadcast %mul3A_265 : f32 to vector<16xf32>
    %mul3A_267 = arith.mulf %mul3A_266, %add3A_250 : vector<16xf32>
    %mul3A_268 = arith.mulf %mul3A_267, %mul3A_264 : vector<16xf32>
    %mul3A_269 = arith.mulf %mul3A_268, %mul3A_264 : vector<16xf32>
    %sub3A_270 = arith.constant 1.500000e+00 : f32
    %sub3A_271 = vector.broadcast %sub3A_270 : f32 to vector<16xf32>
    %sub3A_272 = arith.subf %sub3A_271, %mul3A_269 : vector<16xf32>
    %mul3A_273 = arith.mulf %mul3A_264, %sub3A_272 : vector<16xf32>
    %mul3A_274 = arith.constant 5.000000e-01 : f32
    %mul3A_275 = vector.broadcast %mul3A_274 : f32 to vector<16xf32>
    %mul3A_276 = arith.mulf %mul3A_275, %add3A_250 : vector<16xf32>
    %mul3A_277 = arith.mulf %mul3A_276, %mul3A_273 : vector<16xf32>
    %mul3A_278 = arith.mulf %mul3A_277, %mul3A_273 : vector<16xf32>
    %sub3A_279 = arith.constant 1.500000e+00 : f32
    %sub3A_280 = vector.broadcast %sub3A_279 : f32 to vector<16xf32>
    %sub3A_281 = arith.subf %sub3A_280, %mul3A_278 : vector<16xf32>
    %mul3A_282 = arith.mulf %mul3A_273, %sub3A_281 : vector<16xf32>
    %swap3A_283 = arith.constant 0 : index
    %swap3A_284 = tpu.vector_load %arg6[%swap3A_283] {strides = array<i32>} : memref<768xf32, #tpu.memory_space<vmem>>, vector<16xf32>,
    tpu.vector_store %arg6[%swap3A_283], %mul3A_282 {strides = array<i32>} : memref<768xf32, #tpu.memory_space<vmem>>, vector<16xf32>,
    %get3A_285 = arith.constant 16 : index
    %get3A_286 = tpu.vector_load %arg6[%get3A_285] {strides = array<i32>} : memref<768xf32, #tpu.memory_space<vmem>>, vector<16xf32>,
    %add3A_287 = arith.constant 1.000000e+00 : f32
    %add3A_288 = vector.broadcast %add3A_287 : f32 to vector<16xf32>
    %add3A_289 = arith.addf %get3A_286, %add3A_288 : vector<16xf32>
    %bitcast_convert_type3A_290 = tpu.bitcast %add3A_289 : vector<16xf32> -> vector<16xi32>
    %shift_right_arithmetic3A_291 = arith.constant 1 : i32
    %shift_right_arithmetic3A_292 = vector.broadcast %shift_right_arithmetic3A_291 : i32 to vector<16xi32>
    %shift_right_arithmetic3A_293 = arith.shrsi %bitcast_convert_type3A_290, %shift_right_arithmetic3A_292 : vector<16xi32>
    %sub3A_294 = arith.constant 1597463007 : i32
    %sub3A_295 = vector.broadcast %sub3A_294 : i32 to vector<16xi32>
    %sub3A_296 = arith.subi %sub3A_295, %shift_right_arithmetic3A_293 : vector<16xi32>
    %bitcast_convert_type3A_297 = tpu.bitcast %sub3A_296 : vector<16xi32> -> vector<16xf32>
    %mul3A_298 = arith.constant 5.000000e-01 : f32
    %mul3A_299 = vector.broadcast %mul3A_298 : f32 to vector<16xf32>
    %mul3A_300 = arith.mulf %mul3A_299, %add3A_289 : vector<16xf32>
    %mul3A_301 = arith.mulf %mul3A_300, %bitcast_convert_type3A_297 : vector<16xf32>
    %mul3A_302 = arith.mulf %mul3A_301, %bitcast_convert_type3A_297 : vector<16xf32>
    %sub3A_303 = arith.constant 1.500000e+00 : f32
    %sub3A_304 = vector.broadcast %sub3A_303 : f32 to vector<16xf32>
    %sub3A_305 = arith.subf %sub3A_304, %mul3A_302 : vector<16xf32>
    %mul3A_306 = arith.mulf %bitcast_convert_type3A_297, %sub3A_305 : vector<16xf32>
    %mul3A_307 = arith.constant 5.000000e-01 : f32
    %mul3A_308 = vector.broadcast %mul3A_307 : f32 to vector<16xf32>
    %mul3A_309 = arith.mulf %mul3A_308, %add3A_289 : vector<16xf32>
    %mul3A_310 = arith.mulf %mul3A_309, %mul3A_306 : vector<16xf32>
    %mul3A_311 = arith.mulf %mul3A_310, %mul3A_306 : vector<16xf32>
    %sub3A_312 = arith.constant 1.500000e+00 : f32
    %sub3A_313 = vector.broadcast %sub3A_312 : f32 to vector<16xf32>
    %sub3A_314 = arith.subf %sub3A_313, %mul3A_311 : vector<16xf32>
    %mul3A_315 = arith.mulf %mul3A_306, %sub3A_314 : vector<16xf32>
    %mul3A_316 = arith.constant 5.000000e-01 : f32
    %mul3A_317 = vector.broadcast %mul3A_316 : f32 to vector<16xf32>
    %mul3A_318 = arith.mulf %mul3A_317, %add3A_289 : vector<16xf32>
    %mul3A_319 = arith.mulf %mul3A_318, %mul3A_315 : vector<16xf32>
    %mul3A_320 = arith.mulf %mul3A_319, %mul3A_315 : vector<16xf32>
    %sub3A_321 = arith.constant 1.500000e+00 : f32
    %sub3A_322 = vector.broadcast %sub3A_321 : f32 to vector<16xf32>
    %sub3A_323 = arith.subf %sub3A_322, %mul3A_320 : vector<16xf32>
    %mul3A_324 = arith.mulf %mul3A_315, %sub3A_323 : vector<16xf32>
    %swap3A_325 = arith.constant 16 : index
    %swap3A_326 = tpu.vector_load %arg6[%swap3A_325] {strides = array<i32>} : memref<768xf32, #tpu.memory_space<vmem>>, vector<16xf32>,
    tpu.vector_store %arg6[%swap3A_325], %mul3A_324 {strides = array<i32>} : memref<768xf32, #tpu.memory_space<vmem>>, vector<16xf32>,
    %get3A_327 = arith.constant 32 : index
    %get3A_328 = tpu.vector_load %arg6[%get3A_327] {strides = array<i32>} : memref<768xf32, #tpu.memory_space<vmem>>, vector<16xf32>,
    %add3A_329 = arith.constant 1.000000e+00 : f32
    %add3A_330 = vector.broadcast %add3A_329 : f32 to vector<16xf32>
    %add3A_331 = arith.addf %get3A_328, %add3A_330 : vector<16xf32>
    %bitcast_convert_type3A_332 = tpu.bitcast %add3A_331 : vector<16xf32> -> vector<16xi32>
    %shift_right_arithmetic3A_333 = arith.constant 1 : i32
    %shift_right_arithmetic3A_334 = vector.broadcast %shift_right_arithmetic3A_333 : i32 to vector<16xi32>
    %shift_right_arithmetic3A_335 = arith.shrsi %bitcast_convert_type3A_332, %shift_right_arithmetic3A_334 : vector<16xi32>
    %sub3A_336 = arith.constant 1597463007 : i32
    %sub3A_337 = vector.broadcast %sub3A_336 : i32 to vector<16xi32>
    %sub3A_338 = arith.subi %sub3A_337, %shift_right_arithmetic3A_335 : vector<16xi32>
    %bitcast_convert_type3A_339 = tpu.bitcast %sub3A_338 : vector<16xi32> -> vector<16xf32>
    %mul3A_340 = arith.constant 5.000000e-01 : f32
    %mul3A_341 = vector.broadcast %mul3A_340 : f32 to vector<16xf32>
    %mul3A_342 = arith.mulf %mul3A_341, %add3A_331 : vector<16xf32>
    %mul3A_343 = arith.mulf %mul3A_342, %bitcast_convert_type3A_339 : vector<16xf32>
    %mul3A_344 = arith.mulf %mul3A_343, %bitcast_convert_type3A_339 : vector<16xf32>
    %sub3A_345 = arith.constant 1.500000e+00 : f32
    %sub3A_346 = vector.broadcast %sub3A_345 : f32 to vector<16xf32>
    %sub3A_347 = arith.subf %sub3A_346, %mul3A_344 : vector<16xf32>
    %mul3A_348 = arith.mulf %bitcast_convert_type3A_339, %sub3A_347 : vector<16xf32>
    %mul3A_349 = arith.constant 5.000000e-01 : f32
    %mul3A_350 = vector.broadcast %mul3A_349 : f32 to vector<16xf32>
    %mul3A_351 = arith.mulf %mul3A_350, %add3A_331 : vector<16xf32>
    %mul3A_352 = arith.mulf %mul3A_351, %mul3A_348 : vector<16xf32>
    %mul3A_353 = arith.mulf %mul3A_352, %mul3A_348 : vector<16xf32>
    %sub3A_354 = arith.constant 1.500000e+00 : f32
    %sub3A_355 = vector.broadcast %sub3A_354 : f32 to vector<16xf32>
    %sub3A_356 = arith.subf %sub3A_355, %mul3A_353 : vector<16xf32>
    %mul3A_357 = arith.mulf %mul3A_348, %sub3A_356 : vector<16xf32>
    %mul3A_358 = arith.constant 5.000000e-01 : f32
    %mul3A_359 = vector.broadcast %mul3A_358 : f32 to vector<16xf32>
    %mul3A_360 = arith.mulf %mul3A_359, %add3A_331 : vector<16xf32>
    %mul3A_361 = arith.mulf %mul3A_360, %mul3A_357 : vector<16xf32>
    %mul3A_362 = arith.mulf %mul3A_361, %mul3A_357 : vector<16xf32>
    %sub3A_363 = arith.constant 1.500000e+00 : f32
    %sub3A_364 = vector.broadcast %sub3A_363 : f32 to vector<16xf32>
    %sub3A_365 = arith.subf %sub3A_364, %mul3A_362 : vector<16xf32>
    %mul3A_366 = arith.mulf %mul3A_357, %sub3A_365 : vector<16xf32>
    %swap3A_367 = arith.constant 32 : index
    %swap3A_368 = tpu.vector_load %arg6[%swap3A_367] {strides = array<i32>} : memref<768xf32, #tpu.memory_space<vmem>>, vector<16xf32>,
    tpu.vector_store %arg6[%swap3A_367], %mul3A_366 {strides = array<i32>} : memref<768xf32, #tpu.memory_space<vmem>>, vector<16xf32>,
    %get3A_369 = arith.constant 48 : index
    %get3A_370 = tpu.vector_load %arg6[%get3A_369] {strides = array<i32>} : memref<768xf32, #tpu.memory_space<vmem>>, vector<16xf32>,
    %add3A_371 = arith.constant 1.000000e+00 : f32
    %add3A_372 = vector.broadcast %add3A_371 : f32 to vector<16xf32>
    %add3A_373 = arith.addf %get3A_370, %add3A_372 : vector<16xf32>
    %bitcast_convert_type3A_374 = tpu.bitcast %add3A_373 : vector<16xf32> -> vector<16xi32>
    %shift_right_arithmetic3A_375 = arith.constant 1 : i32
    %shift_right_arithmetic3A_376 = vector.broadcast %shift_right_arithmetic3A_375 : i32 to vector<16xi32>
    %shift_right_arithmetic3A_377 = arith.shrsi %bitcast_convert_type3A_374, %shift_right_arithmetic3A_376 : vector<16xi32>
    %sub3A_378 = arith.constant 1597463007 : i32
    %sub3A_379 = vector.broadcast %sub3A_378 : i32 to vector<16xi32>
    %sub3A_380 = arith.subi %sub3A_379, %shift_right_arithmetic3A_377 : vector<16xi32>
    %bitcast_convert_type3A_381 = tpu.bitcast %sub3A_380 : vector<16xi32> -> vector<16xf32>
    %mul3A_382 = arith.constant 5.000000e-01 : f32
    %mul3A_383 = vector.broadcast %mul3A_382 : f32 to vector<16xf32>
    %mul3A_384 = arith.mulf %mul3A_383, %add3A_373 : vector<16xf32>
    %mul3A_385 = arith.mulf %mul3A_384, %bitcast_convert_type3A_381 : vector<16xf32>
    %mul3A_386 = arith.mulf %mul3A_385, %bitcast_convert_type3A_381 : vector<16xf32>
    %sub3A_387 = arith.constant 1.500000e+00 : f32
    %sub3A_388 = vector.broadcast %sub3A_387 : f32 to vector<16xf32>
    %sub3A_389 = arith.subf %sub3A_388, %mul3A_386 : vector<16xf32>
    %mul3A_390 = arith.mulf %bitcast_convert_type3A_381, %sub3A_389 : vector<16xf32>
    %mul3A_391 = arith.constant 5.000000e-01 : f32
    %mul3A_392 = vector.broadcast %mul3A_391 : f32 to vector<16xf32>
    %mul3A_393 = arith.mulf %mul3A_392, %add3A_373 : vector<16xf32>
    %mul3A_394 = arith.mulf %mul3A_393, %mul3A_390 : vector<16xf32>
    %mul3A_395 = arith.mulf %mul3A_394, %mul3A_390 : vector<16xf32>
    %sub3A_396 = arith.constant 1.500000e+00 : f32
    %sub3A_397 = vector.broadcast %sub3A_396 : f32 to vector<16xf32>
    %sub3A_398 = arith.subf %sub3A_397, %mul3A_395 : vector<16xf32>
    %mul3A_399 = arith.mulf %mul3A_390, %sub3A_398 : vector<16xf32>
    %mul3A_400 = arith.constant 5.000000e-01 : f32
    %mul3A_401 = vector.broadcast %mul3A_400 : f32 to vector<16xf32>
    %mul3A_402 = arith.mulf %mul3A_401, %add3A_373 : vector<16xf32>
    %mul3A_403 = arith.mulf %mul3A_402, %mul3A_399 : vector<16xf32>
    %mul3A_404 = arith.mulf %mul3A_403, %mul3A_399 : vector<16xf32>
    %sub3A_405 = arith.constant 1.500000e+00 : f32
    %sub3A_406 = vector.broadcast %sub3A_405 : f32 to vector<16xf32>
    %sub3A_407 = arith.subf %sub3A_406, %mul3A_404 : vector<16xf32>
    %mul3A_408 = arith.mulf %mul3A_399, %sub3A_407 : vector<16xf32>
    %swap3A_409 = arith.constant 48 : index
    %swap3A_410 = tpu.vector_load %arg6[%swap3A_409] {strides = array<i32>} : memref<768xf32, #tpu.memory_space<vmem>>, vector<16xf32>,
    tpu.vector_store %arg6[%swap3A_409], %mul3A_408 {strides = array<i32>} : memref<768xf32, #tpu.memory_space<vmem>>, vector<16xf32>,
    %get3A_411 = arith.constant 64 : index
    %get3A_412 = tpu.vector_load %arg6[%get3A_411] {strides = array<i32>} : memref<768xf32, #tpu.memory_space<vmem>>, vector<16xf32>,
    %add3A_413 = arith.constant 1.000000e+00 : f32
    %add3A_414 = vector.broadcast %add3A_413 : f32 to vector<16xf32>
    %add3A_415 = arith.addf %get3A_412, %add3A_414 : vector<16xf32>
    %bitcast_convert_type3A_416 = tpu.bitcast %add3A_415 : vector<16xf32> -> vector<16xi32>
    %shift_right_arithmetic3A_417 = arith.constant 1 : i32
    %shift_right_arithmetic3A_418 = vector.broadcast %shift_right_arithmetic3A_417 : i32 to vector<16xi32>
    %shift_right_arithmetic3A_419 = arith.shrsi %bitcast_convert_type3A_416, %shift_right_arithmetic3A_418 : vector<16xi32>
    %sub3A_420 = arith.constant 1597463007 : i32
    %sub3A_421 = vector.broadcast %sub3A_420 : i32 to vector<16xi32>
    %sub3A_422 = arith.subi %sub3A_421, %shift_right_arithmetic3A_419 : vector<16xi32>
    %bitcast_convert_type3A_423 = tpu.bitcast %sub3A_422 : vector<16xi32> -> vector<16xf32>
    %mul3A_424 = arith.constant 5.000000e-01 : f32
    %mul3A_425 = vector.broadcast %mul3A_424 : f32 to vector<16xf32>
    %mul3A_426 = arith.mulf %mul3A_425, %add3A_415 : vector<16xf32>
    %mul3A_427 = arith.mulf %mul3A_426, %bitcast_convert_type3A_423 : vector<16xf32>
    %mul3A_428 = arith.mulf %mul3A_427, %bitcast_convert_type3A_423 : vector<16xf32>
    %sub3A_429 = arith.constant 1.500000e+00 : f32
    %sub3A_430 = vector.broadcast %sub3A_429 : f32 to vector<16xf32>
    %sub3A_431 = arith.subf %sub3A_430, %mul3A_428 : vector<16xf32>
    %mul3A_432 = arith.mulf %bitcast_convert_type3A_423, %sub3A_431 : vector<16xf32>
    %mul3A_433 = arith.constant 5.000000e-01 : f32
    %mul3A_434 = vector.broadcast %mul3A_433 : f32 to vector<16xf32>
    %mul3A_435 = arith.mulf %mul3A_434, %add3A_415 : vector<16xf32>
    %mul3A_436 = arith.mulf %mul3A_435, %mul3A_432 : vector<16xf32>
    %mul3A_437 = arith.mulf %mul3A_436, %mul3A_432 : vector<16xf32>
    %sub3A_438 = arith.constant 1.500000e+00 : f32
    %sub3A_439 = vector.broadcast %sub3A_438 : f32 to vector<16xf32>
    %sub3A_440 = arith.subf %sub3A_439, %mul3A_437 : vector<16xf32>
    %mul3A_441 = arith.mulf %mul3A_432, %sub3A_440 : vector<16xf32>
    %mul3A_442 = arith.constant 5.000000e-01 : f32
    %mul3A_443 = vector.broadcast %mul3A_442 : f32 to vector<16xf32>
    %mul3A_444 = arith.mulf %mul3A_443, %add3A_415 : vector<16xf32>
    %mul3A_445 = arith.mulf %mul3A_444, %mul3A_441 : vector<16xf32>
    %mul3A_446 = arith.mulf %mul3A_445, %mul3A_441 : vector<16xf32>
    %sub3A_447 = arith.constant 1.500000e+00 : f32
    %sub3A_448 = vector.broadcast %sub3A_447 : f32 to vector<16xf32>
    %sub3A_449 = arith.subf %sub3A_448, %mul3A_446 : vector<16xf32>
    %mul3A_450 = arith.mulf %mul3A_441, %sub3A_449 : vector<16xf32>
    %swap3A_451 = arith.constant 64 : index
    %swap3A_452 = tpu.vector_load %arg6[%swap3A_451] {strides = array<i32>} : memref<768xf32, #tpu.memory_space<vmem>>, vector<16xf32>,
    tpu.vector_store %arg6[%swap3A_451], %mul3A_450 {strides = array<i32>} : memref<768xf32, #tpu.memory_space<vmem>>, vector<16xf32>,
    %get3A_453 = arith.constant 80 : index
    %get3A_454 = tpu.vector_load %arg6[%get3A_453] {strides = array<i32>} : memref<768xf32, #tpu.memory_space<vmem>>, vector<16xf32>,
    %add3A_455 = arith.constant 1.000000e+00 : f32
    %add3A_456 = vector.broadcast %add3A_455 : f32 to vector<16xf32>
    %add3A_457 = arith.addf %get3A_454, %add3A_456 : vector<16xf32>
    %bitcast_convert_type3A_458 = tpu.bitcast %add3A_457 : vector<16xf32> -> vector<16xi32>
    %shift_right_arithmetic3A_459 = arith.constant 1 : i32
    %shift_right_arithmetic3A_460 = vector.broadcast %shift_right_arithmetic3A_459 : i32 to vector<16xi32>
    %shift_right_arithmetic3A_461 = arith.shrsi %bitcast_convert_type3A_458, %shift_right_arithmetic3A_460 : vector<16xi32>
    %sub3A_462 = arith.constant 1597463007 : i32
    %sub3A_463 = vector.broadcast %sub3A_462 : i32 to vector<16xi32>
    %sub3A_464 = arith.subi %sub3A_463, %shift_right_arithmetic3A_461 : vector<16xi32>
    %bitcast_convert_type3A_465 = tpu.bitcast %sub3A_464 : vector<16xi32> -> vector<16xf32>
    %mul3A_466 = arith.constant 5.000000e-01 : f32
    %mul3A_467 = vector.broadcast %mul3A_466 : f32 to vector<16xf32>
    %mul3A_468 = arith.mulf %mul3A_467, %add3A_457 : vector<16xf32>
    %mul3A_469 = arith.mulf %mul3A_468, %bitcast_convert_type3A_465 : vector<16xf32>
    %mul3A_470 = arith.mulf %mul3A_469, %bitcast_convert_type3A_465 : vector<16xf32>
    %sub3A_471 = arith.constant 1.500000e+00 : f32
    %sub3A_472 = vector.broadcast %sub3A_471 : f32 to vector<16xf32>
    %sub3A_473 = arith.subf %sub3A_472, %mul3A_470 : vector<16xf32>
    %mul3A_474 = arith.mulf %bitcast_convert_type3A_465, %sub3A_473 : vector<16xf32>
    %mul3A_475 = arith.constant 5.000000e-01 : f32
    %mul3A_476 = vector.broadcast %mul3A_475 : f32 to vector<16xf32>
    %mul3A_477 = arith.mulf %mul3A_476, %add3A_457 : vector<16xf32>
    %mul3A_478 = arith.mulf %mul3A_477, %mul3A_474 : vector<16xf32>
    %mul3A_479 = arith.mulf %mul3A_478, %mul3A_474 : vector<16xf32>
    %sub3A_480 = arith.constant 1.500000e+00 : f32
    %sub3A_481 = vector.broadcast %sub3A_480 : f32 to vector<16xf32>
    %sub3A_482 = arith.subf %sub3A_481, %mul3A_479 : vector<16xf32>
    %mul3A_483 = arith.mulf %mul3A_474, %sub3A_482 : vector<16xf32>
    %mul3A_484 = arith.constant 5.000000e-01 : f32
    %mul3A_485 = vector.broadcast %mul3A_484 : f32 to vector<16xf32>
    %mul3A_486 = arith.mulf %mul3A_485, %add3A_457 : vector<16xf32>
    %mul3A_487 = arith.mulf %mul3A_486, %mul3A_483 : vector<16xf32>
    %mul3A_488 = arith.mulf %mul3A_487, %mul3A_483 : vector<16xf32>
    %sub3A_489 = arith.constant 1.500000e+00 : f32
    %sub3A_490 = vector.broadcast %sub3A_489 : f32 to vector<16xf32>
    %sub3A_491 = arith.subf %sub3A_490, %mul3A_488 : vector<16xf32>
    %mul3A_492 = arith.mulf %mul3A_483, %sub3A_491 : vector<16xf32>
    %swap3A_493 = arith.constant 80 : index
    %swap3A_494 = tpu.vector_load %arg6[%swap3A_493] {strides = array<i32>} : memref<768xf32, #tpu.memory_space<vmem>>, vector<16xf32>,
    tpu.vector_store %arg6[%swap3A_493], %mul3A_492 {strides = array<i32>} : memref<768xf32, #tpu.memory_space<vmem>>, vector<16xf32>,
    %get3A_495 = arith.constant 96 : index
    %get3A_496 = tpu.vector_load %arg6[%get3A_495] {strides = array<i32>} : memref<768xf32, #tpu.memory_space<vmem>>, vector<16xf32>,
    %add3A_497 = arith.constant 1.000000e+00 : f32
    %add3A_498 = vector.broadcast %add3A_497 : f32 to vector<16xf32>
    %add3A_499 = arith.addf %get3A_496, %add3A_498 : vector<16xf32>
    %bitcast_convert_type3A_500 = tpu.bitcast %add3A_499 : vector<16xf32> -> vector<16xi32>
    %shift_right_arithmetic3A_501 = arith.constant 1 : i32
    %shift_right_arithmetic3A_502 = vector.broadcast %shift_right_arithmetic3A_501 : i32 to vector<16xi32>
    %shift_right_arithmetic3A_503 = arith.shrsi %bitcast_convert_type3A_500, %shift_right_arithmetic3A_502 : vector<16xi32>
    %sub3A_504 = arith.constant 1597463007 : i32
    %sub3A_505 = vector.broadcast %sub3A_504 : i32 to vector<16xi32>
    %sub3A_506 = arith.subi %sub3A_505, %shift_right_arithmetic3A_503 : vector<16xi32>
    %bitcast_convert_type3A_507 = tpu.bitcast %sub3A_506 : vector<16xi32> -> vector<16xf32>
    %mul3A_508 = arith.constant 5.000000e-01 : f32
    %mul3A_509 = vector.broadcast %mul3A_508 : f32 to vector<16xf32>
    %mul3A_510 = arith.mulf %mul3A_509, %add3A_499 : vector<16xf32>
    %mul3A_511 = arith.mulf %mul3A_510, %bitcast_convert_type3A_507 : vector<16xf32>
    %mul3A_512 = arith.mulf %mul3A_511, %bitcast_convert_type3A_507 : vector<16xf32>
    %sub3A_513 = arith.constant 1.500000e+00 : f32
    %sub3A_514 = vector.broadcast %sub3A_513 : f32 to vector<16xf32>
    %sub3A_515 = arith.subf %sub3A_514, %mul3A_512 : vector<16xf32>
    %mul3A_516 = arith.mulf %bitcast_convert_type3A_507, %sub3A_515 : vector<16xf32>
    %mul3A_517 = arith.constant 5.000000e-01 : f32
    %mul3A_518 = vector.broadcast %mul3A_517 : f32 to vector<16xf32>
    %mul3A_519 = arith.mulf %mul3A_518, %add3A_499 : vector<16xf32>
    %mul3A_520 = arith.mulf %mul3A_519, %mul3A_516 : vector<16xf32>
    %mul3A_521 = arith.mulf %mul3A_520, %mul3A_516 : vector<16xf32>
    %sub3A_522 = arith.constant 1.500000e+00 : f32
    %sub3A_523 = vector.broadcast %sub3A_522 : f32 to vector<16xf32>
    %sub3A_524 = arith.subf %sub3A_523, %mul3A_521 : vector<16xf32>
    %mul3A_525 = arith.mulf %mul3A_516, %sub3A_524 : vector<16xf32>
    %mul3A_526 = arith.constant 5.000000e-01 : f32
    %mul3A_527 = vector.broadcast %mul3A_526 : f32 to vector<16xf32>
    %mul3A_528 = arith.mulf %mul3A_527, %add3A_499 : vector<16xf32>
    %mul3A_529 = arith.mulf %mul3A_528, %mul3A_525 : vector<16xf32>
    %mul3A_530 = arith.mulf %mul3A_529, %mul3A_525 : vector<16xf32>
    %sub3A_531 = arith.constant 1.500000e+00 : f32
    %sub3A_532 = vector.broadcast %sub3A_531 : f32 to vector<16xf32>
    %sub3A_533 = arith.subf %sub3A_532, %mul3A_530 : vector<16xf32>
    %mul3A_534 = arith.mulf %mul3A_525, %sub3A_533 : vector<16xf32>
    %swap3A_535 = arith.constant 96 : index
    %swap3A_536 = tpu.vector_load %arg6[%swap3A_535] {strides = array<i32>} : memref<768xf32, #tpu.memory_space<vmem>>, vector<16xf32>,
    tpu.vector_store %arg6[%swap3A_535], %mul3A_534 {strides = array<i32>} : memref<768xf32, #tpu.memory_space<vmem>>, vector<16xf32>,
    %get3A_537 = arith.constant 112 : index
    %get3A_538 = tpu.vector_load %arg6[%get3A_537] {strides = array<i32>} : memref<768xf32, #tpu.memory_space<vmem>>, vector<16xf32>,
    %add3A_539 = arith.constant 1.000000e+00 : f32
    %add3A_540 = vector.broadcast %add3A_539 : f32 to vector<16xf32>
    %add3A_541 = arith.addf %get3A_538, %add3A_540 : vector<16xf32>
    %bitcast_convert_type3A_542 = tpu.bitcast %add3A_541 : vector<16xf32> -> vector<16xi32>
    %shift_right_arithmetic3A_543 = arith.constant 1 : i32
    %shift_right_arithmetic3A_544 = vector.broadcast %shift_right_arithmetic3A_543 : i32 to vector<16xi32>
    %shift_right_arithmetic3A_545 = arith.shrsi %bitcast_convert_type3A_542, %shift_right_arithmetic3A_544 : vector<16xi32>
    %sub3A_546 = arith.constant 1597463007 : i32
    %sub3A_547 = vector.broadcast %sub3A_546 : i32 to vector<16xi32>
    %sub3A_548 = arith.subi %sub3A_547, %shift_right_arithmetic3A_545 : vector<16xi32>
    %bitcast_convert_type3A_549 = tpu.bitcast %sub3A_548 : vector<16xi32> -> vector<16xf32>
    %mul3A_550 = arith.constant 5.000000e-01 : f32
    %mul3A_551 = vector.broadcast %mul3A_550 : f32 to vector<16xf32>
    %mul3A_552 = arith.mulf %mul3A_551, %add3A_541 : vector<16xf32>
    %mul3A_553 = arith.mulf %mul3A_552, %bitcast_convert_type3A_549 : vector<16xf32>
    %mul3A_554 = arith.mulf %mul3A_553, %bitcast_convert_type3A_549 : vector<16xf32>
    %sub3A_555 = arith.constant 1.500000e+00 : f32
    %sub3A_556 = vector.broadcast %sub3A_555 : f32 to vector<16xf32>
    %sub3A_557 = arith.subf %sub3A_556, %mul3A_554 : vector<16xf32>
    %mul3A_558 = arith.mulf %bitcast_convert_type3A_549, %sub3A_557 : vector<16xf32>
    %mul3A_559 = arith.constant 5.000000e-01 : f32
    %mul3A_560 = vector.broadcast %mul3A_559 : f32 to vector<16xf32>
    %mul3A_561 = arith.mulf %mul3A_560, %add3A_541 : vector<16xf32>
    %mul3A_562 = arith.mulf %mul3A_561, %mul3A_558 : vector<16xf32>
    %mul3A_563 = arith.mulf %mul3A_562, %mul3A_558 : vector<16xf32>
    %sub3A_564 = arith.constant 1.500000e+00 : f32
    %sub3A_565 = vector.broadcast %sub3A_564 : f32 to vector<16xf32>
    %sub3A_566 = arith.subf %sub3A_565, %mul3A_563 : vector<16xf32>
    %mul3A_567 = arith.mulf %mul3A_558, %sub3A_566 : vector<16xf32>
    %mul3A_568 = arith.constant 5.000000e-01 : f32
    %mul3A_569 = vector.broadcast %mul3A_568 : f32 to vector<16xf32>
    %mul3A_570 = arith.mulf %mul3A_569, %add3A_541 : vector<16xf32>
    %mul3A_571 = arith.mulf %mul3A_570, %mul3A_567 : vector<16xf32>
    %mul3A_572 = arith.mulf %mul3A_571, %mul3A_567 : vector<16xf32>
    %sub3A_573 = arith.constant 1.500000e+00 : f32
    %sub3A_574 = vector.broadcast %sub3A_573 : f32 to vector<16xf32>
    %sub3A_575 = arith.subf %sub3A_574, %mul3A_572 : vector<16xf32>
    %mul3A_576 = arith.mulf %mul3A_567, %sub3A_575 : vector<16xf32>
    %swap3A_577 = arith.constant 112 : index
    %swap3A_578 = tpu.vector_load %arg6[%swap3A_577] {strides = array<i32>} : memref<768xf32, #tpu.memory_space<vmem>>, vector<16xf32>,
    tpu.vector_store %arg6[%swap3A_577], %mul3A_576 {strides = array<i32>} : memref<768xf32, #tpu.memory_space<vmem>>, vector<16xf32>,
    %get3A_579 = arith.constant 128 : index
    %get3A_580 = tpu.vector_load %arg6[%get3A_579] {strides = array<i32>} : memref<768xf32, #tpu.memory_space<vmem>>, vector<16xf32>,
    %add3A_581 = arith.constant 1.000000e+00 : f32
    %add3A_582 = vector.broadcast %add3A_581 : f32 to vector<16xf32>
    %add3A_583 = arith.addf %get3A_580, %add3A_582 : vector<16xf32>
    %bitcast_convert_type3A_584 = tpu.bitcast %add3A_583 : vector<16xf32> -> vector<16xi32>
    %shift_right_arithmetic3A_585 = arith.constant 1 : i32
    %shift_right_arithmetic3A_586 = vector.broadcast %shift_right_arithmetic3A_585 : i32 to vector<16xi32>
    %shift_right_arithmetic3A_587 = arith.shrsi %bitcast_convert_type3A_584, %shift_right_arithmetic3A_586 : vector<16xi32>
    %sub3A_588 = arith.constant 1597463007 : i32
    %sub3A_589 = vector.broadcast %sub3A_588 : i32 to vector<16xi32>
    %sub3A_590 = arith.subi %sub3A_589, %shift_right_arithmetic3A_587 : vector<16xi32>
    %bitcast_convert_type3A_591 = tpu.bitcast %sub3A_590 : vector<16xi32> -> vector<16xf32>
    %mul3A_592 = arith.constant 5.000000e-01 : f32
    %mul3A_593 = vector.broadcast %mul3A_592 : f32 to vector<16xf32>
    %mul3A_594 = arith.mulf %mul3A_593, %add3A_583 : vector<16xf32>
    %mul3A_595 = arith.mulf %mul3A_594, %bitcast_convert_type3A_591 : vector<16xf32>
    %mul3A_596 = arith.mulf %mul3A_595, %bitcast_convert_type3A_591 : vector<16xf32>
    %sub3A_597 = arith.constant 1.500000e+00 : f32
    %sub3A_598 = vector.broadcast %sub3A_597 : f32 to vector<16xf32>
    %sub3A_599 = arith.subf %sub3A_598, %mul3A_596 : vector<16xf32>
    %mul3A_600 = arith.mulf %bitcast_convert_type3A_591, %sub3A_599 : vector<16xf32>
    %mul3A_601 = arith.constant 5.000000e-01 : f32
    %mul3A_602 = vector.broadcast %mul3A_601 : f32 to vector<16xf32>
    %mul3A_603 = arith.mulf %mul3A_602, %add3A_583 : vector<16xf32>
    %mul3A_604 = arith.mulf %mul3A_603, %mul3A_600 : vector<16xf32>
    %mul3A_605 = arith.mulf %mul3A_604, %mul3A_600 : vector<16xf32>
    %sub3A_606 = arith.constant 1.500000e+00 : f32
    %sub3A_607 = vector.broadcast %sub3A_606 : f32 to vector<16xf32>
    %sub3A_608 = arith.subf %sub3A_607, %mul3A_605 : vector<16xf32>
    %mul3A_609 = arith.mulf %mul3A_600, %sub3A_608 : vector<16xf32>
    %mul3A_610 = arith.constant 5.000000e-01 : f32
    %mul3A_611 = vector.broadcast %mul3A_610 : f32 to vector<16xf32>
    %mul3A_612 = arith.mulf %mul3A_611, %add3A_583 : vector<16xf32>
    %mul3A_613 = arith.mulf %mul3A_612, %mul3A_609 : vector<16xf32>
    %mul3A_614 = arith.mulf %mul3A_613, %mul3A_609 : vector<16xf32>
    %sub3A_615 = arith.constant 1.500000e+00 : f32
    %sub3A_616 = vector.broadcast %sub3A_615 : f32 to vector<16xf32>
    %sub3A_617 = arith.subf %sub3A_616, %mul3A_614 : vector<16xf32>
    %mul3A_618 = arith.mulf %mul3A_609, %sub3A_617 : vector<16xf32>
    %swap3A_619 = arith.constant 128 : index
    %swap3A_620 = tpu.vector_load %arg6[%swap3A_619] {strides = array<i32>} : memref<768xf32, #tpu.memory_space<vmem>>, vector<16xf32>,
    tpu.vector_store %arg6[%swap3A_619], %mul3A_618 {strides = array<i32>} : memref<768xf32, #tpu.memory_space<vmem>>, vector<16xf32>,
    %get3A_621 = arith.constant 144 : index
    %get3A_622 = tpu.vector_load %arg6[%get3A_621] {strides = array<i32>} : memref<768xf32, #tpu.memory_space<vmem>>, vector<16xf32>,
    %add3A_623 = arith.constant 1.000000e+00 : f32
    %add3A_624 = vector.broadcast %add3A_623 : f32 to vector<16xf32>
    %add3A_625 = arith.addf %get3A_622, %add3A_624 : vector<16xf32>
    %bitcast_convert_type3A_626 = tpu.bitcast %add3A_625 : vector<16xf32> -> vector<16xi32>
    %shift_right_arithmetic3A_627 = arith.constant 1 : i32
    %shift_right_arithmetic3A_628 = vector.broadcast %shift_right_arithmetic3A_627 : i32 to vector<16xi32>
    %shift_right_arithmetic3A_629 = arith.shrsi %bitcast_convert_type3A_626, %shift_right_arithmetic3A_628 : vector<16xi32>
    %sub3A_630 = arith.constant 1597463007 : i32
    %sub3A_631 = vector.broadcast %sub3A_630 : i32 to vector<16xi32>
    %sub3A_632 = arith.subi %sub3A_631, %shift_right_arithmetic3A_629 : vector<16xi32>
    %bitcast_convert_type3A_633 = tpu.bitcast %sub3A_632 : vector<16xi32> -> vector<16xf32>
    %mul3A_634 = arith.constant 5.000000e-01 : f32
    %mul3A_635 = vector.broadcast %mul3A_634 : f32 to vector<16xf32>
    %mul3A_636 = arith.mulf %mul3A_635, %add3A_625 : vector<16xf32>
    %mul3A_637 = arith.mulf %mul3A_636, %bitcast_convert_type3A_633 : vector<16xf32>
    %mul3A_638 = arith.mulf %mul3A_637, %bitcast_convert_type3A_633 : vector<16xf32>
    %sub3A_639 = arith.constant 1.500000e+00 : f32
    %sub3A_640 = vector.broadcast %sub3A_639 : f32 to vector<16xf32>
    %sub3A_641 = arith.subf %sub3A_640, %mul3A_638 : vector<16xf32>
    %mul3A_642 = arith.mulf %bitcast_convert_type3A_633, %sub3A_641 : vector<16xf32>
    %mul3A_643 = arith.constant 5.000000e-01 : f32
    %mul3A_644 = vector.broadcast %mul3A_643 : f32 to vector<16xf32>
    %mul3A_645 = arith.mulf %mul3A_644, %add3A_625 : vector<16xf32>
    %mul3A_646 = arith.mulf %mul3A_645, %mul3A_642 : vector<16xf32>
    %mul3A_647 = arith.mulf %mul3A_646, %mul3A_642 : vector<16xf32>
    %sub3A_648 = arith.constant 1.500000e+00 : f32
    %sub3A_649 = vector.broadcast %sub3A_648 : f32 to vector<16xf32>
    %sub3A_650 = arith.subf %sub3A_649, %mul3A_647 : vector<16xf32>
    %mul3A_651 = arith.mulf %mul3A_642, %sub3A_650 : vector<16xf32>
    %mul3A_652 = arith.constant 5.000000e-01 : f32
    %mul3A_653 = vector.broadcast %mul3A_652 : f32 to vector<16xf32>
    %mul3A_654 = arith.mulf %mul3A_653, %add3A_625 : vector<16xf32>
    %mul3A_655 = arith.mulf %mul3A_654, %mul3A_651 : vector<16xf32>
    %mul3A_656 = arith.mulf %mul3A_655, %mul3A_651 : vector<16xf32>
    %sub3A_657 = arith.constant 1.500000e+00 : f32
    %sub3A_658 = vector.broadcast %sub3A_657 : f32 to vector<16xf32>
    %sub3A_659 = arith.subf %sub3A_658, %mul3A_656 : vector<16xf32>
    %mul3A_660 = arith.mulf %mul3A_651, %sub3A_659 : vector<16xf32>
    %swap3A_661 = arith.constant 144 : index
    %swap3A_662 = tpu.vector_load %arg6[%swap3A_661] {strides = array<i32>} : memref<768xf32, #tpu.memory_space<vmem>>, vector<16xf32>,
    tpu.vector_store %arg6[%swap3A_661], %mul3A_660 {strides = array<i32>} : memref<768xf32, #tpu.memory_space<vmem>>, vector<16xf32>,
    %get3A_663 = arith.constant 160 : index
    %get3A_664 = tpu.vector_load %arg6[%get3A_663] {strides = array<i32>} : memref<768xf32, #tpu.memory_space<vmem>>, vector<16xf32>,
    %add3A_665 = arith.constant 1.000000e+00 : f32
    %add3A_666 = vector.broadcast %add3A_665 : f32 to vector<16xf32>
    %add3A_667 = arith.addf %get3A_664, %add3A_666 : vector<16xf32>
    %bitcast_convert_type3A_668 = tpu.bitcast %add3A_667 : vector<16xf32> -> vector<16xi32>
    %shift_right_arithmetic3A_669 = arith.constant 1 : i32
    %shift_right_arithmetic3A_670 = vector.broadcast %shift_right_arithmetic3A_669 : i32 to vector<16xi32>
    %shift_right_arithmetic3A_671 = arith.shrsi %bitcast_convert_type3A_668, %shift_right_arithmetic3A_670 : vector<16xi32>
    %sub3A_672 = arith.constant 1597463007 : i32
    %sub3A_673 = vector.broadcast %sub3A_672 : i32 to vector<16xi32>
    %sub3A_674 = arith.subi %sub3A_673, %shift_right_arithmetic3A_671 : vector<16xi32>
    %bitcast_convert_type3A_675 = tpu.bitcast %sub3A_674 : vector<16xi32> -> vector<16xf32>
    %mul3A_676 = arith.constant 5.000000e-01 : f32
    %mul3A_677 = vector.broadcast %mul3A_676 : f32 to vector<16xf32>
    %mul3A_678 = arith.mulf %mul3A_677, %add3A_667 : vector<16xf32>
    %mul3A_679 = arith.mulf %mul3A_678, %bitcast_convert_type3A_675 : vector<16xf32>
    %mul3A_680 = arith.mulf %mul3A_679, %bitcast_convert_type3A_675 : vector<16xf32>
    %sub3A_681 = arith.constant 1.500000e+00 : f32
    %sub3A_682 = vector.broadcast %sub3A_681 : f32 to vector<16xf32>
    %sub3A_683 = arith.subf %sub3A_682, %mul3A_680 : vector<16xf32>
    %mul3A_684 = arith.mulf %bitcast_convert_type3A_675, %sub3A_683 : vector<16xf32>
    %mul3A_685 = arith.constant 5.000000e-01 : f32
    %mul3A_686 = vector.broadcast %mul3A_685 : f32 to vector<16xf32>
    %mul3A_687 = arith.mulf %mul3A_686, %add3A_667 : vector<16xf32>
    %mul3A_688 = arith.mulf %mul3A_687, %mul3A_684 : vector<16xf32>
    %mul3A_689 = arith.mulf %mul3A_688, %mul3A_684 : vector<16xf32>
    %sub3A_690 = arith.constant 1.500000e+00 : f32
    %sub3A_691 = vector.broadcast %sub3A_690 : f32 to vector<16xf32>
    %sub3A_692 = arith.subf %sub3A_691, %mul3A_689 : vector<16xf32>
    %mul3A_693 = arith.mulf %mul3A_684, %sub3A_692 : vector<16xf32>
    %mul3A_694 = arith.constant 5.000000e-01 : f32
    %mul3A_695 = vector.broadcast %mul3A_694 : f32 to vector<16xf32>
    %mul3A_696 = arith.mulf %mul3A_695, %add3A_667 : vector<16xf32>
    %mul3A_697 = arith.mulf %mul3A_696, %mul3A_693 : vector<16xf32>
    %mul3A_698 = arith.mulf %mul3A_697, %mul3A_693 : vector<16xf32>
    %sub3A_699 = arith.constant 1.500000e+00 : f32
    %sub3A_700 = vector.broadcast %sub3A_699 : f32 to vector<16xf32>
    %sub3A_701 = arith.subf %sub3A_700, %mul3A_698 : vector<16xf32>
    %mul3A_702 = arith.mulf %mul3A_693, %sub3A_701 : vector<16xf32>
    %swap3A_703 = arith.constant 160 : index
    %swap3A_704 = tpu.vector_load %arg6[%swap3A_703] {strides = array<i32>} : memref<768xf32, #tpu.memory_space<vmem>>, vector<16xf32>,
    tpu.vector_store %arg6[%swap3A_703], %mul3A_702 {strides = array<i32>} : memref<768xf32, #tpu.memory_space<vmem>>, vector<16xf32>,
    %get3A_705 = arith.constant 176 : index
    %get3A_706 = tpu.vector_load %arg6[%get3A_705] {strides = array<i32>} : memref<768xf32, #tpu.memory_space<vmem>>, vector<16xf32>,
    %add3A_707 = arith.constant 1.000000e+00 : f32
    %add3A_708 = vector.broadcast %add3A_707 : f32 to vector<16xf32>
    %add3A_709 = arith.addf %get3A_706, %add3A_708 : vector<16xf32>
    %bitcast_convert_type3A_710 = tpu.bitcast %add3A_709 : vector<16xf32> -> vector<16xi32>
    %shift_right_arithmetic3A_711 = arith.constant 1 : i32
    %shift_right_arithmetic3A_712 = vector.broadcast %shift_right_arithmetic3A_711 : i32 to vector<16xi32>
    %shift_right_arithmetic3A_713 = arith.shrsi %bitcast_convert_type3A_710, %shift_right_arithmetic3A_712 : vector<16xi32>
    %sub3A_714 = arith.constant 1597463007 : i32
    %sub3A_715 = vector.broadcast %sub3A_714 : i32 to vector<16xi32>
    %sub3A_716 = arith.subi %sub3A_715, %shift_right_arithmetic3A_713 : vector<16xi32>
    %bitcast_convert_type3A_717 = tpu.bitcast %sub3A_716 : vector<16xi32> -> vector<16xf32>
    %mul3A_718 = arith.constant 5.000000e-01 : f32
    %mul3A_719 = vector.broadcast %mul3A_718 : f32 to vector<16xf32>
    %mul3A_720 = arith.mulf %mul3A_719, %add3A_709 : vector<16xf32>
    %mul3A_721 = arith.mulf %mul3A_720, %bitcast_convert_type3A_717 : vector<16xf32>
    %mul3A_722 = arith.mulf %mul3A_721, %bitcast_convert_type3A_717 : vector<16xf32>
    %sub3A_723 = arith.constant 1.500000e+00 : f32
    %sub3A_724 = vector.broadcast %sub3A_723 : f32 to vector<16xf32>
    %sub3A_725 = arith.subf %sub3A_724, %mul3A_722 : vector<16xf32>
    %mul3A_726 = arith.mulf %bitcast_convert_type3A_717, %sub3A_725 : vector<16xf32>
    %mul3A_727 = arith.constant 5.000000e-01 : f32
    %mul3A_728 = vector.broadcast %mul3A_727 : f32 to vector<16xf32>
    %mul3A_729 = arith.mulf %mul3A_728, %add3A_709 : vector<16xf32>
    %mul3A_730 = arith.mulf %mul3A_729, %mul3A_726 : vector<16xf32>
    %mul3A_731 = arith.mulf %mul3A_730, %mul3A_726 : vector<16xf32>
    %sub3A_732 = arith.constant 1.500000e+00 : f32
    %sub3A_733 = vector.broadcast %sub3A_732 : f32 to vector<16xf32>
    %sub3A_734 = arith.subf %sub3A_733, %mul3A_731 : vector<16xf32>
    %mul3A_735 = arith.mulf %mul3A_726, %sub3A_734 : vector<16xf32>
    %mul3A_736 = arith.constant 5.000000e-01 : f32
    %mul3A_737 = vector.broadcast %mul3A_736 : f32 to vector<16xf32>
    %mul3A_738 = arith.mulf %mul3A_737, %add3A_709 : vector<16xf32>
    %mul3A_739 = arith.mulf %mul3A_738, %mul3A_735 : vector<16xf32>
    %mul3A_740 = arith.mulf %mul3A_739, %mul3A_735 : vector<16xf32>
    %sub3A_741 = arith.constant 1.500000e+00 : f32
    %sub3A_742 = vector.broadcast %sub3A_741 : f32 to vector<16xf32>
    %sub3A_743 = arith.subf %sub3A_742, %mul3A_740 : vector<16xf32>
    %mul3A_744 = arith.mulf %mul3A_735, %sub3A_743 : vector<16xf32>
    %swap3A_745 = arith.constant 176 : index
    %swap3A_746 = tpu.vector_load %arg6[%swap3A_745] {strides = array<i32>} : memref<768xf32, #tpu.memory_space<vmem>>, vector<16xf32>,
    tpu.vector_store %arg6[%swap3A_745], %mul3A_744 {strides = array<i32>} : memref<768xf32, #tpu.memory_space<vmem>>, vector<16xf32>,
    %get3A_747 = arith.constant 192 : index
    %get3A_748 = tpu.vector_load %arg6[%get3A_747] {strides = array<i32>} : memref<768xf32, #tpu.memory_space<vmem>>, vector<16xf32>,
    %add3A_749 = arith.constant 1.000000e+00 : f32
    %add3A_750 = vector.broadcast %add3A_749 : f32 to vector<16xf32>
    %add3A_751 = arith.addf %get3A_748, %add3A_750 : vector<16xf32>
    %bitcast_convert_type3A_752 = tpu.bitcast %add3A_751 : vector<16xf32> -> vector<16xi32>
    %shift_right_arithmetic3A_753 = arith.constant 1 : i32
    %shift_right_arithmetic3A_754 = vector.broadcast %shift_right_arithmetic3A_753 : i32 to vector<16xi32>
    %shift_right_arithmetic3A_755 = arith.shrsi %bitcast_convert_type3A_752, %shift_right_arithmetic3A_754 : vector<16xi32>
    %sub3A_756 = arith.constant 1597463007 : i32
    %sub3A_757 = vector.broadcast %sub3A_756 : i32 to vector<16xi32>
    %sub3A_758 = arith.subi %sub3A_757, %shift_right_arithmetic3A_755 : vector<16xi32>
    %bitcast_convert_type3A_759 = tpu.bitcast %sub3A_758 : vector<16xi32> -> vector<16xf32>
    %mul3A_760 = arith.constant 5.000000e-01 : f32
    %mul3A_761 = vector.broadcast %mul3A_760 : f32 to vector<16xf32>
    %mul3A_762 = arith.mulf %mul3A_761, %add3A_751 : vector<16xf32>
    %mul3A_763 = arith.mulf %mul3A_762, %bitcast_convert_type3A_759 : vector<16xf32>
    %mul3A_764 = arith.mulf %mul3A_763, %bitcast_convert_type3A_759 : vector<16xf32>
    %sub3A_765 = arith.constant 1.500000e+00 : f32
    %sub3A_766 = vector.broadcast %sub3A_765 : f32 to vector<16xf32>
    %sub3A_767 = arith.subf %sub3A_766, %mul3A_764 : vector<16xf32>
    %mul3A_768 = arith.mulf %bitcast_convert_type3A_759, %sub3A_767 : vector<16xf32>
    %mul3A_769 = arith.constant 5.000000e-01 : f32
    %mul3A_770 = vector.broadcast %mul3A_769 : f32 to vector<16xf32>
    %mul3A_771 = arith.mulf %mul3A_770, %add3A_751 : vector<16xf32>
    %mul3A_772 = arith.mulf %mul3A_771, %mul3A_768 : vector<16xf32>
    %mul3A_773 = arith.mulf %mul3A_772, %mul3A_768 : vector<16xf32>
    %sub3A_774 = arith.constant 1.500000e+00 : f32
    %sub3A_775 = vector.broadcast %sub3A_774 : f32 to vector<16xf32>
    %sub3A_776 = arith.subf %sub3A_775, %mul3A_773 : vector<16xf32>
    %mul3A_777 = arith.mulf %mul3A_768, %sub3A_776 : vector<16xf32>
    %mul3A_778 = arith.constant 5.000000e-01 : f32
    %mul3A_779 = vector.broadcast %mul3A_778 : f32 to vector<16xf32>
    %mul3A_780 = arith.mulf %mul3A_779, %add3A_751 : vector<16xf32>
    %mul3A_781 = arith.mulf %mul3A_780, %mul3A_777 : vector<16xf32>
    %mul3A_782 = arith.mulf %mul3A_781, %mul3A_777 : vector<16xf32>
    %sub3A_783 = arith.constant 1.500000e+00 : f32
    %sub3A_784 = vector.broadcast %sub3A_783 : f32 to vector<16xf32>
    %sub3A_785 = arith.subf %sub3A_784, %mul3A_782 : vector<16xf32>
    %mul3A_786 = arith.mulf %mul3A_777, %sub3A_785 : vector<16xf32>
    %swap3A_787 = arith.constant 192 : index
    %swap3A_788 = tpu.vector_load %arg6[%swap3A_787] {strides = array<i32>} : memref<768xf32, #tpu.memory_space<vmem>>, vector<16xf32>,
    tpu.vector_store %arg6[%swap3A_787], %mul3A_786 {strides = array<i32>} : memref<768xf32, #tpu.memory_space<vmem>>, vector<16xf32>,
    %get3A_789 = arith.constant 208 : index
    %get3A_790 = tpu.vector_load %arg6[%get3A_789] {strides = array<i32>} : memref<768xf32, #tpu.memory_space<vmem>>, vector<16xf32>,
    %add3A_791 = arith.constant 1.000000e+00 : f32
    %add3A_792 = vector.broadcast %add3A_791 : f32 to vector<16xf32>
    %add3A_793 = arith.addf %get3A_790, %add3A_792 : vector<16xf32>
    %bitcast_convert_type3A_794 = tpu.bitcast %add3A_793 : vector<16xf32> -> vector<16xi32>
    %shift_right_arithmetic3A_795 = arith.constant 1 : i32
    %shift_right_arithmetic3A_796 = vector.broadcast %shift_right_arithmetic3A_795 : i32 to vector<16xi32>
    %shift_right_arithmetic3A_797 = arith.shrsi %bitcast_convert_type3A_794, %shift_right_arithmetic3A_796 : vector<16xi32>
    %sub3A_798 = arith.constant 1597463007 : i32
    %sub3A_799 = vector.broadcast %sub3A_798 : i32 to vector<16xi32>
    %sub3A_800 = arith.subi %sub3A_799, %shift_right_arithmetic3A_797 : vector<16xi32>
    %bitcast_convert_type3A_801 = tpu.bitcast %sub3A_800 : vector<16xi32> -> vector<16xf32>
    %mul3A_802 = arith.constant 5.000000e-01 : f32
    %mul3A_803 = vector.broadcast %mul3A_802 : f32 to vector<16xf32>
    %mul3A_804 = arith.mulf %mul3A_803, %add3A_793 : vector<16xf32>
    %mul3A_805 = arith.mulf %mul3A_804, %bitcast_convert_type3A_801 : vector<16xf32>
    %mul3A_806 = arith.mulf %mul3A_805, %bitcast_convert_type3A_801 : vector<16xf32>
    %sub3A_807 = arith.constant 1.500000e+00 : f32
    %sub3A_808 = vector.broadcast %sub3A_807 : f32 to vector<16xf32>
    %sub3A_809 = arith.subf %sub3A_808, %mul3A_806 : vector<16xf32>
    %mul3A_810 = arith.mulf %bitcast_convert_type3A_801, %sub3A_809 : vector<16xf32>
    %mul3A_811 = arith.constant 5.000000e-01 : f32
    %mul3A_812 = vector.broadcast %mul3A_811 : f32 to vector<16xf32>
    %mul3A_813 = arith.mulf %mul3A_812, %add3A_793 : vector<16xf32>
    %mul3A_814 = arith.mulf %mul3A_813, %mul3A_810 : vector<16xf32>
    %mul3A_815 = arith.mulf %mul3A_814, %mul3A_810 : vector<16xf32>
    %sub3A_816 = arith.constant 1.500000e+00 : f32
    %sub3A_817 = vector.broadcast %sub3A_816 : f32 to vector<16xf32>
    %sub3A_818 = arith.subf %sub3A_817, %mul3A_815 : vector<16xf32>
    %mul3A_819 = arith.mulf %mul3A_810, %sub3A_818 : vector<16xf32>
    %mul3A_820 = arith.constant 5.000000e-01 : f32
    %mul3A_821 = vector.broadcast %mul3A_820 : f32 to vector<16xf32>
    %mul3A_822 = arith.mulf %mul3A_821, %add3A_793 : vector<16xf32>
    %mul3A_823 = arith.mulf %mul3A_822, %mul3A_819 : vector<16xf32>
    %mul3A_824 = arith.mulf %mul3A_823, %mul3A_819 : vector<16xf32>
    %sub3A_825 = arith.constant 1.500000e+00 : f32
    %sub3A_826 = vector.broadcast %sub3A_825 : f32 to vector<16xf32>
    %sub3A_827 = arith.subf %sub3A_826, %mul3A_824 : vector<16xf32>
    %mul3A_828 = arith.mulf %mul3A_819, %sub3A_827 : vector<16xf32>
    %swap3A_829 = arith.constant 208 : index
    %swap3A_830 = tpu.vector_load %arg6[%swap3A_829] {strides = array<i32>} : memref<768xf32, #tpu.memory_space<vmem>>, vector<16xf32>,
    tpu.vector_store %arg6[%swap3A_829], %mul3A_828 {strides = array<i32>} : memref<768xf32, #tpu.memory_space<vmem>>, vector<16xf32>,
    %get3A_831 = arith.constant 224 : index
    %get3A_832 = tpu.vector_load %arg6[%get3A_831] {strides = array<i32>} : memref<768xf32, #tpu.memory_space<vmem>>, vector<16xf32>,
    %add3A_833 = arith.constant 1.000000e+00 : f32
    %add3A_834 = vector.broadcast %add3A_833 : f32 to vector<16xf32>
    %add3A_835 = arith.addf %get3A_832, %add3A_834 : vector<16xf32>
    %bitcast_convert_type3A_836 = tpu.bitcast %add3A_835 : vector<16xf32> -> vector<16xi32>
    %shift_right_arithmetic3A_837 = arith.constant 1 : i32
    %shift_right_arithmetic3A_838 = vector.broadcast %shift_right_arithmetic3A_837 : i32 to vector<16xi32>
    %shift_right_arithmetic3A_839 = arith.shrsi %bitcast_convert_type3A_836, %shift_right_arithmetic3A_838 : vector<16xi32>
    %sub3A_840 = arith.constant 1597463007 : i32
    %sub3A_841 = vector.broadcast %sub3A_840 : i32 to vector<16xi32>
    %sub3A_842 = arith.subi %sub3A_841, %shift_right_arithmetic3A_839 : vector<16xi32>
    %bitcast_convert_type3A_843 = tpu.bitcast %sub3A_842 : vector<16xi32> -> vector<16xf32>
    %mul3A_844 = arith.constant 5.000000e-01 : f32
    %mul3A_845 = vector.broadcast %mul3A_844 : f32 to vector<16xf32>
    %mul3A_846 = arith.mulf %mul3A_845, %add3A_835 : vector<16xf32>
    %mul3A_847 = arith.mulf %mul3A_846, %bitcast_convert_type3A_843 : vector<16xf32>
    %mul3A_848 = arith.mulf %mul3A_847, %bitcast_convert_type3A_843 : vector<16xf32>
    %sub3A_849 = arith.constant 1.500000e+00 : f32
    %sub3A_850 = vector.broadcast %sub3A_849 : f32 to vector<16xf32>
    %sub3A_851 = arith.subf %sub3A_850, %mul3A_848 : vector<16xf32>
    %mul3A_852 = arith.mulf %bitcast_convert_type3A_843, %sub3A_851 : vector<16xf32>
    %mul3A_853 = arith.constant 5.000000e-01 : f32
    %mul3A_854 = vector.broadcast %mul3A_853 : f32 to vector<16xf32>
    %mul3A_855 = arith.mulf %mul3A_854, %add3A_835 : vector<16xf32>
    %mul3A_856 = arith.mulf %mul3A_855, %mul3A_852 : vector<16xf32>
    %mul3A_857 = arith.mulf %mul3A_856, %mul3A_852 : vector<16xf32>
    %sub3A_858 = arith.constant 1.500000e+00 : f32
    %sub3A_859 = vector.broadcast %sub3A_858 : f32 to vector<16xf32>
    %sub3A_860 = arith.subf %sub3A_859, %mul3A_857 : vector<16xf32>
    %mul3A_861 = arith.mulf %mul3A_852, %sub3A_860 : vector<16xf32>
    %mul3A_862 = arith.constant 5.000000e-01 : f32
    %mul3A_863 = vector.broadcast %mul3A_862 : f32 to vector<16xf32>
    %mul3A_864 = arith.mulf %mul3A_863, %add3A_835 : vector<16xf32>
    %mul3A_865 = arith.mulf %mul3A_864, %mul3A_861 : vector<16xf32>
    %mul3A_866 = arith.mulf %mul3A_865, %mul3A_861 : vector<16xf32>
    %sub3A_867 = arith.constant 1.500000e+00 : f32
    %sub3A_868 = vector.broadcast %sub3A_867 : f32 to vector<16xf32>
    %sub3A_869 = arith.subf %sub3A_868, %mul3A_866 : vector<16xf32>
    %mul3A_870 = arith.mulf %mul3A_861, %sub3A_869 : vector<16xf32>
    %swap3A_871 = arith.constant 224 : index
    %swap3A_872 = tpu.vector_load %arg6[%swap3A_871] {strides = array<i32>} : memref<768xf32, #tpu.memory_space<vmem>>, vector<16xf32>,
    tpu.vector_store %arg6[%swap3A_871], %mul3A_870 {strides = array<i32>} : memref<768xf32, #tpu.memory_space<vmem>>, vector<16xf32>,
    %get3A_873 = arith.constant 240 : index
    %get3A_874 = tpu.vector_load %arg6[%get3A_873] {strides = array<i32>} : memref<768xf32, #tpu.memory_space<vmem>>, vector<16xf32>,
    %add3A_875 = arith.constant 1.000000e+00 : f32
    %add3A_876 = vector.broadcast %add3A_875 : f32 to vector<16xf32>
    %add3A_877 = arith.addf %get3A_874, %add3A_876 : vector<16xf32>
    %bitcast_convert_type3A_878 = tpu.bitcast %add3A_877 : vector<16xf32> -> vector<16xi32>
    %shift_right_arithmetic3A_879 = arith.constant 1 : i32
    %shift_right_arithmetic3A_880 = vector.broadcast %shift_right_arithmetic3A_879 : i32 to vector<16xi32>
    %shift_right_arithmetic3A_881 = arith.shrsi %bitcast_convert_type3A_878, %shift_right_arithmetic3A_880 : vector<16xi32>
    %sub3A_882 = arith.constant 1597463007 : i32
    %sub3A_883 = vector.broadcast %sub3A_882 : i32 to vector<16xi32>
    %sub3A_884 = arith.subi %sub3A_883, %shift_right_arithmetic3A_881 : vector<16xi32>
    %bitcast_convert_type3A_885 = tpu.bitcast %sub3A_884 : vector<16xi32> -> vector<16xf32>
    %mul3A_886 = arith.constant 5.000000e-01 : f32
    %mul3A_887 = vector.broadcast %mul3A_886 : f32 to vector<16xf32>
    %mul3A_888 = arith.mulf %mul3A_887, %add3A_877 : vector<16xf32>
    %mul3A_889 = arith.mulf %mul3A_888, %bitcast_convert_type3A_885 : vector<16xf32>
    %mul3A_890 = arith.mulf %mul3A_889, %bitcast_convert_type3A_885 : vector<16xf32>
    %sub3A_891 = arith.constant 1.500000e+00 : f32
    %sub3A_892 = vector.broadcast %sub3A_891 : f32 to vector<16xf32>
    %sub3A_893 = arith.subf %sub3A_892, %mul3A_890 : vector<16xf32>
    %mul3A_894 = arith.mulf %bitcast_convert_type3A_885, %sub3A_893 : vector<16xf32>
    %mul3A_895 = arith.constant 5.000000e-01 : f32
    %mul3A_896 = vector.broadcast %mul3A_895 : f32 to vector<16xf32>
    %mul3A_897 = arith.mulf %mul3A_896, %add3A_877 : vector<16xf32>
    %mul3A_898 = arith.mulf %mul3A_897, %mul3A_894 : vector<16xf32>
    %mul3A_899 = arith.mulf %mul3A_898, %mul3A_894 : vector<16xf32>
    %sub3A_900 = arith.constant 1.500000e+00 : f32
    %sub3A_901 = vector.broadcast %sub3A_900 : f32 to vector<16xf32>
    %sub3A_902 = arith.subf %sub3A_901, %mul3A_899 : vector<16xf32>
    %mul3A_903 = arith.mulf %mul3A_894, %sub3A_902 : vector<16xf32>
    %mul3A_904 = arith.constant 5.000000e-01 : f32
    %mul3A_905 = vector.broadcast %mul3A_904 : f32 to vector<16xf32>
    %mul3A_906 = arith.mulf %mul3A_905, %add3A_877 : vector<16xf32>
    %mul3A_907 = arith.mulf %mul3A_906, %mul3A_903 : vector<16xf32>
    %mul3A_908 = arith.mulf %mul3A_907, %mul3A_903 : vector<16xf32>
    %sub3A_909 = arith.constant 1.500000e+00 : f32
    %sub3A_910 = vector.broadcast %sub3A_909 : f32 to vector<16xf32>
    %sub3A_911 = arith.subf %sub3A_910, %mul3A_908 : vector<16xf32>
    %mul3A_912 = arith.mulf %mul3A_903, %sub3A_911 : vector<16xf32>
    %swap3A_913 = arith.constant 240 : index
    %swap3A_914 = tpu.vector_load %arg6[%swap3A_913] {strides = array<i32>} : memref<768xf32, #tpu.memory_space<vmem>>, vector<16xf32>,
    tpu.vector_store %arg6[%swap3A_913], %mul3A_912 {strides = array<i32>} : memref<768xf32, #tpu.memory_space<vmem>>, vector<16xf32>,
    %get3A_915 = arith.constant 256 : index
    %get3A_916 = tpu.vector_load %arg6[%get3A_915] {strides = array<i32>} : memref<768xf32, #tpu.memory_space<vmem>>, vector<16xf32>,
    %add3A_917 = arith.constant 1.000000e+00 : f32
    %add3A_918 = vector.broadcast %add3A_917 : f32 to vector<16xf32>
    %add3A_919 = arith.addf %get3A_916, %add3A_918 : vector<16xf32>
    %bitcast_convert_type3A_920 = tpu.bitcast %add3A_919 : vector<16xf32> -> vector<16xi32>
    %shift_right_arithmetic3A_921 = arith.constant 1 : i32
    %shift_right_arithmetic3A_922 = vector.broadcast %shift_right_arithmetic3A_921 : i32 to vector<16xi32>
    %shift_right_arithmetic3A_923 = arith.shrsi %bitcast_convert_type3A_920, %shift_right_arithmetic3A_922 : vector<16xi32>
    %sub3A_924 = arith.constant 1597463007 : i32
    %sub3A_925 = vector.broadcast %sub3A_924 : i32 to vector<16xi32>
    %sub3A_926 = arith.subi %sub3A_925, %shift_right_arithmetic3A_923 : vector<16xi32>
    %bitcast_convert_type3A_927 = tpu.bitcast %sub3A_926 : vector<16xi32> -> vector<16xf32>
    %mul3A_928 = arith.constant 5.000000e-01 : f32
    %mul3A_929 = vector.broadcast %mul3A_928 : f32 to vector<16xf32>
    %mul3A_930 = arith.mulf %mul3A_929, %add3A_919 : vector<16xf32>
    %mul3A_931 = arith.mulf %mul3A_930, %bitcast_convert_type3A_927 : vector<16xf32>
    %mul3A_932 = arith.mulf %mul3A_931, %bitcast_convert_type3A_927 : vector<16xf32>
    %sub3A_933 = arith.constant 1.500000e+00 : f32
    %sub3A_934 = vector.broadcast %sub3A_933 : f32 to vector<16xf32>
    %sub3A_935 = arith.subf %sub3A_934, %mul3A_932 : vector<16xf32>
    %mul3A_936 = arith.mulf %bitcast_convert_type3A_927, %sub3A_935 : vector<16xf32>
    %mul3A_937 = arith.constant 5.000000e-01 : f32
    %mul3A_938 = vector.broadcast %mul3A_937 : f32 to vector<16xf32>
    %mul3A_939 = arith.mulf %mul3A_938, %add3A_919 : vector<16xf32>
    %mul3A_940 = arith.mulf %mul3A_939, %mul3A_936 : vector<16xf32>
    %mul3A_941 = arith.mulf %mul3A_940, %mul3A_936 : vector<16xf32>
    %sub3A_942 = arith.constant 1.500000e+00 : f32
    %sub3A_943 = vector.broadcast %sub3A_942 : f32 to vector<16xf32>
    %sub3A_944 = arith.subf %sub3A_943, %mul3A_941 : vector<16xf32>
    %mul3A_945 = arith.mulf %mul3A_936, %sub3A_944 : vector<16xf32>
    %mul3A_946 = arith.constant 5.000000e-01 : f32
    %mul3A_947 = vector.broadcast %mul3A_946 : f32 to vector<16xf32>
    %mul3A_948 = arith.mulf %mul3A_947, %add3A_919 : vector<16xf32>
    %mul3A_949 = arith.mulf %mul3A_948, %mul3A_945 : vector<16xf32>
    %mul3A_950 = arith.mulf %mul3A_949, %mul3A_945 : vector<16xf32>
    %sub3A_951 = arith.constant 1.500000e+00 : f32
    %sub3A_952 = vector.broadcast %sub3A_951 : f32 to vector<16xf32>
    %sub3A_953 = arith.subf %sub3A_952, %mul3A_950 : vector<16xf32>
    %mul3A_954 = arith.mulf %mul3A_945, %sub3A_953 : vector<16xf32>
    %swap3A_955 = arith.constant 256 : index
    %swap3A_956 = tpu.vector_load %arg6[%swap3A_955] {strides = array<i32>} : memref<768xf32, #tpu.memory_space<vmem>>, vector<16xf32>,
    tpu.vector_store %arg6[%swap3A_955], %mul3A_954 {strides = array<i32>} : memref<768xf32, #tpu.memory_space<vmem>>, vector<16xf32>,
    %get3A_957 = arith.constant 272 : index
    %get3A_958 = tpu.vector_load %arg6[%get3A_957] {strides = array<i32>} : memref<768xf32, #tpu.memory_space<vmem>>, vector<16xf32>,
    %add3A_959 = arith.constant 1.000000e+00 : f32
    %add3A_960 = vector.broadcast %add3A_959 : f32 to vector<16xf32>
    %add3A_961 = arith.addf %get3A_958, %add3A_960 : vector<16xf32>
    %bitcast_convert_type3A_962 = tpu.bitcast %add3A_961 : vector<16xf32> -> vector<16xi32>
    %shift_right_arithmetic3A_963 = arith.constant 1 : i32
    %shift_right_arithmetic3A_964 = vector.broadcast %shift_right_arithmetic3A_963 : i32 to vector<16xi32>
    %shift_right_arithmetic3A_965 = arith.shrsi %bitcast_convert_type3A_962, %shift_right_arithmetic3A_964 : vector<16xi32>
    %sub3A_966 = arith.constant 1597463007 : i32
    %sub3A_967 = vector.broadcast %sub3A_966 : i32 to vector<16xi32>
    %sub3A_968 = arith.subi %sub3A_967, %shift_right_arithmetic3A_965 : vector<16xi32>
    %bitcast_convert_type3A_969 = tpu.bitcast %sub3A_968 : vector<16xi32> -> vector<16xf32>
    %mul3A_970 = arith.constant 5.000000e-01 : f32
    %mul3A_971 = vector.broadcast %mul3A_970 : f32 to vector<16xf32>
    %mul3A_972 = arith.mulf %mul3A_971, %add3A_961 : vector<16xf32>
    %mul3A_973 = arith.mulf %mul3A_972, %bitcast_convert_type3A_969 : vector<16xf32>
    %mul3A_974 = arith.mulf %mul3A_973, %bitcast_convert_type3A_969 : vector<16xf32>
    %sub3A_975 = arith.constant 1.500000e+00 : f32
    %sub3A_976 = vector.broadcast %sub3A_975 : f32 to vector<16xf32>
    %sub3A_977 = arith.subf %sub3A_976, %mul3A_974 : vector<16xf32>
    %mul3A_978 = arith.mulf %bitcast_convert_type3A_969, %sub3A_977 : vector<16xf32>
    %mul3A_979 = arith.constant 5.000000e-01 : f32
    %mul3A_980 = vector.broadcast %mul3A_979 : f32 to vector<16xf32>
    %mul3A_981 = arith.mulf %mul3A_980, %add3A_961 : vector<16xf32>
    %mul3A_982 = arith.mulf %mul3A_981, %mul3A_978 : vector<16xf32>
    %mul3A_983 = arith.mulf %mul3A_982, %mul3A_978 : vector<16xf32>
    %sub3A_984 = arith.constant 1.500000e+00 : f32
    %sub3A_985 = vector.broadcast %sub3A_984 : f32 to vector<16xf32>
    %sub3A_986 = arith.subf %sub3A_985, %mul3A_983 : vector<16xf32>
    %mul3A_987 = arith.mulf %mul3A_978, %sub3A_986 : vector<16xf32>
    %mul3A_988 = arith.constant 5.000000e-01 : f32
    %mul3A_989 = vector.broadcast %mul3A_988 : f32 to vector<16xf32>
    %mul3A_990 = arith.mulf %mul3A_989, %add3A_961 : vector<16xf32>
    %mul3A_991 = arith.mulf %mul3A_990, %mul3A_987 : vector<16xf32>
    %mul3A_992 = arith.mulf %mul3A_991, %mul3A_987 : vector<16xf32>
    %sub3A_993 = arith.constant 1.500000e+00 : f32
    %sub3A_994 = vector.broadcast %sub3A_993 : f32 to vector<16xf32>
    %sub3A_995 = arith.subf %sub3A_994, %mul3A_992 : vector<16xf32>
    %mul3A_996 = arith.mulf %mul3A_987, %sub3A_995 : vector<16xf32>
    %swap3A_997 = arith.constant 272 : index
    %swap3A_998 = tpu.vector_load %arg6[%swap3A_997] {strides = array<i32>} : memref<768xf32, #tpu.memory_space<vmem>>, vector<16xf32>,
    tpu.vector_store %arg6[%swap3A_997], %mul3A_996 {strides = array<i32>} : memref<768xf32, #tpu.memory_space<vmem>>, vector<16xf32>,
    %get3A_999 = arith.constant 288 : index
    %get3A_1000 = tpu.vector_load %arg6[%get3A_999] {strides = array<i32>} : memref<768xf32, #tpu.memory_space<vmem>>, vector<16xf32>,
    %add3A_1001 = arith.constant 1.000000e+00 : f32
    %add3A_1002 = vector.broadcast %add3A_1001 : f32 to vector<16xf32>
    %add3A_1003 = arith.addf %get3A_1000, %add3A_1002 : vector<16xf32>
    %bitcast_convert_type3A_1004 = tpu.bitcast %add3A_1003 : vector<16xf32> -> vector<16xi32>
    %shift_right_arithmetic3A_1005 = arith.constant 1 : i32
    %shift_right_arithmetic3A_1006 = vector.broadcast %shift_right_arithmetic3A_1005 : i32 to vector<16xi32>
    %shift_right_arithmetic3A_1007 = arith.shrsi %bitcast_convert_type3A_1004, %shift_right_arithmetic3A_1006 : vector<16xi32>
    %sub3A_1008 = arith.constant 1597463007 : i32
    %sub3A_1009 = vector.broadcast %sub3A_1008 : i32 to vector<16xi32>
    %sub3A_1010 = arith.subi %sub3A_1009, %shift_right_arithmetic3A_1007 : vector<16xi32>
    %bitcast_convert_type3A_1011 = tpu.bitcast %sub3A_1010 : vector<16xi32> -> vector<16xf32>
    %mul3A_1012 = arith.constant 5.000000e-01 : f32
    %mul3A_1013 = vector.broadcast %mul3A_1012 : f32 to vector<16xf32>
    %mul3A_1014 = arith.mulf %mul3A_1013, %add3A_1003 : vector<16xf32>
    %mul3A_1015 = arith.mulf %mul3A_1014, %bitcast_convert_type3A_1011 : vector<16xf32>
    %mul3A_1016 = arith.mulf %mul3A_1015, %bitcast_convert_type3A_1011 : vector<16xf32>
    %sub3A_1017 = arith.constant 1.500000e+00 : f32
    %sub3A_1018 = vector.broadcast %sub3A_1017 : f32 to vector<16xf32>
    %sub3A_1019 = arith.subf %sub3A_1018, %mul3A_1016 : vector<16xf32>
    %mul3A_1020 = arith.mulf %bitcast_convert_type3A_1011, %sub3A_1019 : vector<16xf32>
    %mul3A_1021 = arith.constant 5.000000e-01 : f32
    %mul3A_1022 = vector.broadcast %mul3A_1021 : f32 to vector<16xf32>
    %mul3A_1023 = arith.mulf %mul3A_1022, %add3A_1003 : vector<16xf32>
    %mul3A_1024 = arith.mulf %mul3A_1023, %mul3A_1020 : vector<16xf32>
    %mul3A_1025 = arith.mulf %mul3A_1024, %mul3A_1020 : vector<16xf32>
    %sub3A_1026 = arith.constant 1.500000e+00 : f32
    %sub3A_1027 = vector.broadcast %sub3A_1026 : f32 to vector<16xf32>
    %sub3A_1028 = arith.subf %sub3A_1027, %mul3A_1025 : vector<16xf32>
    %mul3A_1029 = arith.mulf %mul3A_1020, %sub3A_1028 : vector<16xf32>
    %mul3A_1030 = arith.constant 5.000000e-01 : f32
    %mul3A_1031 = vector.broadcast %mul3A_1030 : f32 to vector<16xf32>
    %mul3A_1032 = arith.mulf %mul3A_1031, %add3A_1003 : vector<16xf32>
    %mul3A_1033 = arith.mulf %mul3A_1032, %mul3A_1029 : vector<16xf32>
    %mul3A_1034 = arith.mulf %mul3A_1033, %mul3A_1029 : vector<16xf32>
    %sub3A_1035 = arith.constant 1.500000e+00 : f32
    %sub3A_1036 = vector.broadcast %sub3A_1035 : f32 to vector<16xf32>
    %sub3A_1037 = arith.subf %sub3A_1036, %mul3A_1034 : vector<16xf32>
    %mul3A_1038 = arith.mulf %mul3A_1029, %sub3A_1037 : vector<16xf32>
    %swap3A_1039 = arith.constant 288 : index
    %swap3A_1040 = tpu.vector_load %arg6[%swap3A_1039] {strides = array<i32>} : memref<768xf32, #tpu.memory_space<vmem>>, vector<16xf32>,
    tpu.vector_store %arg6[%swap3A_1039], %mul3A_1038 {strides = array<i32>} : memref<768xf32, #tpu.memory_space<vmem>>, vector<16xf32>,
    %get3A_1041 = arith.constant 304 : index
    %get3A_1042 = tpu.vector_load %arg6[%get3A_1041] {strides = array<i32>} : memref<768xf32, #tpu.memory_space<vmem>>, vector<16xf32>,
    %add3A_1043 = arith.constant 1.000000e+00 : f32
    %add3A_1044 = vector.broadcast %add3A_1043 : f32 to vector<16xf32>
    %add3A_1045 = arith.addf %get3A_1042, %add3A_1044 : vector<16xf32>
    %bitcast_convert_type3A_1046 = tpu.bitcast %add3A_1045 : vector<16xf32> -> vector<16xi32>
    %shift_right_arithmetic3A_1047 = arith.constant 1 : i32
    %shift_right_arithmetic3A_1048 = vector.broadcast %shift_right_arithmetic3A_1047 : i32 to vector<16xi32>
    %shift_right_arithmetic3A_1049 = arith.shrsi %bitcast_convert_type3A_1046, %shift_right_arithmetic3A_1048 : vector<16xi32>
    %sub3A_1050 = arith.constant 1597463007 : i32
    %sub3A_1051 = vector.broadcast %sub3A_1050 : i32 to vector<16xi32>
    %sub3A_1052 = arith.subi %sub3A_1051, %shift_right_arithmetic3A_1049 : vector<16xi32>
    %bitcast_convert_type3A_1053 = tpu.bitcast %sub3A_1052 : vector<16xi32> -> vector<16xf32>
    %mul3A_1054 = arith.constant 5.000000e-01 : f32
    %mul3A_1055 = vector.broadcast %mul3A_1054 : f32 to vector<16xf32>
    %mul3A_1056 = arith.mulf %mul3A_1055, %add3A_1045 : vector<16xf32>
    %mul3A_1057 = arith.mulf %mul3A_1056, %bitcast_convert_type3A_1053 : vector<16xf32>
    %mul3A_1058 = arith.mulf %mul3A_1057, %bitcast_convert_type3A_1053 : vector<16xf32>
    %sub3A_1059 = arith.constant 1.500000e+00 : f32
    %sub3A_1060 = vector.broadcast %sub3A_1059 : f32 to vector<16xf32>
    %sub3A_1061 = arith.subf %sub3A_1060, %mul3A_1058 : vector<16xf32>
    %mul3A_1062 = arith.mulf %bitcast_convert_type3A_1053, %sub3A_1061 : vector<16xf32>
    %mul3A_1063 = arith.constant 5.000000e-01 : f32
    %mul3A_1064 = vector.broadcast %mul3A_1063 : f32 to vector<16xf32>
    %mul3A_1065 = arith.mulf %mul3A_1064, %add3A_1045 : vector<16xf32>
    %mul3A_1066 = arith.mulf %mul3A_1065, %mul3A_1062 : vector<16xf32>
    %mul3A_1067 = arith.mulf %mul3A_1066, %mul3A_1062 : vector<16xf32>
    %sub3A_1068 = arith.constant 1.500000e+00 : f32
    %sub3A_1069 = vector.broadcast %sub3A_1068 : f32 to vector<16xf32>
    %sub3A_1070 = arith.subf %sub3A_1069, %mul3A_1067 : vector<16xf32>
    %mul3A_1071 = arith.mulf %mul3A_1062, %sub3A_1070 : vector<16xf32>
    %mul3A_1072 = arith.constant 5.000000e-01 : f32
    %mul3A_1073 = vector.broadcast %mul3A_1072 : f32 to vector<16xf32>
    %mul3A_1074 = arith.mulf %mul3A_1073, %add3A_1045 : vector<16xf32>
    %mul3A_1075 = arith.mulf %mul3A_1074, %mul3A_1071 : vector<16xf32>
    %mul3A_1076 = arith.mulf %mul3A_1075, %mul3A_1071 : vector<16xf32>
    %sub3A_1077 = arith.constant 1.500000e+00 : f32
    %sub3A_1078 = vector.broadcast %sub3A_1077 : f32 to vector<16xf32>
    %sub3A_1079 = arith.subf %sub3A_1078, %mul3A_1076 : vector<16xf32>
    %mul3A_1080 = arith.mulf %mul3A_1071, %sub3A_1079 : vector<16xf32>
    %swap3A_1081 = arith.constant 304 : index
    %swap3A_1082 = tpu.vector_load %arg6[%swap3A_1081] {strides = array<i32>} : memref<768xf32, #tpu.memory_space<vmem>>, vector<16xf32>,
    tpu.vector_store %arg6[%swap3A_1081], %mul3A_1080 {strides = array<i32>} : memref<768xf32, #tpu.memory_space<vmem>>, vector<16xf32>,
    %get3A_1083 = arith.constant 320 : index
    %get3A_1084 = tpu.vector_load %arg6[%get3A_1083] {strides = array<i32>} : memref<768xf32, #tpu.memory_space<vmem>>, vector<16xf32>,
    %add3A_1085 = arith.constant 1.000000e+00 : f32
    %add3A_1086 = vector.broadcast %add3A_1085 : f32 to vector<16xf32>
    %add3A_1087 = arith.addf %get3A_1084, %add3A_1086 : vector<16xf32>
    %bitcast_convert_type3A_1088 = tpu.bitcast %add3A_1087 : vector<16xf32> -> vector<16xi32>
    %shift_right_arithmetic3A_1089 = arith.constant 1 : i32
    %shift_right_arithmetic3A_1090 = vector.broadcast %shift_right_arithmetic3A_1089 : i32 to vector<16xi32>
    %shift_right_arithmetic3A_1091 = arith.shrsi %bitcast_convert_type3A_1088, %shift_right_arithmetic3A_1090 : vector<16xi32>
    %sub3A_1092 = arith.constant 1597463007 : i32
    %sub3A_1093 = vector.broadcast %sub3A_1092 : i32 to vector<16xi32>
    %sub3A_1094 = arith.subi %sub3A_1093, %shift_right_arithmetic3A_1091 : vector<16xi32>
    %bitcast_convert_type3A_1095 = tpu.bitcast %sub3A_1094 : vector<16xi32> -> vector<16xf32>
    %mul3A_1096 = arith.constant 5.000000e-01 : f32
    %mul3A_1097 = vector.broadcast %mul3A_1096 : f32 to vector<16xf32>
    %mul3A_1098 = arith.mulf %mul3A_1097, %add3A_1087 : vector<16xf32>
    %mul3A_1099 = arith.mulf %mul3A_1098, %bitcast_convert_type3A_1095 : vector<16xf32>
    %mul3A_1100 = arith.mulf %mul3A_1099, %bitcast_convert_type3A_1095 : vector<16xf32>
    %sub3A_1101 = arith.constant 1.500000e+00 : f32
    %sub3A_1102 = vector.broadcast %sub3A_1101 : f32 to vector<16xf32>
    %sub3A_1103 = arith.subf %sub3A_1102, %mul3A_1100 : vector<16xf32>
    %mul3A_1104 = arith.mulf %bitcast_convert_type3A_1095, %sub3A_1103 : vector<16xf32>
    %mul3A_1105 = arith.constant 5.000000e-01 : f32
    %mul3A_1106 = vector.broadcast %mul3A_1105 : f32 to vector<16xf32>
    %mul3A_1107 = arith.mulf %mul3A_1106, %add3A_1087 : vector<16xf32>
    %mul3A_1108 = arith.mulf %mul3A_1107, %mul3A_1104 : vector<16xf32>
    %mul3A_1109 = arith.mulf %mul3A_1108, %mul3A_1104 : vector<16xf32>
    %sub3A_1110 = arith.constant 1.500000e+00 : f32
    %sub3A_1111 = vector.broadcast %sub3A_1110 : f32 to vector<16xf32>
    %sub3A_1112 = arith.subf %sub3A_1111, %mul3A_1109 : vector<16xf32>
    %mul3A_1113 = arith.mulf %mul3A_1104, %sub3A_1112 : vector<16xf32>
    %mul3A_1114 = arith.constant 5.000000e-01 : f32
    %mul3A_1115 = vector.broadcast %mul3A_1114 : f32 to vector<16xf32>
    %mul3A_1116 = arith.mulf %mul3A_1115, %add3A_1087 : vector<16xf32>
    %mul3A_1117 = arith.mulf %mul3A_1116, %mul3A_1113 : vector<16xf32>
    %mul3A_1118 = arith.mulf %mul3A_1117, %mul3A_1113 : vector<16xf32>
    %sub3A_1119 = arith.constant 1.500000e+00 : f32
    %sub3A_1120 = vector.broadcast %sub3A_1119 : f32 to vector<16xf32>
    %sub3A_1121 = arith.subf %sub3A_1120, %mul3A_1118 : vector<16xf32>
    %mul3A_1122 = arith.mulf %mul3A_1113, %sub3A_1121 : vector<16xf32>
    %swap3A_1123 = arith.constant 320 : index
    %swap3A_1124 = tpu.vector_load %arg6[%swap3A_1123] {strides = array<i32>} : memref<768xf32, #tpu.memory_space<vmem>>, vector<16xf32>,
    tpu.vector_store %arg6[%swap3A_1123], %mul3A_1122 {strides = array<i32>} : memref<768xf32, #tpu.memory_space<vmem>>, vector<16xf32>,
    %get3A_1125 = arith.constant 336 : index
    %get3A_1126 = tpu.vector_load %arg6[%get3A_1125] {strides = array<i32>} : memref<768xf32, #tpu.memory_space<vmem>>, vector<16xf32>,
    %add3A_1127 = arith.constant 1.000000e+00 : f32
    %add3A_1128 = vector.broadcast %add3A_1127 : f32 to vector<16xf32>
    %add3A_1129 = arith.addf %get3A_1126, %add3A_1128 : vector<16xf32>
    %bitcast_convert_type3A_1130 = tpu.bitcast %add3A_1129 : vector<16xf32> -> vector<16xi32>
    %shift_right_arithmetic3A_1131 = arith.constant 1 : i32
    %shift_right_arithmetic3A_1132 = vector.broadcast %shift_right_arithmetic3A_1131 : i32 to vector<16xi32>
    %shift_right_arithmetic3A_1133 = arith.shrsi %bitcast_convert_type3A_1130, %shift_right_arithmetic3A_1132 : vector<16xi32>
    %sub3A_1134 = arith.constant 1597463007 : i32
    %sub3A_1135 = vector.broadcast %sub3A_1134 : i32 to vector<16xi32>
    %sub3A_1136 = arith.subi %sub3A_1135, %shift_right_arithmetic3A_1133 : vector<16xi32>
    %bitcast_convert_type3A_1137 = tpu.bitcast %sub3A_1136 : vector<16xi32> -> vector<16xf32>
    %mul3A_1138 = arith.constant 5.000000e-01 : f32
    %mul3A_1139 = vector.broadcast %mul3A_1138 : f32 to vector<16xf32>
    %mul3A_1140 = arith.mulf %mul3A_1139, %add3A_1129 : vector<16xf32>
    %mul3A_1141 = arith.mulf %mul3A_1140, %bitcast_convert_type3A_1137 : vector<16xf32>
    %mul3A_1142 = arith.mulf %mul3A_1141, %bitcast_convert_type3A_1137 : vector<16xf32>
    %sub3A_1143 = arith.constant 1.500000e+00 : f32
    %sub3A_1144 = vector.broadcast %sub3A_1143 : f32 to vector<16xf32>
    %sub3A_1145 = arith.subf %sub3A_1144, %mul3A_1142 : vector<16xf32>
    %mul3A_1146 = arith.mulf %bitcast_convert_type3A_1137, %sub3A_1145 : vector<16xf32>
    %mul3A_1147 = arith.constant 5.000000e-01 : f32
    %mul3A_1148 = vector.broadcast %mul3A_1147 : f32 to vector<16xf32>
    %mul3A_1149 = arith.mulf %mul3A_1148, %add3A_1129 : vector<16xf32>
    %mul3A_1150 = arith.mulf %mul3A_1149, %mul3A_1146 : vector<16xf32>
    %mul3A_1151 = arith.mulf %mul3A_1150, %mul3A_1146 : vector<16xf32>
    %sub3A_1152 = arith.constant 1.500000e+00 : f32
    %sub3A_1153 = vector.broadcast %sub3A_1152 : f32 to vector<16xf32>
    %sub3A_1154 = arith.subf %sub3A_1153, %mul3A_1151 : vector<16xf32>
    %mul3A_1155 = arith.mulf %mul3A_1146, %sub3A_1154 : vector<16xf32>
    %mul3A_1156 = arith.constant 5.000000e-01 : f32
    %mul3A_1157 = vector.broadcast %mul3A_1156 : f32 to vector<16xf32>
    %mul3A_1158 = arith.mulf %mul3A_1157, %add3A_1129 : vector<16xf32>
    %mul3A_1159 = arith.mulf %mul3A_1158, %mul3A_1155 : vector<16xf32>
    %mul3A_1160 = arith.mulf %mul3A_1159, %mul3A_1155 : vector<16xf32>
    %sub3A_1161 = arith.constant 1.500000e+00 : f32
    %sub3A_1162 = vector.broadcast %sub3A_1161 : f32 to vector<16xf32>
    %sub3A_1163 = arith.subf %sub3A_1162, %mul3A_1160 : vector<16xf32>
    %mul3A_1164 = arith.mulf %mul3A_1155, %sub3A_1163 : vector<16xf32>
    %swap3A_1165 = arith.constant 336 : index
    %swap3A_1166 = tpu.vector_load %arg6[%swap3A_1165] {strides = array<i32>} : memref<768xf32, #tpu.memory_space<vmem>>, vector<16xf32>,
    tpu.vector_store %arg6[%swap3A_1165], %mul3A_1164 {strides = array<i32>} : memref<768xf32, #tpu.memory_space<vmem>>, vector<16xf32>,
    %get3A_1167 = arith.constant 352 : index
    %get3A_1168 = tpu.vector_load %arg6[%get3A_1167] {strides = array<i32>} : memref<768xf32, #tpu.memory_space<vmem>>, vector<16xf32>,
    %add3A_1169 = arith.constant 1.000000e+00 : f32
    %add3A_1170 = vector.broadcast %add3A_1169 : f32 to vector<16xf32>
    %add3A_1171 = arith.addf %get3A_1168, %add3A_1170 : vector<16xf32>
    %bitcast_convert_type3A_1172 = tpu.bitcast %add3A_1171 : vector<16xf32> -> vector<16xi32>
    %shift_right_arithmetic3A_1173 = arith.constant 1 : i32
    %shift_right_arithmetic3A_1174 = vector.broadcast %shift_right_arithmetic3A_1173 : i32 to vector<16xi32>
    %shift_right_arithmetic3A_1175 = arith.shrsi %bitcast_convert_type3A_1172, %shift_right_arithmetic3A_1174 : vector<16xi32>
    %sub3A_1176 = arith.constant 1597463007 : i32
    %sub3A_1177 = vector.broadcast %sub3A_1176 : i32 to vector<16xi32>
    %sub3A_1178 = arith.subi %sub3A_1177, %shift_right_arithmetic3A_1175 : vector<16xi32>
    %bitcast_convert_type3A_1179 = tpu.bitcast %sub3A_1178 : vector<16xi32> -> vector<16xf32>
    %mul3A_1180 = arith.constant 5.000000e-01 : f32
    %mul3A_1181 = vector.broadcast %mul3A_1180 : f32 to vector<16xf32>
    %mul3A_1182 = arith.mulf %mul3A_1181, %add3A_1171 : vector<16xf32>
    %mul3A_1183 = arith.mulf %mul3A_1182, %bitcast_convert_type3A_1179 : vector<16xf32>
    %mul3A_1184 = arith.mulf %mul3A_1183, %bitcast_convert_type3A_1179 : vector<16xf32>
    %sub3A_1185 = arith.constant 1.500000e+00 : f32
    %sub3A_1186 = vector.broadcast %sub3A_1185 : f32 to vector<16xf32>
    %sub3A_1187 = arith.subf %sub3A_1186, %mul3A_1184 : vector<16xf32>
    %mul3A_1188 = arith.mulf %bitcast_convert_type3A_1179, %sub3A_1187 : vector<16xf32>
    %mul3A_1189 = arith.constant 5.000000e-01 : f32
    %mul3A_1190 = vector.broadcast %mul3A_1189 : f32 to vector<16xf32>
    %mul3A_1191 = arith.mulf %mul3A_1190, %add3A_1171 : vector<16xf32>
    %mul3A_1192 = arith.mulf %mul3A_1191, %mul3A_1188 : vector<16xf32>
    %mul3A_1193 = arith.mulf %mul3A_1192, %mul3A_1188 : vector<16xf32>
    %sub3A_1194 = arith.constant 1.500000e+00 : f32
    %sub3A_1195 = vector.broadcast %sub3A_1194 : f32 to vector<16xf32>
    %sub3A_1196 = arith.subf %sub3A_1195, %mul3A_1193 : vector<16xf32>
    %mul3A_1197 = arith.mulf %mul3A_1188, %sub3A_1196 : vector<16xf32>
    %mul3A_1198 = arith.constant 5.000000e-01 : f32
    %mul3A_1199 = vector.broadcast %mul3A_1198 : f32 to vector<16xf32>
    %mul3A_1200 = arith.mulf %mul3A_1199, %add3A_1171 : vector<16xf32>
    %mul3A_1201 = arith.mulf %mul3A_1200, %mul3A_1197 : vector<16xf32>
    %mul3A_1202 = arith.mulf %mul3A_1201, %mul3A_1197 : vector<16xf32>
    %sub3A_1203 = arith.constant 1.500000e+00 : f32
    %sub3A_1204 = vector.broadcast %sub3A_1203 : f32 to vector<16xf32>
    %sub3A_1205 = arith.subf %sub3A_1204, %mul3A_1202 : vector<16xf32>
    %mul3A_1206 = arith.mulf %mul3A_1197, %sub3A_1205 : vector<16xf32>
    %swap3A_1207 = arith.constant 352 : index
    %swap3A_1208 = tpu.vector_load %arg6[%swap3A_1207] {strides = array<i32>} : memref<768xf32, #tpu.memory_space<vmem>>, vector<16xf32>,
    tpu.vector_store %arg6[%swap3A_1207], %mul3A_1206 {strides = array<i32>} : memref<768xf32, #tpu.memory_space<vmem>>, vector<16xf32>,
    %get3A_1209 = arith.constant 368 : index
    %get3A_1210 = tpu.vector_load %arg6[%get3A_1209] {strides = array<i32>} : memref<768xf32, #tpu.memory_space<vmem>>, vector<16xf32>,
    %add3A_1211 = arith.constant 1.000000e+00 : f32
    %add3A_1212 = vector.broadcast %add3A_1211 : f32 to vector<16xf32>
    %add3A_1213 = arith.addf %get3A_1210, %add3A_1212 : vector<16xf32>
    %bitcast_convert_type3A_1214 = tpu.bitcast %add3A_1213 : vector<16xf32> -> vector<16xi32>
    %shift_right_arithmetic3A_1215 = arith.constant 1 : i32
    %shift_right_arithmetic3A_1216 = vector.broadcast %shift_right_arithmetic3A_1215 : i32 to vector<16xi32>
    %shift_right_arithmetic3A_1217 = arith.shrsi %bitcast_convert_type3A_1214, %shift_right_arithmetic3A_1216 : vector<16xi32>
    %sub3A_1218 = arith.constant 1597463007 : i32
    %sub3A_1219 = vector.broadcast %sub3A_1218 : i32 to vector<16xi32>
    %sub3A_1220 = arith.subi %sub3A_1219, %shift_right_arithmetic3A_1217 : vector<16xi32>
    %bitcast_convert_type3A_1221 = tpu.bitcast %sub3A_1220 : vector<16xi32> -> vector<16xf32>
    %mul3A_1222 = arith.constant 5.000000e-01 : f32
    %mul3A_1223 = vector.broadcast %mul3A_1222 : f32 to vector<16xf32>
    %mul3A_1224 = arith.mulf %mul3A_1223, %add3A_1213 : vector<16xf32>
    %mul3A_1225 = arith.mulf %mul3A_1224, %bitcast_convert_type3A_1221 : vector<16xf32>
    %mul3A_1226 = arith.mulf %mul3A_1225, %bitcast_convert_type3A_1221 : vector<16xf32>
    %sub3A_1227 = arith.constant 1.500000e+00 : f32
    %sub3A_1228 = vector.broadcast %sub3A_1227 : f32 to vector<16xf32>
    %sub3A_1229 = arith.subf %sub3A_1228, %mul3A_1226 : vector<16xf32>
    %mul3A_1230 = arith.mulf %bitcast_convert_type3A_1221, %sub3A_1229 : vector<16xf32>
    %mul3A_1231 = arith.constant 5.000000e-01 : f32
    %mul3A_1232 = vector.broadcast %mul3A_1231 : f32 to vector<16xf32>
    %mul3A_1233 = arith.mulf %mul3A_1232, %add3A_1213 : vector<16xf32>
    %mul3A_1234 = arith.mulf %mul3A_1233, %mul3A_1230 : vector<16xf32>
    %mul3A_1235 = arith.mulf %mul3A_1234, %mul3A_1230 : vector<16xf32>
    %sub3A_1236 = arith.constant 1.500000e+00 : f32
    %sub3A_1237 = vector.broadcast %sub3A_1236 : f32 to vector<16xf32>
    %sub3A_1238 = arith.subf %sub3A_1237, %mul3A_1235 : vector<16xf32>
    %mul3A_1239 = arith.mulf %mul3A_1230, %sub3A_1238 : vector<16xf32>
    %mul3A_1240 = arith.constant 5.000000e-01 : f32
    %mul3A_1241 = vector.broadcast %mul3A_1240 : f32 to vector<16xf32>
    %mul3A_1242 = arith.mulf %mul3A_1241, %add3A_1213 : vector<16xf32>
    %mul3A_1243 = arith.mulf %mul3A_1242, %mul3A_1239 : vector<16xf32>
    %mul3A_1244 = arith.mulf %mul3A_1243, %mul3A_1239 : vector<16xf32>
    %sub3A_1245 = arith.constant 1.500000e+00 : f32
    %sub3A_1246 = vector.broadcast %sub3A_1245 : f32 to vector<16xf32>
    %sub3A_1247 = arith.subf %sub3A_1246, %mul3A_1244 : vector<16xf32>
    %mul3A_1248 = arith.mulf %mul3A_1239, %sub3A_1247 : vector<16xf32>
    %swap3A_1249 = arith.constant 368 : index
    %swap3A_1250 = tpu.vector_load %arg6[%swap3A_1249] {strides = array<i32>} : memref<768xf32, #tpu.memory_space<vmem>>, vector<16xf32>,
    tpu.vector_store %arg6[%swap3A_1249], %mul3A_1248 {strides = array<i32>} : memref<768xf32, #tpu.memory_space<vmem>>, vector<16xf32>,
    %scan3A_1251 = arith.constant 0 : i32
    %scan3A_1252 = arith.constant 0 : i32
    %scan3A_1253 = arith.constant 384 : i32
    %scan3A_1254 = arith.addi %scan3A_1252, %scan3A_1253 : i32
    %scan3A_1255 = arith.constant 1 : i32
    scf.for %scan3A_1259 = %scan3A_1252 to %scan3A_1254 step %scan3A_1255  : i32 {
      %jit3A = arith.constant 16 : i32
      %div3A = arith.divsi %scan3A_1259, %jit3A : i32
      %sign3A = arith.constant 0 : i32
      %sign3A_1260 = arith.cmpi sgt, %scan3A_1259, %sign3A : i32
      %sign3A_1261 = arith.extui %sign3A_1260 : i1 to i32
      %sign3A_1262 = arith.constant 0 : i32
      %sign3A_1263 = arith.cmpi slt, %scan3A_1259, %sign3A_1262 : i32
      %sign3A_1264 = arith.extui %sign3A_1263 : i1 to i32
      %sign3A_1265 = arith.subi %sign3A_1261, %sign3A_1264 : i32
      %sign3A_1266 = arith.constant 0 : i32
      %sign3A_1267 = arith.cmpi sgt, %jit3A, %sign3A_1266 : i32
      %sign3A_1268 = arith.extui %sign3A_1267 : i1 to i32
      %sign3A_1269 = arith.constant 0 : i32
      %sign3A_1270 = arith.cmpi slt, %jit3A, %sign3A_1269 : i32
      %sign3A_1271 = arith.extui %sign3A_1270 : i1 to i32
      %sign3A_1272 = arith.subi %sign3A_1268, %sign3A_1271 : i32
      %ne3A = arith.cmpi ne, %sign3A_1265, %sign3A_1272 : i32
      %rem3A = arith.remsi %scan3A_1259, %jit3A : i32
      %ne3A_1273 = arith.constant 0 : i32
      %ne3A_1274 = arith.cmpi ne, %rem3A, %ne3A_1273 : i32
      %and3A = arith.andi %ne3A, %ne3A_1274 : i1
      %sub3A_1275 = arith.constant 1 : i32
      %sub3A_1276 = arith.subi %div3A, %sub3A_1275 : i32
      %select_n3A = arith.select %and3A, %sub3A_1276, %div3A : i32
      %mul3A_1277 = arith.constant 16 : i32
      %mul3A_1278 = arith.muli %select_n3A, %mul3A_1277 : i32
      %get3A_1279 = arith.index_cast %mul3A_1278 : i32 to index
      %get3A_1280 = tpu.vector_load %arg6[%get3A_1279] {strides = array<i32>} : memref<768xf32, #tpu.memory_space<vmem>>, vector<16xf32>,
      %iota3A = tpu.iota {dimensions = array<i32: 0>} : vector<16xi32>
      %jit3A_1281 = arith.constant 16 : i32
      %eq3A = arith.constant 0 : i32
      %eq3A_1282 = arith.cmpi eq, %jit3A_1281, %eq3A : i32
      %jit3A_1283 = arith.constant 1 : i32
      %select_n3A_1284 = arith.select %eq3A_1282, %jit3A_1283, %jit3A_1281 : i32
      %rem3A_1285 = arith.remsi %scan3A_1259, %select_n3A_1284 : i32
      %ne3A_1286 = arith.constant 0 : i32
      %ne3A_1287 = arith.cmpi ne, %rem3A_1285, %ne3A_1286 : i32
      %lt3A = arith.constant 0 : i32
      %lt3A_1288 = arith.cmpi slt, %rem3A_1285, %lt3A : i32
      %lt3A_1289 = arith.constant 0 : i32
      %lt3A_1290 = arith.cmpi slt, %select_n3A_1284, %lt3A_1289 : i32
      %ne3A_1291 = arith.xori %lt3A_1288, %lt3A_1290 : i1
      %and3A_1292 = arith.andi %ne3A_1291, %ne3A_1287 : i1
      %add3A_1293 = arith.addi %rem3A_1285, %select_n3A_1284 : i32
      %select_n3A_1294 = arith.select %and3A_1292, %add3A_1293, %rem3A_1285 : i32
      %eq3A_1295 = vector.broadcast %select_n3A_1294 : i32 to vector<16xi32>
      %eq3A_1296 = arith.cmpi eq, %iota3A, %eq3A_1295 : vector<16xi32>
      %jit3A_1297 = arith.constant 0.000000e+00 : f32
      %broadcast_in_dim3A_1298 = vector.broadcast %jit3A_1297 : f32 to vector<16xf32>
      %select_n3A_1299 = arith.select %eq3A_1296, %get3A_1280, %broadcast_in_dim3A_1298 : vector<16xi1>, vector<16xf32>
      %broadcast_in_dim3A_1300 = arith.constant 0.000000e+00 : f32
      %broadcast_in_dim3A_1301 = vector.broadcast %broadcast_in_dim3A_1300 : f32 to vector<16xf32>
      %reduce_sum3A = arith.constant true
      %reduce_sum3A_1302 = vector.broadcast %reduce_sum3A : i1 to vector<16xi1>
      %reduce_sum3A_1303 = tpu.scan <sum>, %select_n3A_1299 masked %reduce_sum3A_1302 : vector<16xf32>, vector<16xi1> -> vector<16xf32>
      %reduce_sum3A_1304 = vector.extract %reduce_sum3A_1303[15] : f32 from vector<16xf32>
      %add3A_1305 = vector.broadcast %reduce_sum3A_1304 : f32 to vector<16xf32>
      %add3A_1306 = arith.addf %broadcast_in_dim3A_1301, %add3A_1305 : vector<16xf32>
      %swap3A_1307 = arith.index_cast %scan3A_1259 : i32 to index
      %swap3A_1308 = arith.constant 0 : index
      %swap3A_1309 = tpu.vector_load %arg7[%swap3A_1307, %swap3A_1308] {strides = array<i32>} : memref<384x64xf32, #tpu.memory_space<vmem>>, vector<16xf32>,
      tpu.vector_store %arg7[%swap3A_1307, %swap3A_1308], %add3A_1306 {strides = array<i32>} : memref<384x64xf32, #tpu.memory_space<vmem>>, vector<16xf32>,
      %swap3A_1310 = arith.index_cast %scan3A_1259 : i32 to index
      %swap3A_1311 = arith.constant 16 : index
      %swap3A_1312 = tpu.vector_load %arg7[%swap3A_1310, %swap3A_1311] {strides = array<i32>} : memref<384x64xf32, #tpu.memory_space<vmem>>, vector<16xf32>,
      tpu.vector_store %arg7[%swap3A_1310, %swap3A_1311], %add3A_1306 {strides = array<i32>} : memref<384x64xf32, #tpu.memory_space<vmem>>, vector<16xf32>,
      %swap3A_1313 = arith.index_cast %scan3A_1259 : i32 to index
      %swap3A_1314 = arith.constant 32 : index
      %swap3A_1315 = tpu.vector_load %arg7[%swap3A_1313, %swap3A_1314] {strides = array<i32>} : memref<384x64xf32, #tpu.memory_space<vmem>>, vector<16xf32>,
      tpu.vector_store %arg7[%swap3A_1313, %swap3A_1314], %add3A_1306 {strides = array<i32>} : memref<384x64xf32, #tpu.memory_space<vmem>>, vector<16xf32>,
      %swap3A_1316 = arith.index_cast %scan3A_1259 : i32 to index
      %swap3A_1317 = arith.constant 48 : index
      %swap3A_1318 = tpu.vector_load %arg7[%swap3A_1316, %swap3A_1317] {strides = array<i32>} : memref<384x64xf32, #tpu.memory_space<vmem>>, vector<16xf32>,
      tpu.vector_store %arg7[%swap3A_1316, %swap3A_1317], %add3A_1306 {strides = array<i32>} : memref<384x64xf32, #tpu.memory_space<vmem>>, vector<16xf32>,
    }
    %scan3A_1256 = arith.constant 384 : i32
    %mul3A_1257 = arith.constant 384 : i32
    %mul3A_1258 = arith.muli %add3A_244, %mul3A_1257 : i32
    "tpu.region"() ({
      %run_scoped3A = tpu.sem_alloc : memref<!tpu.dma_semaphore, #tpu.memory_space<semaphore_mem>>
      %dma_start3A = arith.constant 0 : i32
      %dma_start3A_1259 = tpu.memref_slice %arg3[%mul3A_1258, %dma_start3A] : memref<12288x64xf32, #tpu.memory_space<hbm>> -> memref<384x64xf32, #tpu.memory_space<hbm>>
      %dma_start3A_1260 = arith.constant 0 : i32
      %dma_start3A_1261 = tpu.memref_slice %arg3[%mul3A_1258, %dma_start3A_1260] : memref<12288x64xf32, #tpu.memory_space<hbm>> -> memref<384x64xf32, #tpu.memory_space<hbm>>
      tpu.enqueue_dma source(%arg7 : memref<384x64xf32, #tpu.memory_space<vmem>>) target(%dma_start3A_1261 : memref<384x64xf32, #tpu.memory_space<hbm>>) target_semaphore(%run_scoped3A : memref<!tpu.dma_semaphore, #tpu.memory_space<semaphore_mem>>)
      %dma_wait3A = arith.constant 0 : i32
      %dma_wait3A_1262 = tpu.memref_slice %arg3[%mul3A_1258, %dma_wait3A] : memref<12288x64xf32, #tpu.memory_space<hbm>> -> memref<384x64xf32, #tpu.memory_space<hbm>>
      %dma_wait3A_1263 = arith.constant 0 : i32
      %dma_wait3A_1264 = tpu.memref_slice %arg3[%mul3A_1258, %dma_wait3A_1263] : memref<12288x64xf32, #tpu.memory_space<hbm>> -> memref<384x64xf32, #tpu.memory_space<hbm>>
      tpu.wait_dma2 semaphore(%run_scoped3A : memref<!tpu.dma_semaphore, #tpu.memory_space<semaphore_mem>>) src(%arg7 : memref<384x64xf32, #tpu.memory_space<vmem>>) dst(%dma_wait3A_1264 : memref<384x64xf32, #tpu.memory_space<hbm>>)
      tpu.yield
    }) : () -> ()
    return
  }
}

module attributes {stable_mosaic.version = 14 : i64} {
  func.func @_mm_body(%arg0: memref<10000x128xf32, #tpu.memory_space<vmem>>, %arg1: memref<128x64xf32, #tpu.memory_space<vmem>>, %arg2: memref<10000x64xf32, #tpu.memory_space<vmem>>) attributes {dimension_semantics = [], scalar_prefetch = 0 : i64, scratch_operands = 0 : i64, tpu.core_type = #tpu.core_type<tc>} {
    %get3A = arith.constant 0 : index
    %get3A_0 = arith.constant 0 : index
    %get3A_1 = vector.load %arg0[%get3A, %get3A_0] : memref<10000x128xf32, #tpu.memory_space<vmem>>, vector<10000x128xf32>
    %get3A_2 = arith.constant 0 : index
    %get3A_3 = arith.constant 0 : index
    %get3A_4 = vector.load %arg1[%get3A_2, %get3A_3] : memref<128x64xf32, #tpu.memory_space<vmem>>, vector<128x64xf32>
    %dot_general3A = arith.constant dense<0.000000e+00> : vector<10000x64xf32>
    %dot_general3A_5 = tpu.matmul %get3A_1, %get3A_4, %dot_general3A {dimension_numbers = #tpu.dot_dimension_numbers<[1], [0], [0], [1], [0, 0, 1, 1], [], []>, transpose_lhs_hint = false} : vector<10000x128xf32>, vector<128x64xf32>, vector<10000x64xf32> -> vector<10000x64xf32>
    %swap3A = arith.constant 0 : index
    %swap3A_6 = arith.constant 0 : index
    %swap3A_7 = vector.load %arg2[%swap3A, %swap3A_6] : memref<10000x64xf32, #tpu.memory_space<vmem>>, vector<10000x64xf32>
    tpu.vector_store %arg2[%swap3A, %swap3A_6], %dot_general3A_5 {strides = array<i32>} : memref<10000x64xf32, #tpu.memory_space<vmem>>, vector<10000x64xf32>,
    return
  }
}

module attributes {stable_mosaic.version = 14 : i64} {
  func.func @_scale_body(%arg0: memref<10000x64xf32, #tpu.memory_space<vmem>>, %arg1: memref<12288x64xf32, #tpu.memory_space<vmem>>, %arg2: memref<10000x64xf32, #tpu.memory_space<vmem>>) attributes {dimension_semantics = [], scalar_prefetch = 0 : i64, scratch_operands = 0 : i64, tpu.core_type = #tpu.core_type<tc>} {
    %get3A = arith.constant 0 : index
    %get3A_0 = arith.constant 0 : index
    %get3A_1 = vector.load %arg0[%get3A, %get3A_0] : memref<10000x64xf32, #tpu.memory_space<vmem>>, vector<10000x64xf32>
    %get3A_2 = arith.constant 0 : index
    %get3A_3 = arith.constant 0 : index
    %get3A_4 = vector.load %arg1[%get3A_2, %get3A_3] : memref<12288x64xf32, #tpu.memory_space<vmem>>, vector<10000x64xf32>
    %mul3A = arith.mulf %get3A_1, %get3A_4 : vector<10000x64xf32>
    %swap3A = arith.constant 0 : index
    %swap3A_5 = arith.constant 0 : index
    %swap3A_6 = vector.load %arg2[%swap3A, %swap3A_5] : memref<10000x64xf32, #tpu.memory_space<vmem>>, vector<10000x64xf32>
    tpu.vector_store %arg2[%swap3A, %swap3A_5], %mul3A {strides = array<i32>} : memref<10000x64xf32, #tpu.memory_space<vmem>>, vector<10000x64xf32>,
    return
  }
}

module attributes {stable_mosaic.version = 14 : i64} {
  func.func @_combine_body(%arg0: memref<20096x64xf32, #tpu.memory_space<vmem>>, %arg1: memref<10000x64xf32, #tpu.memory_space<vmem>>, %arg2: memref<12288x64xf32, #tpu.memory_space<vmem>>, %arg3: memref<64xf32, #tpu.memory_space<vmem>>, %arg4: memref<10000x64xf32, #tpu.memory_space<vmem>>) attributes {dimension_semantics = [], scalar_prefetch = 0 : i64, scratch_operands = 0 : i64, tpu.core_type = #tpu.core_type<tc>} {
    %get3A = arith.constant 0 : index
    %get3A_0 = arith.constant 0 : index
    %get3A_1 = vector.load %arg0[%get3A, %get3A_0] : memref<20096x64xf32, #tpu.memory_space<vmem>>, vector<10000x64xf32>
    %get3A_2 = arith.constant 10048 : index
    %get3A_3 = arith.constant 0 : index
    %get3A_4 = vector.load %arg0[%get3A_2, %get3A_3] : memref<20096x64xf32, #tpu.memory_space<vmem>>, vector<10000x64xf32>
    %add3A = arith.addf %get3A_1, %get3A_4 : vector<10000x64xf32>
    %get3A_5 = arith.constant 0 : index
    %get3A_6 = arith.constant 0 : index
    %get3A_7 = vector.load %arg1[%get3A_5, %get3A_6] : memref<10000x64xf32, #tpu.memory_space<vmem>>, vector<10000x64xf32>
    %add3A_8 = arith.addf %add3A, %get3A_7 : vector<10000x64xf32>
    %get3A_9 = arith.constant 0 : index
    %get3A_10 = arith.constant 0 : index
    %get3A_11 = vector.load %arg2[%get3A_9, %get3A_10] : memref<12288x64xf32, #tpu.memory_space<vmem>>, vector<10000x64xf32>
    %mul3A = arith.mulf %add3A_8, %get3A_11 : vector<10000x64xf32>
    %get3A_12 = arith.constant 0 : index
    %get3A_13 = vector.load %arg3[%get3A_12] : memref<64xf32, #tpu.memory_space<vmem>>, vector<64xf32>
    %broadcast_in_dim3A = vector.shape_cast %get3A_13 : vector<64xf32> to vector<1x64xf32>
    %add3A_14 = vector.broadcast %broadcast_in_dim3A : vector<1x64xf32> to vector<10000x64xf32>
    %add3A_15 = arith.addf %mul3A, %add3A_14 : vector<10000x64xf32>
    %max3A = arith.constant 0.000000e+00 : f32
    %max3A_16 = vector.broadcast %max3A : f32 to vector<10000x64xf32>
    %max3A_17 = arith.maximumf %add3A_15, %max3A_16 : vector<10000x64xf32>
    %swap3A = arith.constant 0 : index
    %swap3A_18 = arith.constant 0 : index
    %swap3A_19 = vector.load %arg4[%swap3A, %swap3A_18] : memref<10000x64xf32, #tpu.memory_space<vmem>>, vector<10000x64xf32>
    tpu.vector_store %arg4[%swap3A, %swap3A_18], %max3A_17 {strides = array<i32>} : memref<10000x64xf32, #tpu.memory_space<vmem>>, vector<10000x64xf32>,
    return
  }
}

module attributes {stable_mosaic.version = 14 : i64} {
  func.func @_head_body(%arg0: memref<100x6400xf32, #tpu.memory_space<vmem>>, %arg1: memref<6400x10xf32, #tpu.memory_space<vmem>>, %arg2: memref<10xf32, #tpu.memory_space<vmem>>, %arg3: memref<100x10xf32, #tpu.memory_space<vmem>>) attributes {dimension_semantics = [], scalar_prefetch = 0 : i64, scratch_operands = 0 : i64, tpu.core_type = #tpu.core_type<tc>} {
    %get3A = arith.constant 0 : index
    %get3A_0 = arith.constant 0 : index
    %get3A_1 = vector.load %arg0[%get3A, %get3A_0] : memref<100x6400xf32, #tpu.memory_space<vmem>>, vector<100x6400xf32>
    %get3A_2 = arith.constant 0 : index
    %get3A_3 = arith.constant 0 : index
    %get3A_4 = vector.load %arg1[%get3A_2, %get3A_3] : memref<6400x10xf32, #tpu.memory_space<vmem>>, vector<6400x10xf32>
    %dot_general3A = arith.constant dense<0.000000e+00> : vector<100x10xf32>
    %dot_general3A_5 = tpu.matmul %get3A_1, %get3A_4, %dot_general3A {dimension_numbers = #tpu.dot_dimension_numbers<[1], [0], [0], [1], [0, 0, 1, 1], [], []>, transpose_lhs_hint = false} : vector<100x6400xf32>, vector<6400x10xf32>, vector<100x10xf32> -> vector<100x10xf32>
    %get3A_6 = arith.constant 0 : index
    %get3A_7 = vector.load %arg2[%get3A_6] : memref<10xf32, #tpu.memory_space<vmem>>, vector<10xf32>
    %broadcast_in_dim3A = vector.shape_cast %get3A_7 : vector<10xf32> to vector<1x10xf32>
    %add3A = vector.broadcast %broadcast_in_dim3A : vector<1x10xf32> to vector<100x10xf32>
    %add3A_8 = arith.addf %dot_general3A_5, %add3A : vector<100x10xf32>
    %reduce_max3A = arith.constant dense<0xFF800000> : vector<100xf32>
    %reduce_max3A_9 = vector.multi_reduction <maximumf>, %add3A_8, %reduce_max3A [1] : vector<100x10xf32> to vector<100xf32>
    %broadcast_in_dim3A_10 = vector.shape_cast %reduce_max3A_9 : vector<100xf32> to vector<100x1xf32>
    %sub3A = vector.broadcast %broadcast_in_dim3A_10 : vector<100x1xf32> to vector<100x10xf32>
    %sub3A_11 = arith.subf %add3A_8, %sub3A : vector<100x10xf32>
    %exp3A = math.exp %sub3A_11 : vector<100x10xf32>
    %reduce_sum3A = arith.constant dense<0.000000e+00> : vector<100xf32>
    %reduce_sum3A_12 = vector.multi_reduction <add>, %exp3A, %reduce_sum3A [1] : vector<100x10xf32> to vector<100xf32>
    %broadcast_in_dim3A_13 = vector.shape_cast %reduce_sum3A_12 : vector<100xf32> to vector<100x1xf32>
    %log3A = math.log %broadcast_in_dim3A_13 : vector<100x1xf32>
    %add3A_14 = arith.addf %log3A, %broadcast_in_dim3A_10 : vector<100x1xf32>
    %sub3A_15 = vector.broadcast %add3A_14 : vector<100x1xf32> to vector<100x10xf32>
    %sub3A_16 = arith.subf %add3A_8, %sub3A_15 : vector<100x10xf32>
    %swap3A = arith.constant 0 : index
    %swap3A_17 = arith.constant 0 : index
    %swap3A_18 = vector.load %arg3[%swap3A, %swap3A_17] : memref<100x10xf32, #tpu.memory_space<vmem>>, vector<100x10xf32>
    tpu.vector_store %arg3[%swap3A, %swap3A_17], %sub3A_16 {strides = array<i32>} : memref<100x10xf32, #tpu.memory_space<vmem>>, vector<100x10xf32>,
    return
  }
}

</mosaic_0001>

<sc_bundles>
// kernel: kernel.11.cloned.1.call-start
scs
__scs_entry_jumppad:
0x0: {  	(pc) =	sbr.rel $0x88, $3  }
0x1: {  	(tag) =	ssettag $0x0;
	lr =	simm.s32 $0x1  }
0x2: {  	[smem:$0x3F9B] =	sst lr;
	_ =	strace $0xD0000000  }
0x3: {  	_ = 	snop  }
0x4: {  	_ = 	snop  }
0x5: {  	_ = 	snop  }
0x6: {  	_ = 	snop  }
0x7: {  	_ = 	snop  }
__scs_overlays_trampoline_lowered:
0x8: {  	[smem:$0x3FAA] =	sst s0  }
0x9: {  	[smem:$0x3FAB] =	sst s1  }
0xa: {  	[smem:$0x3FAC] =	sst s2  }
0xb: {  	[smem:$0x3FAD] =	sst s3  }
0xc: {  	[smem:$0x3FAE] =	sst s4  }
0xd: {  	[smem:$0x3FAF] =	sst s5  }
0xe: {  	[smem:$0x3FB0] =	sst s6  }
0xf: {  	[smem:$0x3FB1] =	sst s7  }
0x10: {  	[smem:$0x3FB2] =	sst s8  }
0x11: {  	[smem:$0x3FB3] =	sst s9;
	s0 =	simm.s32 @!p0 $0x0  }
0x12: {  	s1 =	sld [smem:$0x3F99];
	s0 =	simm.s32 @p0 $0x1  }
0x13: {  	[smem:$0x3FB4] =	sst s0;
	s0 =	simm.s32 @!p1 $0x0  }
0x14: {  	s2 =	sld [smem:$0x3F98];
	s0 =	simm.s32 @p1 $0x1  }
0x15: {  	[smem:$0x3FB5] =	sst s0;
	s0 =	simm.s32 @!p2 $0x0  }
0x16: {  	s3 =	sld [smem:$0x3FDB];
	s0 =	simm.s32 @p2 $0x1  }
0x17: {  	s4 =	simm.s32 $0x1BF5;
	[smem:$0x3FB7] =	sst s0  }
0x18: {  	s0 =	sld [smem:$0x3F9A];
	_ =	swait.ge [sflag:s4], $0x0  }
0x19: {  	s7 =	sld [smem:$0x3F9B]  }
0x1a: {  	s8 =	sadd.s32 $0xFFFFE003, lr  }
0x1b: {  	s9 =	sadd.s32 $0xFFFFFEF7, lr;
	s5 =	simm.s32 $0xFFFFFFFF;
	p2 =	slt.u32 s8, $0xFFFFF086  }
0x1c: {  	p1 =	slt.u32 s9, $0xF7A;
	s5 =	simm.s32 @!p2 $0x0  }
0x1d: {  	s5 =	simm.s32 @p1 $0x1;
	p0 =	seq.s32 s7, s2  }
0x1e: {  	s7 =	smul.u32 @!p0 $0xF7A, s2;
	p2 =	seq.s32 @!p0 s5, $0x0  }
0x1f: {  	s9 =	smul.u32 $0xF7A, s1;
	s8 =	simm.s32 @!p0 $0x1BF5;
	p2 =	por !p2, p0  }
0x20: {  	[sflag:s8] =	ssyncset.s32 @!p0 $0xFFFFF086;
	s6 =	sadd.s32 @!p0 s3, s7;
	s7 =	simm.s32 @!p0 $0x108  }
0x21: {  	s3 =	sadd.s32 s3, s9;
	s6 =	sadd.s32 @!p0 $0x88, s6;
	s7 =	simm.s32 @p2 $0x1082  }
0x22: {  	[simem:s7], [sflag:s8] =	dma.local @!p0 [hbm:s6], $0xF7A  }
0x23: {  	s9 =	sor.u32 $0xD0000000, s2;
	s6 =	simm.s32 $0x108;
	_ =	swait.ge @!p0 [sflag:s8], $0x0  }
0x24: {  	s3 =	sadd.s32 $0x88, s3;
	s6 =	simm.s32 @!p1 $0x1082;
	[sflag:s4] =	ssyncset.s32 $0xFFFFF086  }
0x25: {  	[simem:s6], [sflag:s4] =	dma.local [hbm:s3], $0xF7A  }
0x26: {  	[smem:$0x3F9B] =	sst s1;
	(tag) =	ssettag s2;
	_ =	strace s9  }
0x27: {  	s1 =	sld [smem:$0x3FAB]  }
0x28: {  	s2 =	sld [smem:$0x3FAC]  }
0x29: {  	s4 =	sld [smem:$0x3FAE]  }
0x2a: {  	p0 =	seq.s32 s5, $0x0;
	s5 =	sld [smem:$0x3FAF]  }
0x2b: {  	s6 =	sld [smem:$0x3FB0]  }
0x2c: {  	s7 =	sld [smem:$0x3FB1]  }
0x2d: {  	s3 =	simm.s32 $0x108;
	s8 =	sld [smem:$0x3FB2]  }
0x2e: {  	s3 =	simm.s32 @!p0 $0x1082;
	s9 =	sld [smem:$0x3FB3]  }
0x2f: {  	lr =	sadd.s32 s0, s3;
	s0 =	sld [smem:$0x3FAA]  }
0x30: {  	s3 =	sld [smem:$0x3FAD]  }
0x31: {  	[smem:$0x3FB6] =	sst s10  }
0x32: {  	s10 =	sld [smem:$0x3FB4];
	_ =	sdelay $0x3  }
0x33: {  	p0 =	seq.s32 s10, $0x1;
	s10 =	sld [smem:$0x3FB6];
	_ =	sdelay $0x3  }
0x34: {  	[smem:$0x3FB6] =	sst s10  }
0x35: {  	s10 =	sld [smem:$0x3FB5];
	_ =	sdelay $0x3  }
0x36: {  	p1 =	seq.s32 s10, $0x1;
	s10 =	sld [smem:$0x3FB6];
	_ =	sdelay $0x3  }
0x37: {  	[smem:$0x3FB6] =	sst s10  }
0x38: {  	s10 =	sld [smem:$0x3FB7]  }
0x39: {  	_ = 	snop;
	(pc) =	sbr.ind lr, $3  }
0x3a: {  	_ = 	snop  }
0x3b: {  	_ = 	snop  }
0x3c: {  	p2 =	seq.s32 s10, $0x1;
	s10 =	sld [smem:$0x3FB6]  }
0x3d: {  	_ =	shalt  }
0x3e: {  	_ =	shalt  }
0x3f: {  	_ =	shalt  }
0x40: {  	_ =	shalt  }
0x41: {  	_ =	shalt  }
0x42: {  	_ =	shalt  }
0x43: {  	_ =	shalt  }
0x44: {  	_ =	shalt  }
0x45: {  	_ =	shalt  }
0x46: {  	_ =	shalt  }
0x47: {  	_ =	shalt  }
0x48: {  	_ =	shalt  }
0x49: {  	_ =	shalt  }
0x4a: {  	_ =	shalt  }
0x4b: {  	_ =	shalt  }
0x4c: {  	_ =	shalt  }
0x4d: {  	_ =	shalt  }
0x4e: {  	_ =	shalt  }
0x4f: {  	_ =	shalt  }
0x50: {  	_ =	shalt  }
0x51: {  	_ =	shalt  }
0x52: {  	_ =	shalt  }
0x53: {  	_ =	shalt  }
0x54: {  	_ =	shalt  }
0x55: {  	_ =	shalt  }
0x56: {  	_ =	shalt  }
0x57: {  	_ =	shalt  }
0x58: {  	_ =	shalt  }
0x59: {  	_ =	shalt  }
0x5a: {  	_ =	shalt  }
0x5b: {  	_ =	shalt  }
0x5c: {  	_ =	shalt  }
0x5d: {  	_ =	shalt  }
0x5e: {  	_ =	shalt  }
0x5f: {  	_ =	shalt  }
0x60: {  	_ =	shalt  }
0x61: {  	_ =	shalt  }
0x62: {  	_ =	shalt  }
0x63: {  	_ =	shalt  }
0x64: {  	_ =	shalt  }
0x65: {  	_ =	shalt  }
0x66: {  	_ =	shalt  }
0x67: {  	_ =	shalt  }
0x68: {  	_ =	shalt  }
0x69: {  	_ =	shalt  }
0x6a: {  	_ =	shalt  }
0x6b: {  	_ =	shalt  }
0x6c: {  	_ =	shalt  }
0x6d: {  	_ =	shalt  }
0x6e: {  	_ =	shalt  }
0x6f: {  	_ =	shalt  }
0x70: {  	_ =	shalt  }
0x71: {  	_ =	shalt  }
0x72: {  	_ =	shalt  }
0x73: {  	_ =	shalt  }
0x74: {  	_ =	shalt  }
0x75: {  	_ =	shalt  }
0x76: {  	_ =	shalt  }
0x77: {  	_ =	shalt  }
0x78: {  	_ =	shalt  }
0x79: {  	_ =	shalt  }
0x7a: {  	_ =	shalt  }
0x7b: {  	_ =	shalt  }
0x7c: {  	_ =	shalt  }
0x7d: {  	_ =	shalt  }
0x7e: {  	_ =	shalt  }
0x7f: {  	_ =	shalt  }
0x80: {  	_ =	shalt  }
0x81: {  	_ =	shalt  }
0x82: {  	_ =	shalt  }
0x83: {  	_ =	shalt  }
0x84: {  	_ =	shalt  }
0x85: {  	_ =	shalt  }
0x86: {  	_ =	shalt  }
0x87: {  	_ =	shalt  }
.Lfunc_end0:
.L_simem_size_0:
called_computation.1_lowered:
.L_overlay_start_0:
0x88: {  	s2 =	sld [smem:$0x3FD9]  }
0x89: {  	s3 =	sld [smem:$0x3FFE];
	_ =	sdelay $0x1  }
0x8a: {  	s1 =	srdreg.scid  }
0x8b: {  	s0 =	sand.u32 $0x1, s1  }
0x8c: {  	s16 =	sshll.u32 s0, $0xA;
	s2 =	sadd.s32 s3, s2  }
0x8d: {  	s2 =	sadd.s32 s2, s16  }
0x8e: {  	[smem:$0x3FC2] =	sst s2  }
0x8f: {  	_ = 	snop  }
0x90: {  	(tm) =	ssettm $0x1  }
0x91: {  	s17 =	sld [smem:$0x3FFB];
	_ =	sdelay $0x3  }
0x92: {  	_ =	strace s17  }
0x93: {  	s2 =	sld [smem:$0x3FFC];
	_ =	sdelay $0x3  }
0x94: {  	_ =	strace s2  }
0x95: {  	s2 =	sld [smem:$0x3FFD];
	_ =	sdelay $0x3  }
0x96: {  	_ =	strace s2  }
0x97: {  	_ =	strace $0x8FFFFFFF  }
0x98: {  	s18 =	sld [smem:$0x3FDB];
	_ =	sdelay $0x1  }
0x99: {  	s19 =	simm.s32 $_scs_section_size  }
0x9a: {  	s4 =	simm.s32 $_size__tile_overlayer_lowered;
	s5 =	simm.s32 $_tile_overlayer_lowered  }
0x9b: {  	s22 =	simm.s32 $0x1BFF;
	s21 =	sshll.u32 s5, $0x1;
	s2 =	sadd.s32 s19, s18  }
0x9c: {  	s6 =	simm.s32 $0x0;
	s20 =	sshll.u32 s4, $0x1;
	s4 =	sadd.s32 s21, s2  }
0x9d: {  	[timem:s6], [sflag:s22] =	dma.local [hbm:s4], s20  }
0x9e: {  	_ =	swait.ge [sflag:s22], s20  }
0x9f: {  	s3 =	ssub.s32 $0x0, s20;
	[sflag:s22] =	ssyncset.done $0x0  }
0xa0: {  	[sflag:s22] =	ssyncadd.s32 s3;
	_ =	sdelay $0x1  }
0xa1: {  	s23 =	simm.s32 $0x1B8B  }
0xa2: {  	_ =	swait.ge [sflag:s23], $0x1  }
0xa3: {  	[sflag:s23] =	ssyncset.done $0x0  }
0xa4: {  	s25 =	simm.s32 $0x1B8E;
	s24 =	sld [smem:$0x3FFE];
	[sflag:s23] =	ssyncadd.s32 $0xFFFFFFFF  }
0xa5: {  	s26 =	simm.s32 $execute0_lowered;
	[smem:$0x3FD2] =	sst s25  }
0xa6: {  	s4 =	sshll.u32 s26, $0x1;
	_ =	strace $0x80000049;
	[dreg:$0x1] =	wrdreg $0xFFFFFFFF  }
0xa7: {  	s28 =	simm.s32 $_size_execute0_lowered;
	s2 =	sadd.s32 s2, s4;
	[dreg:$0x0] =	wrdreg $0x0  }
0xa8: {  	s4 =	sshll.u32 s28, $0x1;
	[dreg:$0x2] =	wrdreg s2  }
0xa9: {  	[dreg:$0x3] =	wrdreg s4  }
0xaa: {  	[dreg:$0x4] =	wrdreg $0xC0  }
0xab: {  	_ =	task [dreg:s6], $0x5FFFF  }
0xac: {  	[dreg:$0x1] =	wrdreg $0xFFFFFFFF  }
0xad: {  	[dreg:$0x0] =	wrdreg $0x60  }
0xae: {  	[dreg:$0x2] =	wrdreg s24  }
0xaf: {  	[dreg:$0x3] =	wrdreg $0xD0000  }
0xb0: {  	[dreg:$0x4] =	wrdreg $0x9  }
0xb1: {  	_ =	task.clear_ibuf [dreg:s6], $0x5FFFF;
	_ =	strace $0x90000049  }
0xb2: {  	s29 =	simm.s32 $0x9;
	_ =	strace $0x8000004B  }
0xb3: {  	_ =	swait.ge [sflag:s29], $0x1  }
0xb4: {  	[sflag:s29] =	ssyncadd.s32 $0xFFFFFFFF  }
0xb5: {  	_ =	strace $0x9000004B  }
0xb6: {  	_ =	sfence  }
0xb7: {  	s30 =	sld [smem:$0x0];
	_ =	sdelay $0x2  }
0xb8: {  	s31 =	sshll.u32 s1, $0xD;
	s1 =	sshrl.u32 s1, $0x2  }
0xb9: {  	s3 =	sand.u32 $0x4000, s31;
	s1 =	sadd.s32 s1, s30  }
0xba: {  	s0 =	sor.u32 s3, s0;
	s1 =	sshll.u32 s1, $0x11  }
0xbb: {  	s0 =	sor.u32 s1, s0  }
0xbc: {  	s0 =	sadd.s32 $0x8F2B, s0  }
0xbd: {  	[sflag:s0] =	ssyncadd.remote.s32 $0x1  }
0xbe: {  	_ =	sfence.sel $0xFFFF  }
0xbf: {  	[dreg:$0x0] =	wrdreg $0xFFFFFFFF;
	(pc) =	sbr.abs _section_cstart, $3  }
0xc0: {  	[dreg:$0x1] =	wrdreg $0xFFFFFFFF  }
0xc1: {  	_ =	task.clear_ibuf [dreg:s6], $0x2FFFF;
	_ =	strace $0x9FFFFFFF  }
0xc2: {  	(tm) =	ssettm $0x7FFFFFFF  }
0xc3: {  	_ =	shalt  }
tec
execute0_lowered:
.L_overlay_start_1:
0x0: {  	(tag) =	ssettag $0x1  }
0x1: {  	s0 =	srdreg.scid;
	s5 =	rddreg [dreg:$0x0]  }
0x2: {  	s2 =	rddreg [dreg:$0x1];
	s17 =	simm.s32 $0x5;
	s19 =	simm.s32 $0x80  }
0x3: {  	s20 =	simm.s32 $0x7000;
	s22 =	simm.s32 $0x9000;
	s24 =	simm.s32 $0xB000  }
0x4: {  	s28 =	simm.s32 $0x3;
	s1 =	sand.u32 $0x1, s0;
	s0 =	stileid.u32  }
0x5: {  	s29 =	simm.s32 $0x4;
	s30 =	simm.s32 $0x4E00;
	s6 =	smul.u32 $0x30000, s0  }
0x6: {  	s31 =	simm.s32 $0x4E80;
	s18 =	simm.s32 $0x4F80;
	s13 =	smul.u32 $0x1800, s0  }
0x7: {  	s14 =	sadd.s32 $0x28E00, s5;
	s3 =	sshll.u32 s1, $0x4;
	s11 =	smul.u32 $0x9D000, s1  }
0x8: {  	s7 =	ssub.s32 $0x2, s1;
	s1 =	smul.u32 $0x13A00, s1;
	p0 =	sgt.u32 s0, $0xC  }
0x9: {  	s4 =	sor.u32 s0, s3;
	s3 =	simm.s32 $0x0;
	s26 =	sshrl.u32 s7, $0x1  }
0xa: {  	p1 =	sne.s32 @p0 s0, $0xD;
	s4 =	smul.u32 $0x500, s4;
	[smem:$0x7FF] =	sst s3  }
0xb: {  	s25 =	sshrl.u32 s6, $0x2;
	s15 =	ssub.s32 s7, s26;
	s16 =	sshrl.u32 s11, $0x3  }
0xc: {  	s1 =	sadd.s32 s13, s1;
	p1 =	por p1, !p0;
	s26 =	simm.s32 $0x2  }
0xd: {  	_ =	strace $0x8000004A;
	s16 =	sadd.s32 s14, s16;
	s14 =	sadd.s32 s14, s1  }
0xe: {  	s15 =	smax.u32 s15, $0x1;
	s1 =	simm.s32 $0x4F00;
	s12 =	sadd.s32 s4, s5  }
0xf: {  	s4 =	sadd.s32 $0x15400, s5;
	s5 =	sadd.s32 s25, s2;
	s13 =	sadd.s32 $0x13800, s16  }
0x10: {  	s16 =	simm.s32 $0x5000;
	s25 =	simm.s32 $0x1;
	s6 =	sadd.s32 $0x2000, s5  }
0x11: {  	s7 =	sadd.s32 $0x4000, s5;
	s8 =	sadd.s32 $0x6000, s5;
	s9 =	sadd.s32 $0x8000, s5  }
0x12: {  	v0 =	vimm.f32 $0.0e+00;
	s10 =	sadd.s32 $0xA000, s5;
	s11 =	sadd.s32 $0x1400, s12;
	s12 =	sadd.s32 $0xB400, s12  }
.LBB2_1:
0x13: {  	s23 =	simm.s32 $0x100;
	s21 =	simm.s32 $0x0  }
.LBB2_2:
0x14: {  	p2 =	sne.s32 s23, $0x7F00;
	[tilespmem:s21+$0x5030] =	vst v0;
	s0 =	smov.u32 s23;
	s23 =	sadd.s32 $0x100, s23  }
.Ltmp0:
0x15: {  	[tilespmem:s21+$0x5020] =	vst v0;
	(pc) =	sbr.rel @p2 .LBB2_2-.Ltmp0, $3  }
0x16: {  	[tilespmem:s21+$0x5000] =	vst v0  }
0x17: {  	[tilespmem:s21+$0x5010] =	vst v0;
	_ =	sdelay $0x1  }
0x18: {  	s21 =	sshra.s32 s0, $0x2  }
0x19: {  	[tilespmem:s21+$0x5030] =	vst v0  }
0x1a: {  	[tilespmem:s21+$0x5020] =	vst v0  }
0x1b: {  	[tilespmem:s21+$0x5000] =	vst v0  }
0x1c: {  	[tilespmem:s21+$0x5010] =	vst v0  }
0x1d: {  	[spmem:s5] =	stream.linear.scatter [tilespmem:s16], [sflag:$0x5], $0x2000, $0x38;
	[tilespmem:$0x19000] =	vst v63  }
0x1e: {  	_ =	swait.ge [sflag:s17], $0x2000  }
0x1f: {  	[sflag:s17] =	ssyncset.done $0x0  }
0x20: {  	[sflag:s17] =	ssyncadd.s32 $0xFFFFE000  }
0x21: {  	[spmem:s6] =	stream.linear.scatter [tilespmem:s16], [sflag:$0x5], $0x2000, $0x38;
	[tilespmem:$0x19000] =	vst v63  }
0x22: {  	_ =	swait.ge [sflag:s17], $0x2000  }
0x23: {  	[sflag:s17] =	ssyncset.done $0x0  }
0x24: {  	[sflag:s17] =	ssyncadd.s32 $0xFFFFE000  }
0x25: {  	[spmem:s7] =	stream.linear.scatter [tilespmem:s16], [sflag:$0x5], $0x2000, $0x38;
	[tilespmem:$0x19000] =	vst v63  }
0x26: {  	_ =	swait.ge [sflag:s17], $0x2000  }
0x27: {  	[sflag:s17] =	ssyncset.done $0x0  }
0x28: {  	[sflag:s17] =	ssyncadd.s32 $0xFFFFE000  }
0x29: {  	[spmem:s8] =	stream.linear.scatter [tilespmem:s16], [sflag:$0x5], $0x2000, $0x38;
	[tilespmem:$0x19000] =	vst v63  }
0x2a: {  	_ =	swait.ge [sflag:s17], $0x2000  }
0x2b: {  	[sflag:s17] =	ssyncset.done $0x0  }
0x2c: {  	[sflag:s17] =	ssyncadd.s32 $0xFFFFE000  }
0x2d: {  	[spmem:s9] =	stream.linear.scatter [tilespmem:s16], [sflag:$0x5], $0x2000, $0x38;
	[tilespmem:$0x19000] =	vst v63  }
0x2e: {  	_ =	swait.ge [sflag:s17], $0x2000  }
0x2f: {  	[sflag:s17] =	ssyncset.done $0x0  }
0x30: {  	[sflag:s17] =	ssyncadd.s32 $0xFFFFE000  }
0x31: {  	[spmem:s10] =	stream.linear.scatter [tilespmem:s16], [sflag:$0x5], $0x2000, $0x38;
	[tilespmem:$0x19000] =	vst v63  }
0x32: {  	_ =	swait.ge [sflag:s17], $0x2000  }
0x33: {  	[sflag:s17] =	ssyncset.done $0x0  }
0x34: {  	[sflag:s17] =	ssyncadd.s32 $0xFFFFE000  }
0x35: {  	s0 =	simm.s32 $0x0;
	[bflag:$0x0] =	sbarrier.arrive $0xFFFF  }
0x36: {  	[tilespmem:s0], [sflag:$0x5] =	stream.linear.gather [hbm4b:s11+s0], $0x2800, $0x38;
	[tilespmem:$0x19000] =	vst v63  }
0x37: {  	_ =	swait.ge [sflag:s17], $0x2800  }
0x38: {  	[sflag:s17] =	ssyncset.done $0x0  }
0x39: {  	s23 =	simm.s32 $0x2800;
	[sflag:s17] =	ssyncadd.s32 $0xFFFFD800  }
0x3a: {  	[tilespmem:s23], [sflag:$0x5] =	stream.linear.gather [hbm4b:s12+s0], $0x2800, $0x38;
	[tilespmem:$0x19000] =	vst v63  }
0x3b: {  	_ =	swait.ge [sflag:s17], $0x2800  }
0x3c: {  	[sflag:s17] =	ssyncset.done $0x0  }
0x3d: {  	[sflag:s17] =	ssyncadd.s32 $0xFFFFD800  }
0x3e: {  	[tilespmem:s16], [sflag:$0x1] =	stream.indirect.gather [hbm4b:s4+s19], $0x40, s0, s19, $0xb8;
	[tilespmem:$0x19000] =	vst v63  }
0x3f: {  	_ = 	snop  }
0x40: {  	[tilespmem:s20], [sflag:$0x2] =	stream.indirect.gather [hbm4b:s4+s19], $0x40, s19, s19, $0xb8;
	[tilespmem:$0x19000] =	vst v63  }
0x41: {  	s23 =	simm.s32 $0x100  }
0x42: {  	[tilespmem:s22], [sflag:$0x3] =	stream.indirect.gather [hbm4b:s4+s19], $0x40, s23, s19, $0xb8;
	[tilespmem:$0x19000] =	vst v63  }
0x43: {  	s21 =	simm.s32 $0x180  }
0x44: {  	[tilespmem:s24], [sflag:$0x4] =	stream.indirect.gather [hbm4b:s4+s19], $0x40, s21, s19, $0xb8;
	[tilespmem:$0x19000] =	vst v63  }
0x45: {  	_ =	swait.ge [sflag:s25], $0x2000  }
0x46: {  	[sflag:s25] =	ssyncset.done $0x0  }
0x47: {  	s23 =	simm.s32 $0x2800;
	[sflag:s25] =	ssyncadd.s32 $0xFFFFE000  }
0x48: {  	[spmem:s2] =	stream.indirect.scatter.add.f32 [tilespmem:s16], [sflag:$0x5], $0x40, s23, s19, $0xb8;
	[tilespmem:$0x19000] =	vst v63  }
0x49: {  	_ =	swait.ge [sflag:s17], $0x2000  }
0x4a: {  	[sflag:s17] =	ssyncset.done $0x0  }
0x4b: {  	s21 =	simm.s32 $0x200;
	[sflag:s17] =	ssyncadd.s32 $0xFFFFE000  }
0x4c: {  	[tilespmem:s16], [sflag:$0x1] =	stream.indirect.gather [hbm4b:s4+s19], $0x40, s21, s19, $0xb8;
	[tilespmem:$0x19000] =	vst v63  }
0x4d: {  	_ =	swait.ge [sflag:s26], $0x2000  }
0x4e: {  	[sflag:s26] =	ssyncset.done $0x0  }
0x4f: {  	s23 =	simm.s32 $0x2880;
	[sflag:s26] =	ssyncadd.s32 $0xFFFFE000  }
0x50: {  	[spmem:s2] =	stream.indirect.scatter.add.f32 [tilespmem:s20], [sflag:$0x5], $0x40, s23, s19, $0xb8;
	[tilespmem:$0x19000] =	vst v63  }
0x51: {  	_ =	swait.ge [sflag:s17], $0x2000  }
0x52: {  	[sflag:s17] =	ssyncset.done $0x0  }
0x53: {  	s21 =	simm.s32 $0x280;
	[sflag:s17] =	ssyncadd.s32 $0xFFFFE000  }
0x54: {  	[tilespmem:s20], [sflag:$0x2] =	stream.indirect.gather [hbm4b:s4+s19], $0x40, s21, s19, $0xb8;
	[tilespmem:$0x19000] =	vst v63  }
0x55: {  	_ =	swait.ge [sflag:s28], $0x2000  }
0x56: {  	[sflag:s28] =	ssyncset.done $0x0  }
0x57: {  	s23 =	simm.s32 $0x2900;
	[sflag:s28] =	ssyncadd.s32 $0xFFFFE000  }
0x58: {  	[spmem:s2] =	stream.indirect.scatter.add.f32 [tilespmem:s22], [sflag:$0x5], $0x40, s23, s19, $0xb8;
	[tilespmem:$0x19000] =	vst v63  }
0x59: {  	_ =	swait.ge [sflag:s17], $0x2000  }
0x5a: {  	[sflag:s17] =	ssyncset.done $0x0  }
0x5b: {  	s21 =	simm.s32 $0x300;
	[sflag:s17] =	ssyncadd.s32 $0xFFFFE000  }
0x5c: {  	[tilespmem:s22], [sflag:$0x3] =	stream.indirect.gather [hbm4b:s4+s19], $0x40, s21, s19, $0xb8;
	[tilespmem:$0x19000] =	vst v63  }
0x5d: {  	_ =	swait.ge [sflag:s29], $0x2000  }
0x5e: {  	[sflag:s29] =	ssyncset.done $0x0  }
0x5f: {  	s23 =	simm.s32 $0x2980;
	[sflag:s29] =	ssyncadd.s32 $0xFFFFE000  }
0x60: {  	[spmem:s2] =	stream.indirect.scatter.add.f32 [tilespmem:s24], [sflag:$0x5], $0x40, s23, s19, $0xb8;
	[tilespmem:$0x19000] =	vst v63  }
0x61: {  	_ =	swait.ge [sflag:s17], $0x2000  }
0x62: {  	[sflag:s17] =	ssyncset.done $0x0  }
0x63: {  	s21 =	simm.s32 $0x800;
	s23 =	simm.s32 $0x380;
	[sflag:s17] =	ssyncadd.s32 $0xFFFFE000  }
.LBB2_4:
0x64: {  	[tilespmem:s24], [sflag:$0x4] =	stream.indirect.gather [hbm4b:s4+s19], $0x40, s23, s19, $0xb8;
	[tilespmem:$0x19000] =	vst v63  }
0x65: {  	s0 =	smov.u32 s21  }
0x66: {  	p2 =	sne.s32 s21, $0x9000;
	s21 =	sadd.s32 $0x800, s21;
	_ =	swait.ge [sflag:s25], $0x2000  }
0x67: {  	s23 =	sshra.s32 s0, $0x2;
	[sflag:s25] =	ssyncset.done $0x0  }
0x68: {  	s0 =	sadd.s32 $0x2800, s23;
	[sflag:s25] =	ssyncadd.s32 $0xFFFFE000  }
0x69: {  	[spmem:s2] =	stream.indirect.scatter.add.f32 [tilespmem:s16], [sflag:$0x5], $0x40, s0, s19, $0xb8;
	[tilespmem:$0x19000] =	vst v63  }
0x6a: {  	_ =	swait.ge [sflag:s17], $0x2000  }
0x6b: {  	[sflag:s17] =	ssyncset.done $0x0  }
0x6c: {  	s0 =	sadd.s32 $0x200, s23;
	[sflag:s17] =	ssyncadd.s32 $0xFFFFE000  }
0x6d: {  	[tilespmem:s16], [sflag:$0x1] =	stream.indirect.gather [hbm4b:s4+s19], $0x40, s0, s19, $0xb8;
	[tilespmem:$0x19000] =	vst v63  }
0x6e: {  	_ =	swait.ge [sflag:s26], $0x2000  }
0x6f: {  	[sflag:s26] =	ssyncset.done $0x0  }
0x70: {  	s0 =	sadd.s32 $0x2880, s23;
	[sflag:s26] =	ssyncadd.s32 $0xFFFFE000  }
0x71: {  	[spmem:s2] =	stream.indirect.scatter.add.f32 [tilespmem:s20], [sflag:$0x5], $0x40, s0, s19, $0xb8;
	[tilespmem:$0x19000] =	vst v63  }
0x72: {  	_ =	swait.ge [sflag:s17], $0x2000  }
0x73: {  	[sflag:s17] =	ssyncset.done $0x0  }
0x74: {  	s0 =	sadd.s32 $0x280, s23;
	[sflag:s17] =	ssyncadd.s32 $0xFFFFE000  }
0x75: {  	[tilespmem:s20], [sflag:$0x2] =	stream.indirect.gather [hbm4b:s4+s19], $0x40, s0, s19, $0xb8;
	[tilespmem:$0x19000] =	vst v63  }
0x76: {  	_ =	swait.ge [sflag:s28], $0x2000  }
0x77: {  	[sflag:s28] =	ssyncset.done $0x0  }
0x78: {  	s0 =	sadd.s32 $0x2900, s23;
	[sflag:s28] =	ssyncadd.s32 $0xFFFFE000  }
0x79: {  	[spmem:s2] =	stream.indirect.scatter.add.f32 [tilespmem:s22], [sflag:$0x5], $0x40, s0, s19, $0xb8;
	[tilespmem:$0x19000] =	vst v63  }
0x7a: {  	_ =	swait.ge [sflag:s17], $0x2000  }
0x7b: {  	[sflag:s17] =	ssyncset.done $0x0  }
0x7c: {  	s0 =	sadd.s32 $0x300, s23;
	[sflag:s17] =	ssyncadd.s32 $0xFFFFE000  }
0x7d: {  	[tilespmem:s22], [sflag:$0x3] =	stream.indirect.gather [hbm4b:s4+s19], $0x40, s0, s19, $0xb8;
	[tilespmem:$0x19000] =	vst v63  }
0x7e: {  	_ =	swait.ge [sflag:s29], $0x2000  }
0x7f: {  	[sflag:s29] =	ssyncset.done $0x0  }
.Ltmp1:
0x80: {  	s0 =	sadd.s32 $0x2980, s23;
	[sflag:s29] =	ssyncadd.s32 $0xFFFFE000;
	(pc) =	sbr.rel @p2 .LBB2_4-.Ltmp1, $4  }
0x81: {  	[spmem:s2] =	stream.indirect.scatter.add.f32 [tilespmem:s24], [sflag:$0x5], $0x40, s0, s19, $0xb8;
	[tilespmem:$0x19000] =	vst v63  }
0x82: {  	_ =	swait.ge [sflag:s17], $0x2000  }
0x83: {  	[sflag:s17] =	ssyncset.done $0x0  }
0x84: {  	s23 =	sadd.s32 $0x380, s23;
	[sflag:s17] =	ssyncadd.s32 $0xFFFFE000  }
0x85: {  	[tilespmem:s24], [sflag:$0x4] =	stream.indirect.gather [hbm4b:s4+s19], $0x40, s23, s19, $0xb8;
	[tilespmem:$0x19000] =	vst v63  }
0x86: {  	_ =	swait.ge [sflag:s25], $0x2000  }
0x87: {  	[sflag:s25] =	ssyncset.done $0x0  }
0x88: {  	[sflag:s25] =	ssyncadd.s32 $0xFFFFE000  }
0x89: {  	[spmem:s2] =	stream.indirect.scatter.add.f32 [tilespmem:s16], [sflag:$0x5], $0x40, s30, s19, $0xb8;
	[tilespmem:$0x19000] =	vst v63  }
0x8a: {  	_ =	swait.ge [sflag:s17], $0x2000  }
0x8b: {  	[sflag:s17] =	ssyncset.done $0x0  }
0x8c: {  	[sflag:s17] =	ssyncadd.s32 $0xFFFFE000  }
0x8d: {  	_ =	swait.ge [sflag:s26], $0x2000  }
0x8e: {  	[sflag:s26] =	ssyncset.done $0x0  }
0x8f: {  	[sflag:s26] =	ssyncadd.s32 $0xFFFFE000  }
0x90: {  	[spmem:s2] =	stream.indirect.scatter.add.f32 [tilespmem:s20], [sflag:$0x5], $0x40, s31, s19, $0xb8;
	[tilespmem:$0x19000] =	vst v63  }
0x91: {  	_ =	swait.ge [sflag:s17], $0x2000  }
0x92: {  	[sflag:s17] =	ssyncset.done $0x0  }
0x93: {  	[sflag:s17] =	ssyncadd.s32 $0xFFFFE000  }
0x94: {  	_ =	swait.ge [sflag:s28], $0x2000  }
0x95: {  	[sflag:s28] =	ssyncset.done $0x0  }
0x96: {  	[sflag:s28] =	ssyncadd.s32 $0xFFFFE000  }
0x97: {  	[spmem:s2] =	stream.indirect.scatter.add.f32 [tilespmem:s22], [sflag:$0x5], $0x40, s1, s19, $0xb8;
	[tilespmem:$0x19000] =	vst v63  }
0x98: {  	_ =	swait.ge [sflag:s17], $0x2000  }
0x99: {  	[sflag:s17] =	ssyncset.done $0x0  }
0x9a: {  	[sflag:s17] =	ssyncadd.s32 $0xFFFFE000  }
0x9b: {  	_ =	swait.ge [sflag:s29], $0x2000  }
0x9c: {  	[sflag:s29] =	ssyncset.done $0x0  }
0x9d: {  	[sflag:s29] =	ssyncadd.s32 $0xFFFFE000  }
0x9e: {  	[spmem:s2] =	stream.indirect.scatter.add.f32 [tilespmem:s24], [sflag:$0x5], $0x40, s18, s19, $0xb8;
	[tilespmem:$0x19000] =	vst v63  }
0x9f: {  	_ =	swait.ge [sflag:s17], $0x2000  }
0xa0: {  	[sflag:s17] =	ssyncset.done $0x0  }
0xa1: {  	[sflag:s17] =	ssyncadd.s32 $0xFFFFE000  }
0xa2: {  	s0 =	sshrl.u32 @!p1 s5, $0x3;
	s21 =	simm.s32 @!p1 $0x1F45;
	[bflag:$0x0] =	sbarrier.arrive $0xFFFF  }
0xa3: {  	[hbm:s13], [sflag:s21] =	dma.local @!p1 [spmem:s0], $0x200  }
0xa4: {  	s0 =	simm.s32 @!p1 $0x5  }
0xa5: {  	s3 =	sadd.s32 $0x1, s3;
	s21 =	stileid.u32;
	_ =	swait.ge @!p1 [sflag:s0], $0x200  }
0xa6: {  	p2 =	sne.s32 s3, s15;
	s21 =	sshll.u32 @!p0 s21, $0x6;
	[sflag:s0] =	ssyncset.done @!p1 $0x0  }
0xa7: {  	[sflag:s0] =	ssyncadd.s32 @!p1 $0xFFFFFE00;
	s0 =	sor.u32 @!p0 $0x1C05, s21;
	s21 =	sshrl.u32 @!p0 s5, $0x3  }
0xa8: {  	[hbm:s14], [sflag:s0] =	dma.local @!p0 [spmem:s21], $0x1800  }
.Ltmp2:
0xa9: {  	_ = 	snop;
	(pc) =	sbr.rel @p2 .LBB2_1-.Ltmp2, $4  }
0xaa: {  	s0 =	simm.s32 @!p0 $0x5  }
0xab: {  	_ =	swait.ge @!p0 [sflag:s0], $0x1800  }
0xac: {  	[sflag:s0] =	ssyncset.done @!p0 $0x0  }
0xad: {  	[sflag:s0] =	ssyncadd.s32 @!p0 $0xFFFFE800  }
0xae: {  	_ =	sfence.sel $0x180000  }
0xaf: {  	[bflag:$0x0] =	sbarrier.arrive $0xFFFF  }
0xb0: {  	_ =	strace $0x9000004A  }
0xb1: {  	s0 =	stileid.u32;
	[bflag:$0x2] =	sbarrier.arrive $0xFFFF  }
0xb2: {  	p0 =	sne.s32 s0, $0x0;
	s0 =	rddreg [dreg:$0x2]  }
0xb3: {  	s0 =	sadd.s32 @!p0 $0x100000, s0  }
0xb4: {  	[sflag:s0] =	ssyncadd.tile.s32 @!p0 $0x1;
	_ =	shalt  }
.Lfunc_end2:
_tile_overlayer_lowered:
.L_overlay_start_2:
0xb5: {  	(tag) =	ssettag $0x2  }
0xb6: {  	s0 =	rddreg [dreg:$0x0];
	s2 =	stileid.u32  }
0xb7: {  	s1 =	rddreg [dreg:$0x1];
	p0 =	sne.s32 s2, $0x0  }
0xb8: {  	s3 =	rddreg [dreg:$0x2];
	[bflag:$0x3] =	sbarrier.arrive $0xFFFF;
	s2 =	simm.s32 @!p0 $0x1C05  }
0xb9: {  	[timem:s3], [sflag:s2] =	dma.local @!p0 [hbm:s0], s1  }
0xba: {  	s0 =	simm.s32 @!p0 $0x5  }
0xbb: {  	_ =	swait.ge @!p0 [sflag:s0], s1  }
0xbc: {  	s1 =	ssub.s32 @!p0 $0x0, s1;
	[sflag:s0] =	ssyncset.done @!p0 $0x0  }
0xbd: {  	[sflag:s0] =	ssyncadd.s32 @!p0 s1  }
0xbe: {  	[bflag:$0x3] =	sbarrier.arrive $0xFFFF  }
0xbf: {  	_ =	shalt  }

// kernel: kernel.8.cloned.1.call-start
scs
__scs_entry_jumppad:
0x0: {  	(pc) =	sbr.rel $0x88, $3  }
0x1: {  	(tag) =	ssettag $0x0;
	lr =	simm.s32 $0x1  }
0x2: {  	[smem:$0x3F9B] =	sst lr;
	_ =	strace $0xD0000000  }
0x3: {  	_ = 	snop  }
0x4: {  	_ = 	snop  }
0x5: {  	_ = 	snop  }
0x6: {  	_ = 	snop  }
0x7: {  	_ = 	snop  }
__scs_overlays_trampoline_lowered:
0x8: {  	[smem:$0x3FAA] =	sst s0  }
0x9: {  	[smem:$0x3FAB] =	sst s1  }
0xa: {  	[smem:$0x3FAC] =	sst s2  }
0xb: {  	[smem:$0x3FAD] =	sst s3  }
0xc: {  	[smem:$0x3FAE] =	sst s4  }
0xd: {  	[smem:$0x3FAF] =	sst s5  }
0xe: {  	[smem:$0x3FB0] =	sst s6  }
0xf: {  	[smem:$0x3FB1] =	sst s7  }
0x10: {  	[smem:$0x3FB2] =	sst s8  }
0x11: {  	[smem:$0x3FB3] =	sst s9;
	s0 =	simm.s32 @!p0 $0x0  }
0x12: {  	s1 =	sld [smem:$0x3F99];
	s0 =	simm.s32 @p0 $0x1  }
0x13: {  	[smem:$0x3FB4] =	sst s0;
	s0 =	simm.s32 @!p1 $0x0  }
0x14: {  	s2 =	sld [smem:$0x3F98];
	s0 =	simm.s32 @p1 $0x1  }
0x15: {  	[smem:$0x3FB5] =	sst s0;
	s0 =	simm.s32 @!p2 $0x0  }
0x16: {  	s3 =	sld [smem:$0x3FDB];
	s0 =	simm.s32 @p2 $0x1  }
0x17: {  	s4 =	simm.s32 $0x1BF5;
	[smem:$0x3FB7] =	sst s0  }
0x18: {  	s0 =	sld [smem:$0x3F9A];
	_ =	swait.ge [sflag:s4], $0x0  }
0x19: {  	s7 =	sld [smem:$0x3F9B]  }
0x1a: {  	s8 =	sadd.s32 $0xFFFFE003, lr  }
0x1b: {  	s9 =	sadd.s32 $0xFFFFFEF7, lr;
	s5 =	simm.s32 $0xFFFFFFFF;
	p2 =	slt.u32 s8, $0xFFFFF086  }
0x1c: {  	p1 =	slt.u32 s9, $0xF7A;
	s5 =	simm.s32 @!p2 $0x0  }
0x1d: {  	s5 =	simm.s32 @p1 $0x1;
	p0 =	seq.s32 s7, s2  }
0x1e: {  	s7 =	smul.u32 @!p0 $0xF7A, s2;
	p2 =	seq.s32 @!p0 s5, $0x0  }
0x1f: {  	s9 =	smul.u32 $0xF7A, s1;
	s8 =	simm.s32 @!p0 $0x1BF5;
	p2 =	por !p2, p0  }
0x20: {  	[sflag:s8] =	ssyncset.s32 @!p0 $0xFFFFF086;
	s6 =	sadd.s32 @!p0 s3, s7;
	s7 =	simm.s32 @!p0 $0x108  }
0x21: {  	s3 =	sadd.s32 s3, s9;
	s6 =	sadd.s32 @!p0 $0x88, s6;
	s7 =	simm.s32 @p2 $0x1082  }
0x22: {  	[simem:s7], [sflag:s8] =	dma.local @!p0 [hbm:s6], $0xF7A  }
0x23: {  	s9 =	sor.u32 $0xD0000000, s2;
	s6 =	simm.s32 $0x108;
	_ =	swait.ge @!p0 [sflag:s8], $0x0  }
0x24: {  	s3 =	sadd.s32 $0x88, s3;
	s6 =	simm.s32 @!p1 $0x1082;
	[sflag:s4] =	ssyncset.s32 $0xFFFFF086  }
0x25: {  	[simem:s6], [sflag:s4] =	dma.local [hbm:s3], $0xF7A  }
0x26: {  	[smem:$0x3F9B] =	sst s1;
	(tag) =	ssettag s2;
	_ =	strace s9  }
0x27: {  	s1 =	sld [smem:$0x3FAB]  }
0x28: {  	s2 =	sld [smem:$0x3FAC]  }
0x29: {  	s4 =	sld [smem:$0x3FAE]  }
0x2a: {  	p0 =	seq.s32 s5, $0x0;
	s5 =	sld [smem:$0x3FAF]  }
0x2b: {  	s6 =	sld [smem:$0x3FB0]  }
0x2c: {  	s7 =	sld [smem:$0x3FB1]  }
0x2d: {  	s3 =	simm.s32 $0x108;
	s8 =	sld [smem:$0x3FB2]  }
0x2e: {  	s3 =	simm.s32 @!p0 $0x1082;
	s9 =	sld [smem:$0x3FB3]  }
0x2f: {  	lr =	sadd.s32 s0, s3;
	s0 =	sld [smem:$0x3FAA]  }
0x30: {  	s3 =	sld [smem:$0x3FAD]  }
0x31: {  	[smem:$0x3FB6] =	sst s10  }
0x32: {  	s10 =	sld [smem:$0x3FB4];
	_ =	sdelay $0x3  }
0x33: {  	p0 =	seq.s32 s10, $0x1;
	s10 =	sld [smem:$0x3FB6];
	_ =	sdelay $0x3  }
0x34: {  	[smem:$0x3FB6] =	sst s10  }
0x35: {  	s10 =	sld [smem:$0x3FB5];
	_ =	sdelay $0x3  }
0x36: {  	p1 =	seq.s32 s10, $0x1;
	s10 =	sld [smem:$0x3FB6];
	_ =	sdelay $0x3  }
0x37: {  	[smem:$0x3FB6] =	sst s10  }
0x38: {  	s10 =	sld [smem:$0x3FB7]  }
0x39: {  	_ = 	snop;
	(pc) =	sbr.ind lr, $3  }
0x3a: {  	_ = 	snop  }
0x3b: {  	_ = 	snop  }
0x3c: {  	p2 =	seq.s32 s10, $0x1;
	s10 =	sld [smem:$0x3FB6]  }
0x3d: {  	_ =	shalt  }
0x3e: {  	_ =	shalt  }
0x3f: {  	_ =	shalt  }
0x40: {  	_ =	shalt  }
0x41: {  	_ =	shalt  }
0x42: {  	_ =	shalt  }
0x43: {  	_ =	shalt  }
0x44: {  	_ =	shalt  }
0x45: {  	_ =	shalt  }
0x46: {  	_ =	shalt  }
0x47: {  	_ =	shalt  }
0x48: {  	_ =	shalt  }
0x49: {  	_ =	shalt  }
0x4a: {  	_ =	shalt  }
0x4b: {  	_ =	shalt  }
0x4c: {  	_ =	shalt  }
0x4d: {  	_ =	shalt  }
0x4e: {  	_ =	shalt  }
0x4f: {  	_ =	shalt  }
0x50: {  	_ =	shalt  }
0x51: {  	_ =	shalt  }
0x52: {  	_ =	shalt  }
0x53: {  	_ =	shalt  }
0x54: {  	_ =	shalt  }
0x55: {  	_ =	shalt  }
0x56: {  	_ =	shalt  }
0x57: {  	_ =	shalt  }
0x58: {  	_ =	shalt  }
0x59: {  	_ =	shalt  }
0x5a: {  	_ =	shalt  }
0x5b: {  	_ =	shalt  }
0x5c: {  	_ =	shalt  }
0x5d: {  	_ =	shalt  }
0x5e: {  	_ =	shalt  }
0x5f: {  	_ =	shalt  }
0x60: {  	_ =	shalt  }
0x61: {  	_ =	shalt  }
0x62: {  	_ =	shalt  }
0x63: {  	_ =	shalt  }
0x64: {  	_ =	shalt  }
0x65: {  	_ =	shalt  }
0x66: {  	_ =	shalt  }
0x67: {  	_ =	shalt  }
0x68: {  	_ =	shalt  }
0x69: {  	_ =	shalt  }
0x6a: {  	_ =	shalt  }
0x6b: {  	_ =	shalt  }
0x6c: {  	_ =	shalt  }
0x6d: {  	_ =	shalt  }
0x6e: {  	_ =	shalt  }
0x6f: {  	_ =	shalt  }
0x70: {  	_ =	shalt  }
0x71: {  	_ =	shalt  }
0x72: {  	_ =	shalt  }
0x73: {  	_ =	shalt  }
0x74: {  	_ =	shalt  }
0x75: {  	_ =	shalt  }
0x76: {  	_ =	shalt  }
0x77: {  	_ =	shalt  }
0x78: {  	_ =	shalt  }
0x79: {  	_ =	shalt  }
0x7a: {  	_ =	shalt  }
0x7b: {  	_ =	shalt  }
0x7c: {  	_ =	shalt  }
0x7d: {  	_ =	shalt  }
0x7e: {  	_ =	shalt  }
0x7f: {  	_ =	shalt  }
0x80: {  	_ =	shalt  }
0x81: {  	_ =	shalt  }
0x82: {  	_ =	shalt  }
0x83: {  	_ =	shalt  }
0x84: {  	_ =	shalt  }
0x85: {  	_ =	shalt  }
0x86: {  	_ =	shalt  }
0x87: {  	_ =	shalt  }
.Lfunc_end0:
.L_simem_size_0:
called_computation_lowered:
.L_overlay_start_0:
0x88: {  	s2 =	sld [smem:$0x3FD9]  }
0x89: {  	s3 =	sld [smem:$0x3FFE];
	_ =	sdelay $0x1  }
0x8a: {  	s1 =	srdreg.scid  }
0x8b: {  	s0 =	sand.u32 $0x1, s1  }
0x8c: {  	s16 =	sshll.u32 s0, $0xA;
	s2 =	sadd.s32 s3, s2  }
0x8d: {  	s2 =	sadd.s32 s2, s16  }
0x8e: {  	[smem:$0x3FC2] =	sst s2  }
0x8f: {  	_ = 	snop  }
0x90: {  	(tm) =	ssettm $0x1  }
0x91: {  	s17 =	sld [smem:$0x3FFB];
	_ =	sdelay $0x3  }
0x92: {  	_ =	strace s17  }
0x93: {  	s2 =	sld [smem:$0x3FFC];
	_ =	sdelay $0x3  }
0x94: {  	_ =	strace s2  }
0x95: {  	s2 =	sld [smem:$0x3FFD];
	_ =	sdelay $0x3  }
0x96: {  	_ =	strace s2  }
0x97: {  	_ =	strace $0x8FFFFFFF  }
0x98: {  	s18 =	sld [smem:$0x3FDB];
	_ =	sdelay $0x1  }
0x99: {  	s19 =	simm.s32 $_scs_section_size  }
0x9a: {  	s4 =	simm.s32 $_size__tile_overlayer_lowered;
	s5 =	simm.s32 $_tile_overlayer_lowered  }
0x9b: {  	s22 =	simm.s32 $0x1BFF;
	s21 =	sshll.u32 s5, $0x1;
	s2 =	sadd.s32 s19, s18  }
0x9c: {  	s6 =	simm.s32 $0x0;
	s20 =	sshll.u32 s4, $0x1;
	s4 =	sadd.s32 s21, s2  }
0x9d: {  	[timem:s6], [sflag:s22] =	dma.local [hbm:s4], s20  }
0x9e: {  	_ =	swait.ge [sflag:s22], s20  }
0x9f: {  	s3 =	ssub.s32 $0x0, s20;
	[sflag:s22] =	ssyncset.done $0x0  }
0xa0: {  	[sflag:s22] =	ssyncadd.s32 s3;
	_ =	sdelay $0x1  }
0xa1: {  	s23 =	simm.s32 $0x1B8B  }
0xa2: {  	_ =	swait.ge [sflag:s23], $0x1  }
0xa3: {  	[sflag:s23] =	ssyncset.done $0x0  }
0xa4: {  	s25 =	simm.s32 $0x1B8E;
	s24 =	sld [smem:$0x3FFE];
	[sflag:s23] =	ssyncadd.s32 $0xFFFFFFFF  }
0xa5: {  	s26 =	simm.s32 $execute0_lowered;
	[smem:$0x3FD2] =	sst s25  }
0xa6: {  	s4 =	sshll.u32 s26, $0x1;
	_ =	strace $0x80000046;
	[dreg:$0x1] =	wrdreg $0xFFFFFFFF  }
0xa7: {  	s28 =	simm.s32 $_size_execute0_lowered;
	s2 =	sadd.s32 s2, s4;
	[dreg:$0x0] =	wrdreg $0x0  }
0xa8: {  	s4 =	sshll.u32 s28, $0x1;
	[dreg:$0x2] =	wrdreg s2  }
0xa9: {  	[dreg:$0x3] =	wrdreg s4  }
0xaa: {  	[dreg:$0x4] =	wrdreg $0xC0  }
0xab: {  	_ =	task [dreg:s6], $0x5FFFF  }
0xac: {  	[dreg:$0x1] =	wrdreg $0xFFFFFFFF  }
0xad: {  	[dreg:$0x0] =	wrdreg $0x60  }
0xae: {  	[dreg:$0x2] =	wrdreg s24  }
0xaf: {  	[dreg:$0x3] =	wrdreg $0x8B800  }
0xb0: {  	[dreg:$0x4] =	wrdreg $0x9  }
0xb1: {  	_ =	task.clear_ibuf [dreg:s6], $0x5FFFF;
	_ =	strace $0x90000046  }
0xb2: {  	s29 =	simm.s32 $0x9;
	_ =	strace $0x80000048  }
0xb3: {  	_ =	swait.ge [sflag:s29], $0x1  }
0xb4: {  	[sflag:s29] =	ssyncadd.s32 $0xFFFFFFFF  }
0xb5: {  	_ =	strace $0x90000048  }
0xb6: {  	_ =	sfence  }
0xb7: {  	s30 =	sld [smem:$0x0];
	_ =	sdelay $0x2  }
0xb8: {  	s31 =	sshll.u32 s1, $0xD;
	s1 =	sshrl.u32 s1, $0x2  }
0xb9: {  	s3 =	sand.u32 $0x4000, s31;
	s1 =	sadd.s32 s1, s30  }
0xba: {  	s0 =	sor.u32 s3, s0;
	s1 =	sshll.u32 s1, $0x11  }
0xbb: {  	s0 =	sor.u32 s1, s0  }
0xbc: {  	s0 =	sadd.s32 $0x8F2B, s0  }
0xbd: {  	[sflag:s0] =	ssyncadd.remote.s32 $0x1  }
0xbe: {  	_ =	sfence.sel $0xFFFF  }
0xbf: {  	[dreg:$0x0] =	wrdreg $0xFFFFFFFF;
	(pc) =	sbr.abs _section_cstart, $3  }
0xc0: {  	[dreg:$0x1] =	wrdreg $0xFFFFFFFF  }
0xc1: {  	_ =	task.clear_ibuf [dreg:s6], $0x2FFFF;
	_ =	strace $0x9FFFFFFF  }
0xc2: {  	(tm) =	ssettm $0x7FFFFFFF  }
0xc3: {  	_ =	shalt  }
tec
execute0_lowered:
.L_overlay_start_1:
0x0: {  	(tag) =	ssettag $0x1  }
0x1: {  	s0 =	srdreg.scid;
	s4 =	rddreg [dreg:$0x0]  }
0x2: {  	s2 =	rddreg [dreg:$0x1];
	s1 =	stileid.u32  }
0x3: {  	s3 =	simm.s32 $0x0;
	s14 =	simm.s32 $0x2B80;
	s15 =	simm.s32 $0x0  }
0x4: {  	s5 =	sand.u32 $0x1, s0;
	s0 =	rddreg [dreg:$0x2];
	s8 =	smul.u32 $0xC00, s1  }
0x5: {  	[smem:$0x7FF] =	sst s3;
	s9 =	sadd.s32 $0xB400, s4;
	s10 =	smul.u32 $0x5000, s1  }
0x6: {  	s29 =	smul.u32 $0xA00, s1;
	s6 =	sshll.u32 s5, $0x4;
	s5 =	ssub.s32 $0x2, s5  }
0x7: {  	_ =	strace $0x80000047;
	s6 =	sor.u32 s1, s6;
	s28 =	sshrl.u32 s5, $0x1  }
0x8: {  	s8 =	sshrl.u32 s8, $0x2;
	s10 =	sshrl.u32 s10, $0x3;
	s7 =	smul.u32 $0xC00, s6  }
0x9: {  	s12 =	smul.u32 $0x600, s6;
	s13 =	ssub.s32 s5, s28;
	s30 =	sadd.s32 s9, s10  }
0xa: {  	s5 =	sadd.s32 s9, s29;
	s10 =	simm.s32 $0x2880;
	s6 =	sadd.s32 $0x500, s30  }
0xb: {  	s9 =	smax.u32 s13, $0x1;
	s13 =	simm.s32 $0x2800;
	s11 =	sadd.s32 s7, s4  }
0xc: {  	s4 =	sadd.s32 s8, s2;
	s31 =	sshrl.u32 s12, $0x2;
	s12 =	simm.s32 $0x80  }
0xd: {  	v0 =	vimm.f32 $1.000000000e+00;
	v1 =	vimm.f32 $0.0e+00;
	v2 =	vlaneseq.u32;
	s7 =	sadd.s32 s31, s2;
	s8 =	sadd.s32 $0x15400, s11;
	s11 =	simm.s32 $0x1  }
.LBB2_1:
0xe: {  	[tilespmem:$0x2800] =	vst v0  }
0xf: {  	[tilespmem:$0x2810] =	vst v0  }
0x10: {  	[tilespmem:$0x2820] =	vst v0  }
0x11: {  	[tilespmem:$0x2830] =	vst v0  }
0x12: {  	[tilespmem:$0x2840] =	vst v0  }
0x13: {  	[tilespmem:$0x2850] =	vst v0  }
0x14: {  	[tilespmem:$0x2860] =	vst v0  }
0x15: {  	[tilespmem:$0x2870] =	vst v0  }
0x16: {  	[tilespmem:$0x2880] =	vst v1  }
0x17: {  	[tilespmem:$0x2890] =	vst v1  }
0x18: {  	[tilespmem:$0x28A0] =	vst v1  }
0x19: {  	[tilespmem:$0x28B0] =	vst v1  }
0x1a: {  	[tilespmem:$0x28C0] =	vst v1  }
0x1b: {  	[tilespmem:$0x28D0] =	vst v1  }
0x1c: {  	[tilespmem:$0x28E0] =	vst v1  }
0x1d: {  	[tilespmem:$0x28F0] =	vst v1  }
0x1e: {  	[tilespmem:$0x2900] =	vst v1  }
0x1f: {  	[tilespmem:$0x2910] =	vst v1  }
0x20: {  	[tilespmem:$0x2920] =	vst v1  }
0x21: {  	[tilespmem:$0x2930] =	vst v1  }
0x22: {  	[tilespmem:$0x2940] =	vst v1  }
0x23: {  	[tilespmem:$0x2950] =	vst v1  }
0x24: {  	[tilespmem:$0x2960] =	vst v1  }
0x25: {  	[tilespmem:$0x2970] =	vst v1  }
0x26: {  	[tilespmem:$0x2980] =	vst v1  }
0x27: {  	[tilespmem:$0x2990] =	vst v1  }
0x28: {  	[tilespmem:$0x29A0] =	vst v1  }
0x29: {  	[tilespmem:$0x29B0] =	vst v1  }
0x2a: {  	[tilespmem:$0x29C0] =	vst v1  }
0x2b: {  	[tilespmem:$0x29D0] =	vst v1  }
0x2c: {  	[tilespmem:$0x29E0] =	vst v1  }
0x2d: {  	[tilespmem:$0x29F0] =	vst v1  }
0x2e: {  	[tilespmem:$0x2A00] =	vst v1  }
0x2f: {  	[tilespmem:$0x2A10] =	vst v1  }
0x30: {  	[tilespmem:$0x2A20] =	vst v1  }
0x31: {  	[tilespmem:$0x2A30] =	vst v1  }
0x32: {  	[tilespmem:$0x2A40] =	vst v1  }
0x33: {  	[tilespmem:$0x2A50] =	vst v1  }
0x34: {  	[tilespmem:$0x2A60] =	vst v1  }
0x35: {  	[tilespmem:$0x2A70] =	vst v1  }
0x36: {  	[tilespmem:$0x2A80] =	vst v1  }
0x37: {  	[tilespmem:$0x2A90] =	vst v1  }
0x38: {  	[tilespmem:$0x2AA0] =	vst v1  }
0x39: {  	[tilespmem:$0x2AB0] =	vst v1  }
0x3a: {  	[tilespmem:$0x2AC0] =	vst v1  }
0x3b: {  	[tilespmem:$0x2AD0] =	vst v1  }
0x3c: {  	[tilespmem:$0x2AE0] =	vst v1  }
0x3d: {  	[tilespmem:$0x2AF0] =	vst v1  }
0x3e: {  	[tilespmem:$0x2B00] =	vst v1  }
0x3f: {  	[tilespmem:$0x2B10] =	vst v1  }
0x40: {  	[tilespmem:$0x2B20] =	vst v1  }
0x41: {  	[tilespmem:$0x2B30] =	vst v1  }
0x42: {  	[tilespmem:$0x2B40] =	vst v1  }
0x43: {  	[tilespmem:$0x2B50] =	vst v1  }
0x44: {  	[tilespmem:$0x2B60] =	vst v1  }
0x45: {  	[tilespmem:$0x2B70] =	vst v1  }
0x46: {  	[spmem:s4] =	stream.linear.scatter [tilespmem:s10], [sflag:$0x1], $0x300, $0x38;
	[tilespmem:$0x8E80] =	vst v63  }
0x47: {  	_ =	swait.ge [sflag:s11], $0x300  }
0x48: {  	[sflag:s11] =	ssyncset.done $0x0  }
0x49: {  	[sflag:s11] =	ssyncadd.s32 $0xFFFFFD00  }
0x4a: {  	[bflag:$0x0] =	sbarrier.arrive $0xFFFF  }
0x4b: {  	[tilespmem:s3], [sflag:$0x1] =	stream.linear.gather [hbm4b:s5+s3], $0x2800, $0x38;
	[tilespmem:$0x8E80] =	vst v63  }
0x4c: {  	_ =	swait.ge [sflag:s11], $0x2800  }
0x4d: {  	[sflag:s11] =	ssyncset.done $0x0  }
0x4e: {  	s16 =	simm.s32 $0x0;
	[sflag:s11] =	ssyncadd.s32 $0xFFFFD800  }
0x4f: {  	[spmem:s2] =	stream.indirect.scatter.add.f32 [tilespmem:s13], [sflag:$0x1], $0x1, s16, s12, $0xb8;
	[tilespmem:$0x8E80] =	vst v63  }
0x50: {  	_ =	swait.ge [sflag:s11], $0x80  }
0x51: {  	s16 =	simm.s32 $0x200;
	[sflag:s11] =	ssyncset.done $0x0  }
.LBB2_2:
0x52: {  	s17 =	sshra.s32 s16, $0x2;
	[sflag:s11] =	ssyncadd.s32 $0xFFFFFF80;
	p0 =	sne.s32 s16, $0x9E00  }
0x53: {  	[spmem:s2] =	stream.indirect.scatter.add.f32 [tilespmem:s13], [sflag:$0x1], $0x1, s17, s12, $0xb8;
	[tilespmem:$0x8E80] =	vst v63  }
.Ltmp0:
0x54: {  	_ = 	snop;
	(pc) =	sbr.rel @p0 .LBB2_2-.Ltmp0, $4  }
0x55: {  	_ = 	snop  }
0x56: {  	s16 =	sadd.s32 $0x200, s16  }
0x57: {  	_ =	swait.ge [sflag:s11], $0x80  }
0x58: {  	[sflag:s11] =	ssyncset.done $0x0  }
0x59: {  	[sflag:s11] =	ssyncadd.s32 $0xFFFFFF80;
	s16 =	simm.s32 $0x0  }
0x5a: {  	[tilespmem:s16], [sflag:$0x1] =	stream.linear.gather [hbm4b:s6+s16], $0x2800, $0x38;
	[tilespmem:$0x8E80] =	vst v63  }
0x5b: {  	_ =	swait.ge [sflag:s11], $0x2800  }
0x5c: {  	[sflag:s11] =	ssyncset.done $0x0  }
0x5d: {  	s31 =	simm.s32 $0x0;
	[sflag:s11] =	ssyncadd.s32 $0xFFFFD800  }
0x5e: {  	[spmem:s2] =	stream.indirect.scatter.add.f32 [tilespmem:s13], [sflag:$0x1], $0x1, s31, s12, $0xb8;
	[tilespmem:$0x8E80] =	vst v63  }
0x5f: {  	_ =	swait.ge [sflag:s11], $0x80  }
0x60: {  	s16 =	simm.s32 $0x200;
	[sflag:s11] =	ssyncset.done $0x0  }
.LBB2_4:
0x61: {  	s17 =	sshra.s32 s16, $0x2;
	[sflag:s11] =	ssyncadd.s32 $0xFFFFFF80;
	p0 =	sne.s32 s16, $0x9E00  }
0x62: {  	[spmem:s2] =	stream.indirect.scatter.add.f32 [tilespmem:s13], [sflag:$0x1], $0x1, s17, s12, $0xb8;
	[tilespmem:$0x8E80] =	vst v63  }
.Ltmp1:
0x63: {  	_ = 	snop;
	(pc) =	sbr.rel @p0 .LBB2_4-.Ltmp1, $4  }
0x64: {  	_ = 	snop  }
0x65: {  	s16 =	sadd.s32 $0x200, s16  }
0x66: {  	_ =	swait.ge [sflag:s11], $0x80  }
0x67: {  	[sflag:s11] =	ssyncset.done $0x0  }
0x68: {  	[sflag:s11] =	ssyncadd.s32 $0xFFFFFF80  }
0x69: {  	[bflag:$0x0] =	sbarrier.arrive $0xFFFF  }
0x6a: {  	[tilespmem:s10], [sflag:$0x1] =	stream.linear.gather [spmem:s7], $0x180, $0x38;
	[tilespmem:$0x8E80] =	vst v63  }
0x6b: {  	_ =	swait.ge [sflag:s11], $0x180  }
0x6c: {  	[sflag:s11] =	ssyncset.done $0x0  }
0x6d: {  	[sflag:s11] =	ssyncadd.s32 $0xFFFFFE80  }
0x6e: {  	v3 =	vld [tilespmem:$0x2880];
	_ =	sdelay $0x4  }
0x6f: {  	v3 =	vadd.f32 $1.000000000e+00, v3;
	_ =	sdelay $0x1  }
0x70: {  	v4 =	vld [tilespmem:$0x2890];
	v5 =	vshra.s32 v3, $0x1;
	v3 =	vmul.f32 $5.000000000e-01, v3  }
0x71: {  	v5 =	vsub.s32 $0x5F3759DF, v5  }
0x72: {  	v6 =	vmul.f32 v5, v3  }
0x73: {  	v8 =	vld [tilespmem:$0x28A0]  }
0x74: {  	v24 =	vld [tilespmem:$0x28B0];
	v6 =	vmul.f32 v5, v6  }
0x75: {  	v14 =	vld [tilespmem:$0x28D0];
	v4 =	vadd.f32 $1.000000000e+00, v4  }
0x76: {  	v6 =	vsub.f32 $1.500000000e+00, v6  }
0x77: {  	v7 =	vshra.s32 v4, $0x1;
	v4 =	vmul.f32 $5.000000000e-01, v4  }
0x78: {  	v7 =	vsub.s32 $0x5F3759DF, v7;
	v5 =	vmul.f32 v5, v6  }
0x79: {  	v23 =	vadd.f32 $1.000000000e+00, v8;
	v9 =	vmul.f32 v7, v4  }
0x7a: {  	v8 =	vadd.f32 $1.000000000e+00, v24;
	v14 =	vadd.f32 $1.000000000e+00, v14;
	v10 =	vmul.f32 v5, v3  }
0x7b: {  	v11 =	vshra.s32 v23, $0x1;
	v9 =	vmul.f32 v7, v9;
	v6 =	vmul.f32 $5.000000000e-01, v23  }
0x7c: {  	v13 =	vshra.s32 v8, $0x1;
	v25 =	vsub.s32 $0x5F3759DF, v11;
	v10 =	vmul.f32 v10, v5  }
0x7d: {  	v8 =	vmul.f32 $5.000000000e-01, v8;
	v9 =	vsub.f32 $1.500000000e+00, v9;
	v11 =	vmul.f32 v25, v6  }
0x7e: {  	v22 =	vld [tilespmem:$0x2900];
	v15 =	vshra.s32 v14, $0x1;
	v14 =	vmul.f32 $5.000000000e-01, v14;
	v10 =	vsub.f32 $1.500000000e+00, v10  }
0x7f: {  	v52 =	vld [tilespmem:$0x2910];
	v27 =	vsub.s32 $0x5F3759DF, v13;
	v7 =	vmul.f32 v7, v9;
	v11 =	vmul.f32 v25, v11  }
0x80: {  	v15 =	vsub.s32 $0x5F3759DF, v15;
	v13 =	vmul.f32 v27, v8;
	v5 =	vmul.f32 v10, v5  }
0x81: {  	v31 =	vld [tilespmem:$0x28E0];
	v17 =	vmul.f32 v15, v14;
	v12 =	vmul.f32 v7, v4;
	v26 =	vsub.f32 $1.500000000e+00, v11  }
0x82: {  	v29 =	vld [tilespmem:$0x28C0];
	v28 =	vmul.f32 v27, v13;
	v3 =	vmul.f32 v5, v3  }
0x83: {  	v51 =	vadd.f32 $1.000000000e+00, v22;
	v12 =	vmul.f32 v12, v7;
	v9 =	vmul.f32 v25, v26  }
0x84: {  	v56 =	vadd.f32 $1.000000000e+00, v52;
	v10 =	vsub.f32 $1.500000000e+00, v28;
	v3 =	vmul.f32 v3, v5  }
0x85: {  	v17 =	vmul.f32 v15, v17;
	v12 =	vsub.f32 $1.500000000e+00, v12;
	v30 =	vmul.f32 v9, v6  }
0x86: {  	v11 =	vadd.f32 $1.000000000e+00, v31;
	v10 =	vmul.f32 v27, v10;
	v3 =	vsub.f32 $1.500000000e+00, v3  }
0x87: {  	v7 =	vmul.f32 v12, v7;
	v12 =	vadd.f32 $1.000000000e+00, v29;
	v13 =	vmul.f32 v30, v9  }
0x88: {  	v54 =	vld [tilespmem:$0x2920];
	v18 =	vshra.s32 v11, $0x1;
	v3 =	vmul.f32 v3, v5;
	v5 =	vmul.f32 v10, v8  }
0x89: {  	v11 =	vmul.f32 $5.000000000e-01, v11;
	v33 =	vsub.s32 $0x5F3759DF, v18;
	v13 =	vsub.f32 $1.500000000e+00, v13  }
0x8a: {  	v32 =	vshra.s32 v12, $0x1;
	v12 =	vmul.f32 $5.000000000e-01, v12;
	v5 =	vmul.f32 v5, v10  }
0x8b: {  	v18 =	vmul.f32 v33, v11;
	v9 =	vmul.f32 v13, v9;
	v13 =	vsub.s32 $0x5F3759DF, v32  }
0x8c: {  	v4 =	vmul.f32 v7, v4;
	v16 =	vmul.f32 v13, v12;
	v5 =	vsub.f32 $1.500000000e+00, v5  }
0x8d: {  	v59 =	vadd.f32 $1.000000000e+00, v54;
	v36 =	vmul.f32 v33, v18;
	v6 =	vmul.f32 v9, v6  }
0x8e: {  	v19 =	vld [tilespmem:$0x28F0];
	v53 =	vshra.s32 v51, $0x1;
	v10 =	vmul.f32 v5, v10;
	v5 =	vmul.f32 v13, v16  }
0x8f: {  	v63 =	vmul.f32 $5.000000000e-01, v59;
	v35 =	vsub.f32 $1.500000000e+00, v17;
	v4 =	vmul.f32 v4, v7  }
0x90: {  	v37 =	vsub.f32 $1.500000000e+00, v36;
	v6 =	vmul.f32 v6, v9;
	v5 =	vsub.f32 $1.500000000e+00, v5  }
0x91: {  	v4 =	vsub.f32 $1.500000000e+00, v4;
	v34 =	vmul.f32 v10, v8;
	v8 =	vmul.f32 v15, v35  }
0x92: {  	v62 =	vshra.s32 v59, $0x1;
	v15 =	vmul.f32 v33, v37;
	v13 =	vmul.f32 v13, v5  }
0x93: {  	v4 =	vmul.f32 v4, v7;
	v5 =	vadd.f32 $1.000000000e+00, v19;
	v7 =	vmul.f32 v34, v10  }
0x94: {  	v6 =	vsub.f32 $1.500000000e+00, v6;
	v20 =	vmul.f32 v15, v11;
	v38 =	vmul.f32 v13, v12  }
0x95: {  	v39 =	vshra.s32 v5, $0x1;
	v19 =	vmul.f32 $5.000000000e-01, v5;
	v5 =	vmul.f32 v8, v14  }
0x96: {  	v20 =	vmul.f32 v20, v15;
	v40 =	vsub.s32 $0x5F3759DF, v39;
	v17 =	vmul.f32 v38, v13  }
0x97: {  	v7 =	vsub.f32 $1.500000000e+00, v7;
	v18 =	vmul.f32 v40, v19;
	v5 =	vmul.f32 v5, v8  }
0x98: {  	v16 =	vmul.f32 $5.000000000e-01, v56;
	v44 =	vsub.f32 $1.500000000e+00, v20;
	v17 =	vsub.f32 $1.500000000e+00, v17  }
0x99: {  	v60 =	vld [tilespmem:$0x2930];
	v18 =	vmul.f32 v40, v18;
	v21 =	vsub.f32 $1.500000000e+00, v5;
	v5 =	vmul.f32 v6, v9  }
0x9a: {  	v28 =	vsub.s32 $0x5F3759DF, v62;
	v6 =	vmul.f32 v7, v10;
	v48 =	vmul.f32 v44, v15  }
0x9b: {  	v15 =	vmul.f32 $5.000000000e-01, v51;
	v41 =	vmul.f32 v17, v13;
	v42 =	vsub.f32 $1.500000000e+00, v18  }
0x9c: {  	v43 =	vmul.f32 v21, v8;
	v11 =	vmul.f32 v48, v11;
	v17 =	vsub.s32 $0x5F3759DF, v53  }
0x9d: {  	v34 =	vld [tilespmem:$0x2940];
	v21 =	vmul.f32 v28, v63;
	v55 =	vmul.f32 v17, v15  }
0x9e: {  	v30 =	vadd.f32 $1.000000000e+00, v60;
	v45 =	vmul.f32 v41, v12;
	v46 =	vmul.f32 v40, v42  }
0x9f: {  	v58 =	vshra.s32 v56, $0x1;
	v47 =	vmul.f32 v43, v14;
	v11 =	vmul.f32 v11, v48  }
0xa0: {  	v23 =	vshra.s32 v30, $0x1;
	v33 =	vmul.f32 v28, v21;
	v14 =	vmul.f32 $5.000000000e-01, v30  }
0xa1: {  	v24 =	vld [tilespmem:$0x2950];
	v36 =	vsub.s32 $0x5F3759DF, v23;
	v57 =	vmul.f32 v17, v55;
	v49 =	vmul.f32 v45, v41  }
0xa2: {  	v40 =	vadd.f32 $1.000000000e+00, v34;
	v50 =	vmul.f32 v46, v19;
	v13 =	vmul.f32 v47, v43  }
0xa3: {  	v11 =	vsub.f32 $1.500000000e+00, v11;
	v35 =	vsub.f32 $1.500000000e+00, v33;
	v37 =	vmul.f32 v36, v14  }
0xa4: {  	v18 =	vmul.f32 $5.000000000e-01, v40;
	v12 =	vsub.f32 $1.500000000e+00, v57;
	v10 =	vmul.f32 v50, v46  }
0xa5: {  	v8 =	vsub.f32 $1.500000000e+00, v49;
	v13 =	vsub.f32 $1.500000000e+00, v13;
	v9 =	vmul.f32 v11, v48  }
0xa6: {  	v39 =	vmul.f32 v36, v37;
	v49 =	vadd.f32 $1.000000000e+00, v24;
	v12 =	vmul.f32 v17, v12  }
0xa7: {  	v17 =	vmul.f32 v28, v35;
	v10 =	vsub.f32 $1.500000000e+00, v10;
	v8 =	vmul.f32 v8, v41  }
0xa8: {  	v50 =	vld [tilespmem:$0x2960];
	v7 =	vmul.f32 v13, v43;
	v13 =	vsub.s32 $0x5F3759DF, v58;
	v43 =	vshra.s32 v40, $0x1  }
0xa9: {  	v56 =	vld [tilespmem:$0x2970];
	v24 =	vshra.s32 v49, $0x1;
	v22 =	vmul.f32 $5.000000000e-01, v49;
	v61 =	vmul.f32 v13, v16  }
0xaa: {  	v29 =	vmul.f32 v12, v15;
	v42 =	vmul.f32 v17, v63;
	v23 =	vsub.s32 $0x5F3759DF, v43  }
0xab: {  	v24 =	vsub.s32 $0x5F3759DF, v24;
	v10 =	vmul.f32 v10, v46;
	v44 =	vmul.f32 v23, v18  }
0xac: {  	v53 =	vmul.f32 v24, v22;
	v20 =	vmul.f32 v13, v61  }
0xad: {  	v11 =	vmul.f32 v29, v12;
	v21 =	vmul.f32 v42, v17;
	v55 =	vadd.f32 $1.000000000e+00, v50  }
0xae: {  	v61 =	vadd.f32 $1.000000000e+00, v56;
	v19 =	vmul.f32 v10, v19;
	v32 =	vsub.f32 $1.500000000e+00, v20  }
0xaf: {  	v62 =	vld [tilespmem:$0x2990];
	v54 =	vmul.f32 v24, v53;
	v11 =	vsub.f32 $1.500000000e+00, v11;
	v45 =	vsub.f32 $1.500000000e+00, v21  }
0xb0: {  	v20 =	vmul.f32 v23, v44;
	v58 =	vshra.s32 v55, $0x1;
	v13 =	vmul.f32 v13, v32  }
0xb1: {  	v19 =	vmul.f32 v19, v10;
	v11 =	vmul.f32 v11, v12;
	v12 =	vsub.f32 $1.500000000e+00, v39  }
0xb2: {  	v17 =	vmul.f32 v45, v17;
	v20 =	vsub.f32 $1.500000000e+00, v20;
	v38 =	vmul.f32 v13, v16  }
0xb3: {  	v31 =	vsub.f32 $1.500000000e+00, v19;
	v12 =	vmul.f32 v36, v12;
	v15 =	vmul.f32 v11, v15  }
0xb4: {  	v48 =	vmul.f32 v17, v63;
	v20 =	vmul.f32 v23, v20;
	v23 =	vadd.f32 $1.000000000e+00, v62  }
0xb5: {  	v26 =	vshra.s32 v61, $0x1;
	v10 =	vmul.f32 v31, v10;
	v41 =	vmul.f32 v38, v13  }
0xb6: {  	v59 =	vld [tilespmem:$0x2980];
	v46 =	vmul.f32 v12, v14;
	v51 =	vmul.f32 v20, v18;
	v30 =	vshra.s32 v23, $0x1  }
0xb7: {  	v15 =	vmul.f32 v15, v11;
	v23 =	vmul.f32 $5.000000000e-01, v23;
	v30 =	vsub.s32 $0x5F3759DF, v30  }
0xb8: {  	v19 =	vsub.f32 $1.500000000e+00, v41;
	v47 =	vmul.f32 v46, v12;
	v25 =	vmul.f32 v51, v20  }
0xb9: {  	v21 =	vmul.f32 v48, v17;
	v15 =	vsub.f32 $1.500000000e+00, v15;
	v31 =	vmul.f32 v30, v23  }
0xba: {  	v13 =	vmul.f32 v19, v13;
	v19 =	vsub.f32 $1.500000000e+00, v47;
	v57 =	vsub.f32 $1.500000000e+00, v25  }
0xbb: {  	v11 =	vmul.f32 v15, v11;
	v15 =	vsub.f32 $1.500000000e+00, v54;
	v25 =	vadd.f32 $1.000000000e+00, v59  }
0xbc: {  	v60 =	vsub.s32 $0x5F3759DF, v58;
	v16 =	vmul.f32 v13, v16;
	v19 =	vmul.f32 v19, v12  }
0xbd: {  	v54 =	vld [tilespmem:$0x29E0];
	v15 =	vmul.f32 v24, v15;
	v28 =	vshra.s32 v25, $0x1;
	v25 =	vmul.f32 $5.000000000e-01, v25  }
0xbe: {  	v21 =	vsub.f32 $1.500000000e+00, v21;
	v16 =	vmul.f32 v16, v13;
	v14 =	vmul.f32 v19, v14  }
0xbf: {  	v35 =	vmul.f32 v30, v31;
	v63 =	vsub.s32 $0x5F3759DF, v28;
	v24 =	vmul.f32 v15, v22  }
0xc0: {  	v28 =	vmul.f32 v63, v25;
	v52 =	vsub.f32 $1.500000000e+00, v16;
	v14 =	vmul.f32 v14, v19  }
0xc1: {  	v37 =	vsub.f32 $1.500000000e+00, v35;
	v16 =	vmul.f32 $5.000000000e-01, v55;
	v24 =	vmul.f32 v24, v15  }
0xc2: {  	v31 =	vadd.f32 $1.000000000e+00, v54;
	v28 =	vmul.f32 v63, v28;
	v12 =	vmul.f32 v52, v13  }
0xc3: {  	v13 =	vmul.f32 v21, v17;
	v14 =	vsub.f32 $1.500000000e+00, v14;
	v17 =	vmul.f32 v57, v20  }
0xc4: {  	v35 =	vshra.s32 v31, $0x1;
	v31 =	vmul.f32 $5.000000000e-01, v31;
	v21 =	vmul.f32 v60, v16  }
0xc5: {  	v24 =	vsub.f32 $1.500000000e+00, v24;
	v14 =	vmul.f32 v14, v19;
	v18 =	vmul.f32 v17, v18  }
0xc6: {  	v40 =	vld [tilespmem:$0x29A0];
	v26 =	vsub.s32 $0x5F3759DF, v26;
	v21 =	vmul.f32 v60, v21;
	v19 =	vmul.f32 $5.000000000e-01, v61  }
0xc7: {  	v35 =	vsub.s32 $0x5F3759DF, v35;
	v15 =	vmul.f32 v24, v15;
	v24 =	vmul.f32 v30, v37  }
0xc8: {  	v37 =	vmul.f32 v35, v31;
	v27 =	vmul.f32 v26, v19  }
0xc9: {  	v21 =	vsub.f32 $1.500000000e+00, v21;
	v18 =	vmul.f32 v18, v17;
	v22 =	vmul.f32 v15, v22  }
0xca: {  	v33 =	vsub.f32 $1.500000000e+00, v28;
	v42 =	vmul.f32 v24, v23;
	v37 =	vmul.f32 v35, v37  }
0xcb: {  	v45 =	vadd.f32 $1.000000000e+00, v40;
	v46 =	vld [tilespmem:$0x29B0];
	v20 =	vmul.f32 v60, v21;
	v27 =	vmul.f32 v26, v27  }
0xcc: {  	v52 =	vld [tilespmem:$0x29D0];
	v21 =	vmul.f32 v63, v33;
	v18 =	vsub.f32 $1.500000000e+00, v18;
	v22 =	vmul.f32 v22, v15  }
0xcd: {  	v47 =	vshra.s32 v45, $0x1;
	v44 =	vmul.f32 v42, v24;
	v29 =	vmul.f32 v20, v16  }
0xce: {  	v27 =	vsub.f32 $1.500000000e+00, v27;
	v39 =	vmul.f32 v21, v25;
	v17 =	vmul.f32 v18, v17  }
0xcf: {  	v49 =	vld [tilespmem:$0x29C0];
	v41 =	vsub.f32 $1.500000000e+00, v22;
	v18 =	vsub.f32 $1.500000000e+00, v44;
	v22 =	vmul.f32 $5.000000000e-01, v45  }
0xd0: {  	v51 =	vadd.f32 $1.000000000e+00, v46;
	v29 =	vmul.f32 v29, v20;
	v26 =	vmul.f32 v26, v27  }
0xd1: {  	v60 =	vadd.f32 $1.000000000e+00, v52;
	v28 =	vmul.f32 v39, v21;
	v18 =	vmul.f32 v18, v24  }
0xd2: {  	v15 =	vmul.f32 v41, v15;
	v39 =	vsub.f32 $1.500000000e+00, v37;
	v34 =	vsub.f32 $1.500000000e+00, v29  }
0xd3: {  	v36 =	vmul.f32 v26, v19;
	v43 =	vsub.f32 $1.500000000e+00, v28;
	v23 =	vmul.f32 v18, v23  }
0xd4: {  	[tilespmem:$0x28A0] =	vst v5;
	v29 =	vadd.f32 $1.000000000e+00, v49;
	v5 =	vmul.f32 v35, v39;
	v20 =	vmul.f32 v34, v20  }
0xd5: {  	v33 =	vshra.s32 v60, $0x1;
	v38 =	vmul.f32 v36, v26;
	v21 =	vmul.f32 v43, v21  }
0xd6: {  	v23 =	vmul.f32 v23, v18;
	v58 =	vshra.s32 v29, $0x1;
	v29 =	vmul.f32 $5.000000000e-01, v29  }
0xd7: {  	v45 =	vmul.f32 v5, v31;
	v59 =	vsub.s32 $0x5F3759DF, v58;
	v27 =	vsub.f32 $1.500000000e+00, v38  }
0xd8: {  	v33 =	vsub.s32 $0x5F3759DF, v33;
	v16 =	vmul.f32 v20, v16;
	v32 =	vmul.f32 v59, v29  }
0xd9: {  	v25 =	vmul.f32 v21, v25;
	v26 =	vmul.f32 v27, v26;
	v27 =	vsub.s32 $0x5F3759DF, v47  }
0xda: {  	v28 =	vshra.s32 v51, $0x1;
	v32 =	vmul.f32 v59, v32;
	v48 =	vmul.f32 v27, v22  }
0xdb: {  	v57 =	vld [tilespmem:$0x29F0];
	v28 =	vsub.s32 $0x5F3759DF, v28;
	v49 =	vmul.f32 v45, v5;
	v19 =	vmul.f32 v26, v19  }
0xdc: {  	v50 =	vmul.f32 v25, v21;
	v32 =	vsub.f32 $1.500000000e+00, v32;
	v24 =	vmul.f32 v27, v48  }
0xdd: {  	v55 =	vsub.f32 $1.500000000e+00, v23;
	v25 =	vmul.f32 $5.000000000e-01, v51;
	v19 =	vmul.f32 v19, v26  }
0xde: {  	[tilespmem:$0x2880] =	vst v3;
	v16 =	vmul.f32 v16, v20;
	v3 =	vmul.f32 v59, v32;
	v24 =	vsub.f32 $1.500000000e+00, v24  }
0xdf: {  	v18 =	vmul.f32 v55, v18;
	v53 =	vmul.f32 v28, v25;
	v19 =	vsub.f32 $1.500000000e+00, v19  }
0xe0: {  	v41 =	vmul.f32 v3, v29;
	v56 =	vmul.f32 v27, v24;
	v24 =	vadd.f32 $1.000000000e+00, v57  }
0xe1: {  	v16 =	vsub.f32 $1.500000000e+00, v16;
	v27 =	vmul.f32 $5.000000000e-01, v60;
	v19 =	vmul.f32 v19, v26  }
0xe2: {  	v26 =	vmul.f32 v28, v53;
	v36 =	vshra.s32 v24, $0x1;
	v24 =	vmul.f32 $5.000000000e-01, v24  }
0xe3: {  	v16 =	vmul.f32 v16, v20;
	v34 =	vmul.f32 v33, v27;
	v36 =	vsub.s32 $0x5F3759DF, v36  }
0xe4: {  	v44 =	vmul.f32 v41, v3;
	v26 =	vsub.f32 $1.500000000e+00, v26;
	v62 =	vmul.f32 v36, v24  }
0xe5: {  	v51 =	vsub.f32 $1.500000000e+00, v49;
	v61 =	vmul.f32 v56, v22;
	v34 =	vmul.f32 v33, v34  }
0xe6: {  	[tilespmem:$0x2890] =	vst v4;
	v20 =	vsub.f32 $1.500000000e+00, v50;
	v26 =	vmul.f32 v28, v26;
	v28 =	vmul.f32 v36, v62  }
0xe7: {  	[tilespmem:$0x28C0] =	vst v8;
	v8 =	vsub.f32 $1.500000000e+00, v44;
	v4 =	vmul.f32 v61, v56;
	v34 =	vsub.f32 $1.500000000e+00, v34  }
0xe8: {  	v5 =	vmul.f32 v51, v5;
	v20 =	vmul.f32 v20, v21;
	v28 =	vsub.f32 $1.500000000e+00, v28  }
0xe9: {  	[tilespmem:$0x28B0] =	vst v6;
	v3 =	vmul.f32 v8, v3;
	v4 =	vsub.f32 $1.500000000e+00, v4;
	v63 =	vmul.f32 v33, v34  }
0xea: {  	[tilespmem:$0x28E0] =	vst v9;
	v38 =	vmul.f32 v26, v25;
	v42 =	vmul.f32 v36, v28  }
0xeb: {  	[tilespmem:$0x28D0] =	vst v7;
	v4 =	vmul.f32 v4, v56;
	v43 =	vmul.f32 v63, v27  }
0xec: {  	[tilespmem:$0x28F0] =	vst v10;
	v40 =	vmul.f32 v38, v26;
	v47 =	vmul.f32 v42, v24  }
0xed: {  	[tilespmem:$0x2900] =	vst v11;
	v53 =	vmul.f32 v4, v22;
	v46 =	vmul.f32 v43, v63  }
0xee: {  	[tilespmem:$0x2910] =	vst v12;
	v57 =	vmul.f32 v5, v31;
	v48 =	vsub.f32 $1.500000000e+00, v40;
	v50 =	vmul.f32 v47, v42  }
0xef: {  	[tilespmem:$0x2920] =	vst v13;
	v55 =	vmul.f32 v3, v29;
	v10 =	vmul.f32 v53, v4;
	v7 =	vsub.f32 $1.500000000e+00, v46  }
0xf0: {  	[tilespmem:$0x2930] =	vst v14;
	v60 =	vmul.f32 v57, v5;
	v9 =	vmul.f32 v48, v26;
	v52 =	vsub.f32 $1.500000000e+00, v50  }
0xf1: {  	[tilespmem:$0x2940] =	vst v17;
	v11 =	vmul.f32 v55, v3;
	v10 =	vsub.f32 $1.500000000e+00, v10;
	v7 =	vmul.f32 v7, v63  }
0xf2: {  	[tilespmem:$0x2950] =	vst v15;
	v54 =	vmul.f32 v9, v25;
	v6 =	vmul.f32 v52, v42  }
0xf3: {  	[tilespmem:$0x2990] =	vst v18;
	v59 =	vsub.f32 $1.500000000e+00, v11;
	v4 =	vmul.f32 v10, v4;
	v56 =	vmul.f32 v7, v27  }
0xf4: {  	[tilespmem:$0x2960] =	vst v16;
	v8 =	vmul.f32 v54, v9;
	v58 =	vmul.f32 v6, v24  }
0xf5: {  	v3 =	vmul.f32 v59, v3;
	[tilespmem:$0x29A0] =	vst v4;
	v4 =	vsub.f32 $1.500000000e+00, v60;
	v12 =	vmul.f32 v56, v7  }
0xf6: {  	[tilespmem:$0x2980] =	vst v20;
	v8 =	vsub.f32 $1.500000000e+00, v8;
	v62 =	vmul.f32 v58, v6  }
0xf7: {  	[tilespmem:$0x29C0] =	vst v3;
	v3 =	vmul.f32 v4, v5;
	v61 =	vsub.f32 $1.500000000e+00, v12  }
0xf8: {  	[tilespmem:$0x2970] =	vst v19;
	v8 =	vmul.f32 v8, v9;
	v63 =	vsub.f32 $1.500000000e+00, v62  }
0xf9: {  	[tilespmem:$0x29E0] =	vst v3;
	v7 =	vmul.f32 v61, v7  }
0xfa: {  	s16 =	simm.s32 $0x0;
	[tilespmem:$0x29B0] =	vst v8;
	v4 =	vmul.f32 v63, v6  }
0xfb: {  	s17 =	sand.u32 $0x7C0, s16;
	[tilespmem:$0x29D0] =	vst v7  }
0xfc: {  	s17 =	sshrl.u32 s17, $0x2;
	[tilespmem:$0x29F0] =	vst v4  }
0xfd: {  	v3 =	vld [tilespmem:s17+$0x2880];
	_ =	sdelay $0x1  }
0xfe: {  	s16 =	sand.u32 $0xF, s16  }
0xff: {  	v4 =	vmov s16  }
0x100: {  	vm0 =	veq.s32 v4, v2  }
0x101: {  	v3 =	vnsel vm0, $0x0, v3  }
0x102: {  	(xrf2) =	vadd.scan.msk.f32 $0xffff, v3;
	_ =	sdelay $0x9  }
0x103: {  	v3, _, _ =	vpop (xrf2)  }
0x104: {  	v3 =	vadd.f32 $0.0e+00, v3;
	_ =	sdelay $0x1  }
0x105: {  	v3 =	vbroadcast v3, $0xF  }
0x106: {  	s16 =	simm.s32 $0x2BA0  }
0x107: {  	[tilespmem:s16+$0xFFFFFFE0] =	vst v3  }
0x108: {  	s18 =	simm.s32 $0x4;
	[tilespmem:s16+$0xFFFFFFF0] =	vst v3  }
0x109: {  	s19 =	simm.s32 $0x2;
	s20 =	sand.u32 $0x7C0, s18;
	s17 =	simm.s32 $0x1;
	[tilespmem:s16+$0x0] =	vst v3  }
.LBB2_6:
0x10a: {  	p0 =	sne.s32 s19, $0x17F;
	s20 =	sshrl.u32 s20, $0x2;
	[tilespmem:s16+$0x10] =	vst v3  }
0x10b: {  	v3 =	vld [tilespmem:s20+$0x2880];
	_ =	sdelay $0x1  }
0x10c: {  	s20 =	sand.u32 $0xF, s17;
	s17 =	smov.u32 s19  }
0x10d: {  	v4 =	vmov s20  }
0x10e: {  	vm0 =	veq.s32 v4, v2  }
0x10f: {  	v3 =	vnsel vm0, $0x0, v3  }
0x110: {  	(xrf2) =	vadd.scan.msk.f32 $0xffff, v3;
	_ =	sdelay $0x9  }
0x111: {  	v3, _, _ =	vpop (xrf2)  }
0x112: {  	v3 =	vadd.f32 $0.0e+00, v3;
	_ =	sdelay $0x1  }
.Ltmp2:
0x113: {  	v3 =	vbroadcast v3, $0xF;
	(pc) =	sbr.rel @p0 .LBB2_6-.Ltmp2, $4  }
0x114: {  	s16 =	sadd.s32 $0x40, s16  }
0x115: {  	[tilespmem:s16+$0xFFFFFFE0] =	vst v3  }
0x116: {  	s18 =	sadd.s32 $0x4, s18;
	[tilespmem:s16+$0xFFFFFFF0] =	vst v3  }
0x117: {  	s19 =	sadd.s32 $0x1, s19;
	s20 =	sand.u32 $0x7C0, s18;
	[tilespmem:s16+$0x0] =	vst v3  }
0x118: {  	s18 =	sshrl.u32 s20, $0x2;
	[tilespmem:s16+$0x10] =	vst v3  }
0x119: {  	v3 =	vld [tilespmem:s18+$0x2880];
	_ =	sdelay $0x1  }
0x11a: {  	s17 =	sand.u32 $0xF, s17  }
0x11b: {  	v4 =	vmov s17  }
0x11c: {  	vm0 =	veq.s32 v4, v2  }
0x11d: {  	v3 =	vnsel vm0, $0x0, v3  }
0x11e: {  	(xrf2) =	vadd.scan.msk.f32 $0xffff, v3;
	_ =	sdelay $0x9  }
0x11f: {  	v3, _, _ =	vpop (xrf2)  }
0x120: {  	v3 =	vadd.f32 $0.0e+00, v3;
	_ =	sdelay $0x1  }
0x121: {  	v3 =	vbroadcast v3, $0xF  }
0x122: {  	s31 =	sadd.s32 $0x40, s16  }
0x123: {  	[tilespmem:s31+$0xFFFFFFE0] =	vst v3  }
0x124: {  	s15 =	sadd.s32 $0x1, s15;
	[tilespmem:s31+$0xFFFFFFF0] =	vst v3  }
0x125: {  	p0 =	sne.s32 s15, s9;
	[tilespmem:s31+$0x0] =	vst v3  }
.Ltmp3:
0x126: {  	[tilespmem:s31+$0x10] =	vst v3;
	(pc) =	sbr.rel @p0 .LBB2_1-.Ltmp3, $4  }
0x127: {  	[hbm4b:s8+s3] =	stream.linear.scatter [tilespmem:s14], [sflag:$0x1], $0x6000, $0x38;
	[tilespmem:$0x8E80] =	vst v63  }
0x128: {  	_ =	swait.ge [sflag:s11], $0x6000  }
0x129: {  	[sflag:s11] =	ssyncset.done $0x0  }
0x12a: {  	[sflag:s11] =	ssyncadd.s32 $0xFFFFA000  }
0x12b: {  	_ =	sfence.sel $0x180000  }
0x12c: {  	[bflag:$0x0] =	sbarrier.arrive $0xFFFF  }
0x12d: {  	p0 =	sne.s32 s1, $0x0;
	_ =	strace $0x90000047  }
0x12e: {  	s0 =	sadd.s32 @!p0 $0x100000, s0;
	[bflag:$0x2] =	sbarrier.arrive $0xFFFF  }
0x12f: {  	[sflag:s0] =	ssyncadd.tile.s32 @!p0 $0x1;
	_ =	shalt  }
.Lfunc_end2:
_tile_overlayer_lowered:
.L_overlay_start_2:
0x130: {  	(tag) =	ssettag $0x2  }
0x131: {  	s0 =	rddreg [dreg:$0x0];
	s2 =	stileid.u32  }
0x132: {  	s1 =	rddreg [dreg:$0x1];
	p0 =	sne.s32 s2, $0x0  }
0x133: {  	s3 =	rddreg [dreg:$0x2];
	[bflag:$0x3] =	sbarrier.arrive $0xFFFF;
	s2 =	simm.s32 @!p0 $0x1C01  }
0x134: {  	[timem:s3], [sflag:s2] =	dma.local @!p0 [hbm:s0], s1  }
0x135: {  	s0 =	simm.s32 @!p0 $0x1  }
0x136: {  	_ =	swait.ge @!p0 [sflag:s0], s1  }
0x137: {  	s1 =	ssub.s32 @!p0 $0x0, s1;
	[sflag:s0] =	ssyncset.done @!p0 $0x0  }
0x138: {  	[sflag:s0] =	ssyncadd.s32 @!p0 s1  }
0x139: {  	[bflag:$0x3] =	sbarrier.arrive $0xFFFF  }
0x13a: {  	_ =	shalt  }

</sc_bundles>
